<compile_context>
chip_gen: v7x
topology: tpu7x:2x2x1
jax: 0.10.2.dev20260603
libtpu: 0.0.44.dev20260713+nightly
codegen_flags: <defaults>
</compile_context>

<pallas_src>
import functools

import jax
import jax.numpy as jnp
from jax import lax
from jax.experimental import pallas as pl
from jax.experimental.pallas import tpu as pltpu
from jax.experimental.pallas import tpu_sc as plsc

H = 1024
E = 8
TOPK = 2
I = 1408
ISH = 5632

M = 2048
A = M * TOPK
T = 640
NT = 15
NP = NT * T
BJ = 512
NJ = ISH // BJ

NW = 32
L = 16
SCH = A // L
XC = 32
YC = 32

_NEG = -1e30


def _sigmoid(x):
    return 1.0 / (1.0 + jnp.exp(-x))


def _wid():
    return lax.axis_index("s") * 2 + lax.axis_index("c")


def _router_body(x_ref, gw_ref, sgw_ref, i1_ref, i2_ref, w1_ref, w2_ref,
                 sig_ref):
    x = x_ref[...]
    gw = gw_ref[...]
    logits = lax.dot_general(x, gw, (((1,), (1,)), ((), ())),
                             preferred_element_type=jnp.float32)
    m = jnp.max(logits, axis=1, keepdims=True)
    ex = jnp.exp(logits - m)
    p = ex / jnp.sum(ex, axis=1, keepdims=True)
    iota = lax.broadcasted_iota(jnp.int32, p.shape, 1)
    m1 = jnp.max(p, axis=1, keepdims=True)
    i1 = jnp.min(jnp.where(p == m1, iota, E), axis=1, keepdims=True)
    pm = jnp.where(iota == i1, _NEG, p)
    m2 = jnp.max(pm, axis=1, keepdims=True)
    i2 = jnp.min(jnp.where(pm == m2, iota, E), axis=1, keepdims=True)
    i1_ref[...] = i1
    i2_ref[...] = i2
    w1_ref[...] = m1
    w2_ref[...] = m2
    sgw = sgw_ref[...]
    sg = lax.dot_general(x, sgw, (((1,), (1,)), ((), ())),
                         preferred_element_type=jnp.float32)
    sig_ref[...] = _sigmoid(sg)


def _dispatch_body(ids_hbm, xb_hbm, poslin_hbm, te_hbm, xperm_hbm,
                   ids_v, pos_v, te_v, sbuf_v, shpos_v,
                   idx0_v, idx1_v, rows0_v, rows1_v, ls0, ls1, ss0, ss1):
    sid = lax.axis_index("s")
    cid = lax.axis_index("c")

    @pl.when(sid == 0)
    def _():
        pltpu.sync_copy(ids_hbm, ids_v)
        lane = lax.broadcasted_iota(jnp.int32, (L,), 0)
        zero16 = jnp.zeros((L,), jnp.int32)

        def cnt(s, cs):
            v = ids_v[pl.ds(s * L, L)]
            return tuple(c + jnp.where(v == e, 1, 0)
                         for e, c in enumerate(cs))

        cs = lax.fori_loop(0, SCH, cnt, (zero16,) * E)

        sbuf_v[pl.ds(0, L)] = zero16
        po = jnp.int32(0)
        bases = []
        incls = []
        for e in range(E):
            sbuf_v[pl.ds(L, L)] = cs[e]
            pref = zero16
            for k in range(1, L):
                pref = pref + sbuf_v[pl.ds(L - k, L)]
            tot = (pref + cs[e])[L - 1]
            bases.append(pref + po)
            po = po + ((tot + T - 1) // T) * T
            incls.append(po)
        for b in range(2):
            tstart = (lane + L * b) * T
            te = zero16
            for e in range(E):
                te = te + jnp.where(incls[e] <= tstart, 1, 0)
            te_v[pl.ds(L * b, L)] = te

        def place(s, curs):
            v = ids_v[pl.ds(s * L, L)]
            pos = zero16
            out = []
            for e in range(E):
                msk = v == e
                pos = jnp.where(msk, curs[e], pos)
                out.append(curs[e] + jnp.where(msk, 1, 0))
            pos_v[pl.ds(s * L, L)] = pos
            return tuple(out)

        lax.fori_loop(0, SCH, place, tuple(bases))
        pltpu.sync_copy(pos_v, shpos_v)

        @pl.when(cid == 0)
        def _():
            pltpu.sync_copy(pos_v, poslin_hbm)
            pltpu.sync_copy(te_v, te_hbm)

    plsc.subcore_barrier()

    w = _wid()
    tw = jnp.where(w >= L, w - L, w)
    nc = 128 // XC
    idxs = (idx0_v, idx1_v)
    bufs = (rows0_v, rows1_v)
    lsems = (ls0, ls1)
    ssems = (ss0, ss1)
    loads = [None, None]
    scats = [None, None]
    pltpu.sync_copy(shpos_v.at[pl.ds(w * 128, XC)], idx0_v)
    loads[0] = pltpu.async_copy(xb_hbm.at[pl.ds(tw * 128, XC)], rows0_v, ls0)
    for c in range(nc):
        b = c % 2
        nb = (c + 1) % 2
        if c + 1 < nc:
            if scats[nb] is not None:
                scats[nb].wait()
            pltpu.sync_copy(
                shpos_v.at[pl.ds(w * 128 + (c + 1) * XC, XC)], idxs[nb])
            loads[nb] = pltpu.async_copy(
                xb_hbm.at[pl.ds(tw * 128 + (c + 1) * XC, XC)],
                bufs[nb], lsems[nb])
        loads[b].wait()
        scats[b] = pltpu.async_copy(bufs[b], xperm_hbm.at[idxs[b]],
                                    ssems[b])
    scats[0].wait()
    scats[1].wait()


def _grouped_body(te_ref, x_ref, w13g_ref, w13u_ref, w2_ref, out_ref):
    t = pl.program_id(0)

    @pl.when(te_ref[t] < E)
    def _():
        xb = x_ref[...].astype(jnp.bfloat16)
        wg = w13g_ref[0].astype(jnp.bfloat16)
        wu = w13u_ref[0].astype(jnp.bfloat16)
        g = lax.dot_general(xb, wg, (((1,), (1,)), ((), ())),
                            preferred_element_type=jnp.float32)
        u = lax.dot_general(xb, wu, (((1,), (1,)), ((), ())),
                            preferred_element_type=jnp.float32)
        h = (g * _sigmoid(g) * u).astype(jnp.bfloat16)
        w2 = w2_ref[0].astype(jnp.bfloat16)
        out_ref[...] = lax.dot_general(h, w2, (((1,), (1,)), ((), ())),
                                       preferred_element_type=jnp.float32)


def _ygather_body(yw_hbm, pos_hbm, y1_hbm, y2_hbm, idx1_v, idx2_v,
                  rows0_v, rows1_v, sem1, sem2):
    w = _wid()
    nc = 64 // YC
    pltpu.sync_copy(pos_hbm.at[pl.ds(w * 64, 64)], idx1_v)
    pltpu.sync_copy(pos_hbm.at[pl.ds(M + w * 64, 64)], idx2_v)
    for c in range(nc):
        tbase = w * 64 + c * YC
        g1 = pltpu.async_copy(yw_hbm.at[idx1_v.at[pl.ds(c * YC, YC)]],
                              rows0_v, sem1)
        g2 = pltpu.async_copy(yw_hbm.at[idx2_v.at[pl.ds(c * YC, YC)]],
                              rows1_v, sem2)
        g1.wait()
        pltpu.sync_copy(rows0_v, y1_hbm.at[pl.ds(tbase, YC)])
        g2.wait()
        pltpu.sync_copy(rows1_v, y2_hbm.at[pl.ds(tbase, YC)])


def _final_body(sh_ref, sig_ref, y1_ref, y2_ref, w1_ref, w2_ref, out_ref):
    out_ref[...] = (sh_ref[...] * sig_ref[...]
                    + w1_ref[...] * y1_ref[...] + w2_ref[...] * y2_ref[...])


def _shared_body(xb_ref, wg_ref, wu_ref, wd_ref, out_ref):
    xb = xb_ref[...]
    wg = wg_ref[...].astype(jnp.bfloat16)
    wu = wu_ref[...].astype(jnp.bfloat16)
    g = lax.dot_general(xb, wg, (((1,), (1,)), ((), ())),
                        preferred_element_type=jnp.float32)
    u = lax.dot_general(xb, wu, (((1,), (1,)), ((), ())),
                        preferred_element_type=jnp.float32)
    h = (g * _sigmoid(g) * u).astype(jnp.bfloat16)
    wd = wd_ref[...].astype(jnp.bfloat16)
    y = lax.dot_general(h, wd, (((1,), (1,)), ((), ())),
                        preferred_element_type=jnp.float32)
    j = pl.program_id(0)

    @pl.when(j == 0)
    def _():
        out_ref[...] = y

    @pl.when(j > 0)
    def _():
        out_ref[...] += y


@functools.partial(jax.jit, static_argnames=("interpret",))
def _run(x32, gate_w, shared_expert_gate_w, shared_gate_up_w, shared_down_w,
         w13_stacked, w2_stacked, interpret=False):
    xb = x32.astype(jnp.bfloat16)

    i1, i2, w1, w2c, sig = pl.pallas_call(
        _router_body,
        out_shape=(jax.ShapeDtypeStruct((M, 1), jnp.int32),
                   jax.ShapeDtypeStruct((M, 1), jnp.int32),
                   jax.ShapeDtypeStruct((M, 1), jnp.float32),
                   jax.ShapeDtypeStruct((M, 1), jnp.float32),
                   jax.ShapeDtypeStruct((M, 1), jnp.float32)),
        interpret=interpret,
    )(x32, gate_w, shared_expert_gate_w)

    ids_km = jnp.concatenate([i1, i2], axis=0).reshape(A)

    sc_mesh = plsc.VectorSubcoreMesh(core_axis_name="c", subcore_axis_name="s")

    poslin, te, xperm = pl.kernel(
        _dispatch_body,
        out_type=(jax.ShapeDtypeStruct((A,), jnp.int32),
                  jax.ShapeDtypeStruct((NW,), jnp.int32),
                  jax.ShapeDtypeStruct((NP, H), jnp.float32)),
        mesh=sc_mesh,
        scratch_types=[pltpu.VMEM((A,), jnp.int32),
                       pltpu.VMEM((A,), jnp.int32),
                       pltpu.VMEM((NW,), jnp.int32),
                       pltpu.VMEM((2 * L,), jnp.int32),
                       pltpu.VMEM_SHARED((A,), jnp.int32),
                       pltpu.VMEM((XC,), jnp.int32),
                       pltpu.VMEM((XC,), jnp.int32),
                       pltpu.VMEM((XC, H), jnp.float32),
                       pltpu.VMEM((XC, H), jnp.float32),
                       pltpu.SemaphoreType.DMA,
                       pltpu.SemaphoreType.DMA,
                       pltpu.SemaphoreType.DMA,
                       pltpu.SemaphoreType.DMA],
    )(ids_km, x32)

    yw = pl.pallas_call(
        _grouped_body,
        grid_spec=pltpu.PrefetchScalarGridSpec(
            num_scalar_prefetch=1,
            grid=(NT,),
            in_specs=[
                pl.BlockSpec((T, H), lambda t, te_r: (t, 0)),
                pl.BlockSpec((1, I, H),
                             lambda t, te_r: (jnp.minimum(te_r[t], E - 1),
                                              0, 0)),
                pl.BlockSpec((1, I, H),
                             lambda t, te_r: (jnp.minimum(te_r[t], E - 1),
                                              1, 0)),
                pl.BlockSpec((1, H, I),
                             lambda t, te_r: (jnp.minimum(te_r[t], E - 1),
                                              0, 0)),
            ],
            out_specs=pl.BlockSpec((T, H), lambda t, te_r: (t, 0)),
        ),
        out_shape=jax.ShapeDtypeStruct((NP, H), jnp.float32),
        compiler_params=pltpu.CompilerParams(
            vmem_limit_bytes=63 * 1024 * 1024),
        interpret=interpret,
    )(te, xperm, w13_stacked, w13_stacked, w2_stacked)

    y1, y2 = pl.kernel(
        _ygather_body,
        out_type=(jax.ShapeDtypeStruct((M, H), jnp.float32),
                  jax.ShapeDtypeStruct((M, H), jnp.float32)),
        mesh=sc_mesh,
        scratch_types=[pltpu.VMEM((64,), jnp.int32),
                       pltpu.VMEM((64,), jnp.int32),
                       pltpu.VMEM((YC, H), jnp.float32),
                       pltpu.VMEM((YC, H), jnp.float32),
                       pltpu.SemaphoreType.DMA,
                       pltpu.SemaphoreType.DMA],
    )(yw, poslin)

    sh = pl.pallas_call(
        _shared_body,
        grid=(NJ,),
        in_specs=[
            pl.BlockSpec((M, H), lambda j: (0, 0)),
            pl.BlockSpec((BJ, H), lambda j: (j, 0)),
            pl.BlockSpec((BJ, H), lambda j: (j + NJ, 0)),
            pl.BlockSpec((H, BJ), lambda j: (0, j)),
        ],
        out_specs=pl.BlockSpec((M, H), lambda j: (0, 0)),
        out_shape=jax.ShapeDtypeStruct((M, H), jnp.float32),
        interpret=interpret,
    )(xb, shared_gate_up_w, shared_gate_up_w, shared_down_w)

    out = pl.pallas_call(
        _final_body,
        out_shape=jax.ShapeDtypeStruct((M, H), jnp.float32),
        interpret=interpret,
    )(sh, sig, y1, y2, w1, w2c)
    return out


def kernel(hidden_states, gate_w, shared_expert_gate_w, shared_gate_up_w,
           shared_down_w, w13_stacked, w2_stacked):
    orig_shape = hidden_states.shape
    x32 = hidden_states.reshape(-1, H).astype(jnp.float32)
    out = _run(x32, gate_w, shared_expert_gate_w, shared_gate_up_w,
               shared_down_w, w13_stacked, w2_stacked)
    return out.astype(hidden_states.dtype).reshape(orig_shape)

# --- scband reference (transcript-rebuilt; emitter-appended) ---
"""Pipeline reference for scband-qwen2-moe-sparse-moe-block-12378095747250 (READ-ONLY COPY).

The authoritative reference and input builder live on the scoring server;
editing this copy changes nothing except your own understanding.
"""

import jax, jax.numpy as jnp
import numpy as np

H = 1024      # hidden_size
E = 8         # num_experts
TOPK = 2      # num_experts_per_tok
I = 1408      # moe_intermediate_size
ISH = 5632    # shared_expert_intermediate_size
B, S = 1, 2048


def setup_inputs(seed: int = 0) -> dict:
    key = jax.random.key(seed)
    ks = jax.random.split(key, 7)
    hidden_states = jax.random.normal(ks[0], (B, S, H), dtype=jnp.float32)
    gate_w = jax.random.normal(ks[1], (E, H), dtype=jnp.float32) * 0.02
    shared_expert_gate_w = jax.random.normal(ks[2], (1, H), dtype=jnp.float32) * 0.02
    shared_gate_up_w = jax.random.normal(ks[3], (2 * ISH, H), dtype=jnp.float32) * 0.02
    shared_down_w = jax.random.normal(ks[4], (H, ISH), dtype=jnp.float32) * 0.02
    w13_stacked = jax.random.normal(ks[5], (E, 2 * I, H), dtype=jnp.float32) * 0.02
    w2_stacked = jax.random.normal(ks[6], (E, H, I), dtype=jnp.float32) * 0.02
    return {
        "hidden_states": hidden_states,
        "gate_w": gate_w,
        "shared_expert_gate_w": shared_expert_gate_w,
        "shared_gate_up_w": shared_gate_up_w,
        "shared_down_w": shared_down_w,
        "w13_stacked": w13_stacked,
        "w2_stacked": w2_stacked,
    }


def reference(hidden_states, gate_w, shared_expert_gate_w, shared_gate_up_w, shared_down_w, w13_stacked, w2_stacked):
    orig_shape = hidden_states.shape
    x = hidden_states.reshape(-1, H)
    M = x.shape[0]

    # ---- shared expert (Qwen2MoeMLP with SiluAndMul) ----
    gu = x @ shared_gate_up_w.T                       # [M, 2*ISH]
    g, u = gu[:, :ISH], gu[:, ISH:]
    shared_out = (jax.nn.silu(g) * u) @ shared_down_w.T  # [M, H]
    shared_out = shared_out * jax.nn.sigmoid(x @ shared_expert_gate_w.T)  # [M, H]

    # ---- router ----
    router_logits = x @ gate_w.T                      # [M, E]
    routing_weights = jax.nn.softmax(router_logits.astype(jnp.float32), axis=1)
    topk_weights, topk_ids = jax.lax.top_k(routing_weights, TOPK)  # [M, TOPK]
    # note: torch code does NOT renormalize topk weights

    # combine matrix: [M, E], zero where expert not selected
    oh = jax.nn.one_hot(topk_ids, E, dtype=jnp.float32)           # [M, TOPK, E]
    combine = (oh * topk_weights[..., None]).sum(axis=1)          # [M, E]

    # ---- expert compute (equivalent to dispatch + grouped GEMM + combine) ----
    local_out = jnp.zeros((M, H), dtype=jnp.float32)
    for e in range(E):
        gue = x @ w13_stacked[e].T                    # [M, 2*I]
        ge, ue = gue[:, :I], gue[:, I:]
        ye = (jax.nn.silu(ge) * ue) @ w2_stacked[e].T # [M, H]
        local_out = local_out + combine[:, e:e + 1] * ye

    final = (local_out + shared_out).astype(hidden_states.dtype).reshape(orig_shape)
    return final

if __name__ == "__main__":
    import jax
    _d = setup_inputs()
    print(jax.jit(kernel)(*tuple(_d.values())))

</pallas_src>

<mosaic_0001>
#map = affine_map<(d0, d1) -> (0)>
#map1 = affine_map<(d0, d1) -> (0, 0)>
module attributes {stable_mosaic.version = 14 : i64} {
  func.func @_dispatch_body(%arg0: i32, %arg1: i32, %arg2: memref<4096xi32, #tpu.memory_space<hbm>>, %arg3: memref<2048x1024xf32, #tpu.memory_space<hbm>>, %arg4: memref<4096xi32, #tpu.memory_space<hbm>>, %arg5: memref<32xi32, #tpu.memory_space<hbm>>, %arg6: memref<9600x1024xf32, #tpu.memory_space<hbm>>, %arg7: memref<4096xi32, #tpu.memory_space<vmem>>, %arg8: memref<4096xi32, #tpu.memory_space<vmem>>, %arg9: memref<32xi32, #tpu.memory_space<vmem>>, %arg10: memref<32xi32, #tpu.memory_space<vmem>>, %arg11: memref<4096xi32, #tpu.memory_space<vmem_shared>>, %arg12: memref<32xi32, #tpu.memory_space<vmem>>, %arg13: memref<32xi32, #tpu.memory_space<vmem>>, %arg14: memref<32x1024xf32, #tpu.memory_space<vmem>>, %arg15: memref<32x1024xf32, #tpu.memory_space<vmem>>, %arg16: memref<!tpu.dma_semaphore, #tpu.memory_space<semaphore_mem>>, %arg17: memref<!tpu.dma_semaphore, #tpu.memory_space<semaphore_mem>>, %arg18: memref<!tpu.dma_semaphore, #tpu.memory_space<semaphore_mem>>, %arg19: memref<!tpu.dma_semaphore, #tpu.memory_space<semaphore_mem>>) attributes {dimension_semantics = [#tpu.dimension_semantics<core_parallel>, #tpu.dimension_semantics<subcore_parallel>], iteration_bounds = array<i64: 2, 16>, scalar_prefetch = 0 : i64, scratch_operands = 13 : i64, tpu.core_type = #tpu.core_type<sc_vector_subcore>, window_params = [{transform_indices = #map}, {transform_indices = #map1}, {transform_indices = #map}, {transform_indices = #map}, {transform_indices = #map1}]} {
    %eq3A = arith.constant 0 : i32
    %eq3A_0 = arith.cmpi eq, %arg1, %eq3A : i32
    %convert_element_type3A = arith.extui %eq3A_0 : i1 to i32
    %cond3A = arith.constant 0 : i32
    %cond3A_1 = arith.cmpi ne, %convert_element_type3A, %cond3A : i32
    scf.if %cond3A_1 {
      "tpu.region"() ({
        %run_scoped3A = tpu.sem_alloc : memref<!tpu.dma_semaphore, #tpu.memory_space<semaphore_mem>>
        tpu.enqueue_dma source(%arg2 : memref<4096xi32, #tpu.memory_space<hbm>>) target(%arg7 : memref<4096xi32, #tpu.memory_space<vmem>>) target_semaphore(%run_scoped3A : memref<!tpu.dma_semaphore, #tpu.memory_space<semaphore_mem>>)
        tpu.wait_dma2 semaphore(%run_scoped3A : memref<!tpu.dma_semaphore, #tpu.memory_space<semaphore_mem>>) src(%arg2 : memref<4096xi32, #tpu.memory_space<hbm>>) dst(%arg7 : memref<4096xi32, #tpu.memory_space<vmem>>)
        tpu.yield
      }) : () -> ()
      %iota3A = tpu.iota {dimensions = array<i32: 0>} : vector<16xi32>
      %broadcast_in_dim3A = arith.constant 0 : i32
      %broadcast_in_dim3A_87 = vector.broadcast %broadcast_in_dim3A : i32 to vector<16xi32>
      %scan3A = arith.constant 0 : i32
      %scan3A_88 = arith.constant 256 : i32
      %scan3A_89 = arith.addi %scan3A, %scan3A_88 : i32
      %scan3A_90 = arith.constant 1 : i32
      %scan3A_91:8 = scf.for %scan3A_1047 = %scan3A to %scan3A_89 step %scan3A_90 iter_args(%scan3A_1048 = %broadcast_in_dim3A_87, %scan3A_1049 = %broadcast_in_dim3A_87, %scan3A_1050 = %broadcast_in_dim3A_87, %scan3A_1051 = %broadcast_in_dim3A_87, %scan3A_1052 = %broadcast_in_dim3A_87, %scan3A_1053 = %broadcast_in_dim3A_87, %scan3A_1054 = %broadcast_in_dim3A_87, %scan3A_1055 = %broadcast_in_dim3A_87) -> (vector<16xi32>, vector<16xi32>, vector<16xi32>, vector<16xi32>, vector<16xi32>, vector<16xi32>, vector<16xi32>, vector<16xi32>)  : i32 {
        %mul3A_1056 = arith.constant 16 : i32
        %mul3A_1057 = arith.muli %scan3A_1047, %mul3A_1056 : i32
        %get3A_1058 = arith.index_cast %mul3A_1057 : i32 to index
        %get3A_1059 = tpu.vector_load %arg7[%get3A_1058] {strides = array<i32>} : memref<4096xi32, #tpu.memory_space<vmem>>, vector<16xi32>,
        %get3A_1060 = vector.shape_cast %get3A_1059 : vector<16xi32> to vector<16xi32>
        %eq3A_1061 = arith.constant 0 : i32
        %eq3A_1062 = vector.broadcast %eq3A_1061 : i32 to vector<16xi32>
        %eq3A_1063 = arith.cmpi eq, %get3A_1060, %eq3A_1062 : vector<16xi32>
        %jit3A_1064 = arith.constant 1 : i32
        %jit3A_1065 = arith.constant 0 : i32
        %broadcast_in_dim3A_1066 = vector.broadcast %jit3A_1064 : i32 to vector<16xi32>
        %broadcast_in_dim3A_1067 = vector.broadcast %jit3A_1065 : i32 to vector<16xi32>
        %select_n3A_1068 = arith.select %eq3A_1063, %broadcast_in_dim3A_1066, %broadcast_in_dim3A_1067 : vector<16xi1>, vector<16xi32>
        %add3A_1069 = arith.addi %scan3A_1048, %select_n3A_1068 : vector<16xi32>
        %eq3A_1070 = arith.constant 1 : i32
        %eq3A_1071 = vector.broadcast %eq3A_1070 : i32 to vector<16xi32>
        %eq3A_1072 = arith.cmpi eq, %get3A_1060, %eq3A_1071 : vector<16xi32>
        %jit3A_1073 = arith.constant 1 : i32
        %jit3A_1074 = arith.constant 0 : i32
        %broadcast_in_dim3A_1075 = vector.broadcast %jit3A_1073 : i32 to vector<16xi32>
        %broadcast_in_dim3A_1076 = vector.broadcast %jit3A_1074 : i32 to vector<16xi32>
        %select_n3A_1077 = arith.select %eq3A_1072, %broadcast_in_dim3A_1075, %broadcast_in_dim3A_1076 : vector<16xi1>, vector<16xi32>
        %add3A_1078 = arith.addi %scan3A_1049, %select_n3A_1077 : vector<16xi32>
        %eq3A_1079 = arith.constant 2 : i32
        %eq3A_1080 = vector.broadcast %eq3A_1079 : i32 to vector<16xi32>
        %eq3A_1081 = arith.cmpi eq, %get3A_1060, %eq3A_1080 : vector<16xi32>
        %jit3A_1082 = arith.constant 1 : i32
        %jit3A_1083 = arith.constant 0 : i32
        %broadcast_in_dim3A_1084 = vector.broadcast %jit3A_1082 : i32 to vector<16xi32>
        %broadcast_in_dim3A_1085 = vector.broadcast %jit3A_1083 : i32 to vector<16xi32>
        %select_n3A_1086 = arith.select %eq3A_1081, %broadcast_in_dim3A_1084, %broadcast_in_dim3A_1085 : vector<16xi1>, vector<16xi32>
        %add3A_1087 = arith.addi %scan3A_1050, %select_n3A_1086 : vector<16xi32>
        %eq3A_1088 = arith.constant 3 : i32
        %eq3A_1089 = vector.broadcast %eq3A_1088 : i32 to vector<16xi32>
        %eq3A_1090 = arith.cmpi eq, %get3A_1060, %eq3A_1089 : vector<16xi32>
        %jit3A_1091 = arith.constant 1 : i32
        %jit3A_1092 = arith.constant 0 : i32
        %broadcast_in_dim3A_1093 = vector.broadcast %jit3A_1091 : i32 to vector<16xi32>
        %broadcast_in_dim3A_1094 = vector.broadcast %jit3A_1092 : i32 to vector<16xi32>
        %select_n3A_1095 = arith.select %eq3A_1090, %broadcast_in_dim3A_1093, %broadcast_in_dim3A_1094 : vector<16xi1>, vector<16xi32>
        %add3A_1096 = arith.addi %scan3A_1051, %select_n3A_1095 : vector<16xi32>
        %eq3A_1097 = arith.constant 4 : i32
        %eq3A_1098 = vector.broadcast %eq3A_1097 : i32 to vector<16xi32>
        %eq3A_1099 = arith.cmpi eq, %get3A_1060, %eq3A_1098 : vector<16xi32>
        %jit3A_1100 = arith.constant 1 : i32
        %jit3A_1101 = arith.constant 0 : i32
        %broadcast_in_dim3A_1102 = vector.broadcast %jit3A_1100 : i32 to vector<16xi32>
        %broadcast_in_dim3A_1103 = vector.broadcast %jit3A_1101 : i32 to vector<16xi32>
        %select_n3A_1104 = arith.select %eq3A_1099, %broadcast_in_dim3A_1102, %broadcast_in_dim3A_1103 : vector<16xi1>, vector<16xi32>
        %add3A_1105 = arith.addi %scan3A_1052, %select_n3A_1104 : vector<16xi32>
        %eq3A_1106 = arith.constant 5 : i32
        %eq3A_1107 = vector.broadcast %eq3A_1106 : i32 to vector<16xi32>
        %eq3A_1108 = arith.cmpi eq, %get3A_1060, %eq3A_1107 : vector<16xi32>
        %jit3A_1109 = arith.constant 1 : i32
        %jit3A_1110 = arith.constant 0 : i32
        %broadcast_in_dim3A_1111 = vector.broadcast %jit3A_1109 : i32 to vector<16xi32>
        %broadcast_in_dim3A_1112 = vector.broadcast %jit3A_1110 : i32 to vector<16xi32>
        %select_n3A_1113 = arith.select %eq3A_1108, %broadcast_in_dim3A_1111, %broadcast_in_dim3A_1112 : vector<16xi1>, vector<16xi32>
        %add3A_1114 = arith.addi %scan3A_1053, %select_n3A_1113 : vector<16xi32>
        %eq3A_1115 = arith.constant 6 : i32
        %eq3A_1116 = vector.broadcast %eq3A_1115 : i32 to vector<16xi32>
        %eq3A_1117 = arith.cmpi eq, %get3A_1060, %eq3A_1116 : vector<16xi32>
        %jit3A_1118 = arith.constant 1 : i32
        %jit3A_1119 = arith.constant 0 : i32
        %broadcast_in_dim3A_1120 = vector.broadcast %jit3A_1118 : i32 to vector<16xi32>
        %broadcast_in_dim3A_1121 = vector.broadcast %jit3A_1119 : i32 to vector<16xi32>
        %select_n3A_1122 = arith.select %eq3A_1117, %broadcast_in_dim3A_1120, %broadcast_in_dim3A_1121 : vector<16xi1>, vector<16xi32>
        %add3A_1123 = arith.addi %scan3A_1054, %select_n3A_1122 : vector<16xi32>
        %eq3A_1124 = arith.constant 7 : i32
        %eq3A_1125 = vector.broadcast %eq3A_1124 : i32 to vector<16xi32>
        %eq3A_1126 = arith.cmpi eq, %get3A_1060, %eq3A_1125 : vector<16xi32>
        %jit3A_1127 = arith.constant 1 : i32
        %jit3A_1128 = arith.constant 0 : i32
        %broadcast_in_dim3A_1129 = vector.broadcast %jit3A_1127 : i32 to vector<16xi32>
        %broadcast_in_dim3A_1130 = vector.broadcast %jit3A_1128 : i32 to vector<16xi32>
        %select_n3A_1131 = arith.select %eq3A_1126, %broadcast_in_dim3A_1129, %broadcast_in_dim3A_1130 : vector<16xi1>, vector<16xi32>
        %add3A_1132 = arith.addi %scan3A_1055, %select_n3A_1131 : vector<16xi32>
        scf.yield %add3A_1069, %add3A_1078, %add3A_1087, %add3A_1096, %add3A_1105, %add3A_1114, %add3A_1123, %add3A_1132 : vector<16xi32>, vector<16xi32>, vector<16xi32>, vector<16xi32>, vector<16xi32>, vector<16xi32>, vector<16xi32>, vector<16xi32>
      }
      %scan3A_92 = arith.constant 256 : i32
      %swap3A = arith.constant 0 : index
      %swap3A_93 = tpu.vector_load %arg10[%swap3A] {strides = array<i32>} : memref<32xi32, #tpu.memory_space<vmem>>, vector<16xi32>,
      %swap3A_94 = vector.shape_cast %swap3A_93 : vector<16xi32> to vector<16xi32>
      %swap3A_95 = vector.shape_cast %broadcast_in_dim3A_87 : vector<16xi32> to vector<16xi32>
      tpu.vector_store %arg10[%swap3A], %swap3A_95 {strides = array<i32>} : memref<32xi32, #tpu.memory_space<vmem>>, vector<16xi32>,
      %swap3A_96 = arith.constant 16 : index
      %swap3A_97 = tpu.vector_load %arg10[%swap3A_96] {strides = array<i32>} : memref<32xi32, #tpu.memory_space<vmem>>, vector<16xi32>,
      %swap3A_98 = vector.shape_cast %swap3A_97 : vector<16xi32> to vector<16xi32>
      %swap3A_99 = vector.shape_cast %scan3A_91#0 : vector<16xi32> to vector<16xi32>
      tpu.vector_store %arg10[%swap3A_96], %swap3A_99 {strides = array<i32>} : memref<32xi32, #tpu.memory_space<vmem>>, vector<16xi32>,
      %get3A = arith.constant 15 : index
      %get3A_100 = tpu.vector_load %arg10[%get3A] {strides = array<i32>} : memref<32xi32, #tpu.memory_space<vmem>>, vector<16xi32>,
      %get3A_101 = vector.shape_cast %get3A_100 : vector<16xi32> to vector<16xi32>
      %add3A_102 = arith.addi %broadcast_in_dim3A_87, %get3A_101 : vector<16xi32>
      %get3A_103 = arith.constant 14 : index
      %get3A_104 = tpu.vector_load %arg10[%get3A_103] {strides = array<i32>} : memref<32xi32, #tpu.memory_space<vmem>>, vector<16xi32>,
      %get3A_105 = vector.shape_cast %get3A_104 : vector<16xi32> to vector<16xi32>
      %add3A_106 = arith.addi %add3A_102, %get3A_105 : vector<16xi32>
      %get3A_107 = arith.constant 13 : index
      %get3A_108 = tpu.vector_load %arg10[%get3A_107] {strides = array<i32>} : memref<32xi32, #tpu.memory_space<vmem>>, vector<16xi32>,
      %get3A_109 = vector.shape_cast %get3A_108 : vector<16xi32> to vector<16xi32>
      %add3A_110 = arith.addi %add3A_106, %get3A_109 : vector<16xi32>
      %get3A_111 = arith.constant 12 : index
      %get3A_112 = tpu.vector_load %arg10[%get3A_111] {strides = array<i32>} : memref<32xi32, #tpu.memory_space<vmem>>, vector<16xi32>,
      %get3A_113 = vector.shape_cast %get3A_112 : vector<16xi32> to vector<16xi32>
      %add3A_114 = arith.addi %add3A_110, %get3A_113 : vector<16xi32>
      %get3A_115 = arith.constant 11 : index
      %get3A_116 = tpu.vector_load %arg10[%get3A_115] {strides = array<i32>} : memref<32xi32, #tpu.memory_space<vmem>>, vector<16xi32>,
      %get3A_117 = vector.shape_cast %get3A_116 : vector<16xi32> to vector<16xi32>
      %add3A_118 = arith.addi %add3A_114, %get3A_117 : vector<16xi32>
      %get3A_119 = arith.constant 10 : index
      %get3A_120 = tpu.vector_load %arg10[%get3A_119] {strides = array<i32>} : memref<32xi32, #tpu.memory_space<vmem>>, vector<16xi32>,
      %get3A_121 = vector.shape_cast %get3A_120 : vector<16xi32> to vector<16xi32>
      %add3A_122 = arith.addi %add3A_118, %get3A_121 : vector<16xi32>
      %get3A_123 = arith.constant 9 : index
      %get3A_124 = tpu.vector_load %arg10[%get3A_123] {strides = array<i32>} : memref<32xi32, #tpu.memory_space<vmem>>, vector<16xi32>,
      %get3A_125 = vector.shape_cast %get3A_124 : vector<16xi32> to vector<16xi32>
      %add3A_126 = arith.addi %add3A_122, %get3A_125 : vector<16xi32>
      %get3A_127 = arith.constant 8 : index
      %get3A_128 = tpu.vector_load %arg10[%get3A_127] {strides = array<i32>} : memref<32xi32, #tpu.memory_space<vmem>>, vector<16xi32>,
      %get3A_129 = vector.shape_cast %get3A_128 : vector<16xi32> to vector<16xi32>
      %add3A_130 = arith.addi %add3A_126, %get3A_129 : vector<16xi32>
      %get3A_131 = arith.constant 7 : index
      %get3A_132 = tpu.vector_load %arg10[%get3A_131] {strides = array<i32>} : memref<32xi32, #tpu.memory_space<vmem>>, vector<16xi32>,
      %get3A_133 = vector.shape_cast %get3A_132 : vector<16xi32> to vector<16xi32>
      %add3A_134 = arith.addi %add3A_130, %get3A_133 : vector<16xi32>
      %get3A_135 = arith.constant 6 : index
      %get3A_136 = tpu.vector_load %arg10[%get3A_135] {strides = array<i32>} : memref<32xi32, #tpu.memory_space<vmem>>, vector<16xi32>,
      %get3A_137 = vector.shape_cast %get3A_136 : vector<16xi32> to vector<16xi32>
      %add3A_138 = arith.addi %add3A_134, %get3A_137 : vector<16xi32>
      %get3A_139 = arith.constant 5 : index
      %get3A_140 = tpu.vector_load %arg10[%get3A_139] {strides = array<i32>} : memref<32xi32, #tpu.memory_space<vmem>>, vector<16xi32>,
      %get3A_141 = vector.shape_cast %get3A_140 : vector<16xi32> to vector<16xi32>
      %add3A_142 = arith.addi %add3A_138, %get3A_141 : vector<16xi32>
      %get3A_143 = arith.constant 4 : index
      %get3A_144 = tpu.vector_load %arg10[%get3A_143] {strides = array<i32>} : memref<32xi32, #tpu.memory_space<vmem>>, vector<16xi32>,
      %get3A_145 = vector.shape_cast %get3A_144 : vector<16xi32> to vector<16xi32>
      %add3A_146 = arith.addi %add3A_142, %get3A_145 : vector<16xi32>
      %get3A_147 = arith.constant 3 : index
      %get3A_148 = tpu.vector_load %arg10[%get3A_147] {strides = array<i32>} : memref<32xi32, #tpu.memory_space<vmem>>, vector<16xi32>,
      %get3A_149 = vector.shape_cast %get3A_148 : vector<16xi32> to vector<16xi32>
      %add3A_150 = arith.addi %add3A_146, %get3A_149 : vector<16xi32>
      %get3A_151 = arith.constant 2 : index
      %get3A_152 = tpu.vector_load %arg10[%get3A_151] {strides = array<i32>} : memref<32xi32, #tpu.memory_space<vmem>>, vector<16xi32>,
      %get3A_153 = vector.shape_cast %get3A_152 : vector<16xi32> to vector<16xi32>
      %add3A_154 = arith.addi %add3A_150, %get3A_153 : vector<16xi32>
      %get3A_155 = arith.constant 1 : index
      %get3A_156 = tpu.vector_load %arg10[%get3A_155] {strides = array<i32>} : memref<32xi32, #tpu.memory_space<vmem>>, vector<16xi32>,
      %get3A_157 = vector.shape_cast %get3A_156 : vector<16xi32> to vector<16xi32>
      %add3A_158 = arith.addi %add3A_154, %get3A_157 : vector<16xi32>
      %add3A_159 = arith.addi %add3A_158, %scan3A_91#0 : vector<16xi32>
      %slice3A = vector.extract_strided_slice %add3A_159 {offsets = [15], sizes = [1], strides = [1]} : vector<16xi32> to vector<1xi32>
      %squeeze3A = vector.extract %slice3A[0] : i32 from vector<1xi32>
      %add3A_160 = arith.constant 0 : i32
      %add3A_161 = vector.broadcast %add3A_160 : i32 to vector<16xi32>
      %add3A_162 = arith.addi %add3A_158, %add3A_161 : vector<16xi32>
      %add3A_163 = arith.constant 640 : i32
      %add3A_164 = arith.addi %squeeze3A, %add3A_163 : i32
      %sub3A_165 = arith.constant 1 : i32
      %sub3A_166 = arith.subi %add3A_164, %sub3A_165 : i32
      %jit3A = arith.constant 640 : i32
      %div3A = arith.divsi %sub3A_166, %jit3A : i32
      %sign3A = arith.constant 0 : i32
      %sign3A_167 = arith.cmpi sgt, %sub3A_166, %sign3A : i32
      %sign3A_168 = arith.extui %sign3A_167 : i1 to i32
      %sign3A_169 = arith.constant 0 : i32
      %sign3A_170 = arith.cmpi slt, %sub3A_166, %sign3A_169 : i32
      %sign3A_171 = arith.extui %sign3A_170 : i1 to i32
      %sign3A_172 = arith.subi %sign3A_168, %sign3A_171 : i32
      %sign3A_173 = arith.constant 0 : i32
      %sign3A_174 = arith.cmpi sgt, %jit3A, %sign3A_173 : i32
      %sign3A_175 = arith.extui %sign3A_174 : i1 to i32
      %sign3A_176 = arith.constant 0 : i32
      %sign3A_177 = arith.cmpi slt, %jit3A, %sign3A_176 : i32
      %sign3A_178 = arith.extui %sign3A_177 : i1 to i32
      %sign3A_179 = arith.subi %sign3A_175, %sign3A_178 : i32
      %ne3A = arith.cmpi ne, %sign3A_172, %sign3A_179 : i32
      %rem3A = arith.remsi %sub3A_166, %jit3A : i32
      %ne3A_180 = arith.constant 0 : i32
      %ne3A_181 = arith.cmpi ne, %rem3A, %ne3A_180 : i32
      %and3A = arith.andi %ne3A, %ne3A_181 : i1
      %sub3A_182 = arith.constant 1 : i32
      %sub3A_183 = arith.subi %div3A, %sub3A_182 : i32
      %select_n3A_184 = arith.select %and3A, %sub3A_183, %div3A : i32
      %mul3A_185 = arith.constant 640 : i32
      %mul3A_186 = arith.muli %select_n3A_184, %mul3A_185 : i32
      %add3A_187 = arith.constant 0 : i32
      %add3A_188 = arith.addi %add3A_187, %mul3A_186 : i32
      %swap3A_189 = arith.constant 16 : index
      %swap3A_190 = tpu.vector_load %arg10[%swap3A_189] {strides = array<i32>} : memref<32xi32, #tpu.memory_space<vmem>>, vector<16xi32>,
      %swap3A_191 = vector.shape_cast %swap3A_190 : vector<16xi32> to vector<16xi32>
      %swap3A_192 = vector.shape_cast %scan3A_91#1 : vector<16xi32> to vector<16xi32>
      tpu.vector_store %arg10[%swap3A_189], %swap3A_192 {strides = array<i32>} : memref<32xi32, #tpu.memory_space<vmem>>, vector<16xi32>,
      %get3A_193 = arith.constant 15 : index
      %get3A_194 = tpu.vector_load %arg10[%get3A_193] {strides = array<i32>} : memref<32xi32, #tpu.memory_space<vmem>>, vector<16xi32>,
      %get3A_195 = vector.shape_cast %get3A_194 : vector<16xi32> to vector<16xi32>
      %add3A_196 = arith.addi %broadcast_in_dim3A_87, %get3A_195 : vector<16xi32>
      %get3A_197 = arith.constant 14 : index
      %get3A_198 = tpu.vector_load %arg10[%get3A_197] {strides = array<i32>} : memref<32xi32, #tpu.memory_space<vmem>>, vector<16xi32>,
      %get3A_199 = vector.shape_cast %get3A_198 : vector<16xi32> to vector<16xi32>
      %add3A_200 = arith.addi %add3A_196, %get3A_199 : vector<16xi32>
      %get3A_201 = arith.constant 13 : index
      %get3A_202 = tpu.vector_load %arg10[%get3A_201] {strides = array<i32>} : memref<32xi32, #tpu.memory_space<vmem>>, vector<16xi32>,
      %get3A_203 = vector.shape_cast %get3A_202 : vector<16xi32> to vector<16xi32>
      %add3A_204 = arith.addi %add3A_200, %get3A_203 : vector<16xi32>
      %get3A_205 = arith.constant 12 : index
      %get3A_206 = tpu.vector_load %arg10[%get3A_205] {strides = array<i32>} : memref<32xi32, #tpu.memory_space<vmem>>, vector<16xi32>,
      %get3A_207 = vector.shape_cast %get3A_206 : vector<16xi32> to vector<16xi32>
      %add3A_208 = arith.addi %add3A_204, %get3A_207 : vector<16xi32>
      %get3A_209 = arith.constant 11 : index
      %get3A_210 = tpu.vector_load %arg10[%get3A_209] {strides = array<i32>} : memref<32xi32, #tpu.memory_space<vmem>>, vector<16xi32>,
      %get3A_211 = vector.shape_cast %get3A_210 : vector<16xi32> to vector<16xi32>
      %add3A_212 = arith.addi %add3A_208, %get3A_211 : vector<16xi32>
      %get3A_213 = arith.constant 10 : index
      %get3A_214 = tpu.vector_load %arg10[%get3A_213] {strides = array<i32>} : memref<32xi32, #tpu.memory_space<vmem>>, vector<16xi32>,
      %get3A_215 = vector.shape_cast %get3A_214 : vector<16xi32> to vector<16xi32>
      %add3A_216 = arith.addi %add3A_212, %get3A_215 : vector<16xi32>
      %get3A_217 = arith.constant 9 : index
      %get3A_218 = tpu.vector_load %arg10[%get3A_217] {strides = array<i32>} : memref<32xi32, #tpu.memory_space<vmem>>, vector<16xi32>,
      %get3A_219 = vector.shape_cast %get3A_218 : vector<16xi32> to vector<16xi32>
      %add3A_220 = arith.addi %add3A_216, %get3A_219 : vector<16xi32>
      %get3A_221 = arith.constant 8 : index
      %get3A_222 = tpu.vector_load %arg10[%get3A_221] {strides = array<i32>} : memref<32xi32, #tpu.memory_space<vmem>>, vector<16xi32>,
      %get3A_223 = vector.shape_cast %get3A_222 : vector<16xi32> to vector<16xi32>
      %add3A_224 = arith.addi %add3A_220, %get3A_223 : vector<16xi32>
      %get3A_225 = arith.constant 7 : index
      %get3A_226 = tpu.vector_load %arg10[%get3A_225] {strides = array<i32>} : memref<32xi32, #tpu.memory_space<vmem>>, vector<16xi32>,
      %get3A_227 = vector.shape_cast %get3A_226 : vector<16xi32> to vector<16xi32>
      %add3A_228 = arith.addi %add3A_224, %get3A_227 : vector<16xi32>
      %get3A_229 = arith.constant 6 : index
      %get3A_230 = tpu.vector_load %arg10[%get3A_229] {strides = array<i32>} : memref<32xi32, #tpu.memory_space<vmem>>, vector<16xi32>,
      %get3A_231 = vector.shape_cast %get3A_230 : vector<16xi32> to vector<16xi32>
      %add3A_232 = arith.addi %add3A_228, %get3A_231 : vector<16xi32>
      %get3A_233 = arith.constant 5 : index
      %get3A_234 = tpu.vector_load %arg10[%get3A_233] {strides = array<i32>} : memref<32xi32, #tpu.memory_space<vmem>>, vector<16xi32>,
      %get3A_235 = vector.shape_cast %get3A_234 : vector<16xi32> to vector<16xi32>
      %add3A_236 = arith.addi %add3A_232, %get3A_235 : vector<16xi32>
      %get3A_237 = arith.constant 4 : index
      %get3A_238 = tpu.vector_load %arg10[%get3A_237] {strides = array<i32>} : memref<32xi32, #tpu.memory_space<vmem>>, vector<16xi32>,
      %get3A_239 = vector.shape_cast %get3A_238 : vector<16xi32> to vector<16xi32>
      %add3A_240 = arith.addi %add3A_236, %get3A_239 : vector<16xi32>
      %get3A_241 = arith.constant 3 : index
      %get3A_242 = tpu.vector_load %arg10[%get3A_241] {strides = array<i32>} : memref<32xi32, #tpu.memory_space<vmem>>, vector<16xi32>,
      %get3A_243 = vector.shape_cast %get3A_242 : vector<16xi32> to vector<16xi32>
      %add3A_244 = arith.addi %add3A_240, %get3A_243 : vector<16xi32>
      %get3A_245 = arith.constant 2 : index
      %get3A_246 = tpu.vector_load %arg10[%get3A_245] {strides = array<i32>} : memref<32xi32, #tpu.memory_space<vmem>>, vector<16xi32>,
      %get3A_247 = vector.shape_cast %get3A_246 : vector<16xi32> to vector<16xi32>
      %add3A_248 = arith.addi %add3A_244, %get3A_247 : vector<16xi32>
      %get3A_249 = arith.constant 1 : index
      %get3A_250 = tpu.vector_load %arg10[%get3A_249] {strides = array<i32>} : memref<32xi32, #tpu.memory_space<vmem>>, vector<16xi32>,
      %get3A_251 = vector.shape_cast %get3A_250 : vector<16xi32> to vector<16xi32>
      %add3A_252 = arith.addi %add3A_248, %get3A_251 : vector<16xi32>
      %add3A_253 = arith.addi %add3A_252, %scan3A_91#1 : vector<16xi32>
      %slice3A_254 = vector.extract_strided_slice %add3A_253 {offsets = [15], sizes = [1], strides = [1]} : vector<16xi32> to vector<1xi32>
      %squeeze3A_255 = vector.extract %slice3A_254[0] : i32 from vector<1xi32>
      %add3A_256 = vector.broadcast %add3A_188 : i32 to vector<16xi32>
      %add3A_257 = arith.addi %add3A_252, %add3A_256 : vector<16xi32>
      %add3A_258 = arith.constant 640 : i32
      %add3A_259 = arith.addi %squeeze3A_255, %add3A_258 : i32
      %sub3A_260 = arith.constant 1 : i32
      %sub3A_261 = arith.subi %add3A_259, %sub3A_260 : i32
      %jit3A_262 = arith.constant 640 : i32
      %div3A_263 = arith.divsi %sub3A_261, %jit3A_262 : i32
      %sign3A_264 = arith.constant 0 : i32
      %sign3A_265 = arith.cmpi sgt, %sub3A_261, %sign3A_264 : i32
      %sign3A_266 = arith.extui %sign3A_265 : i1 to i32
      %sign3A_267 = arith.constant 0 : i32
      %sign3A_268 = arith.cmpi slt, %sub3A_261, %sign3A_267 : i32
      %sign3A_269 = arith.extui %sign3A_268 : i1 to i32
      %sign3A_270 = arith.subi %sign3A_266, %sign3A_269 : i32
      %sign3A_271 = arith.constant 0 : i32
      %sign3A_272 = arith.cmpi sgt, %jit3A_262, %sign3A_271 : i32
      %sign3A_273 = arith.extui %sign3A_272 : i1 to i32
      %sign3A_274 = arith.constant 0 : i32
      %sign3A_275 = arith.cmpi slt, %jit3A_262, %sign3A_274 : i32
      %sign3A_276 = arith.extui %sign3A_275 : i1 to i32
      %sign3A_277 = arith.subi %sign3A_273, %sign3A_276 : i32
      %ne3A_278 = arith.cmpi ne, %sign3A_270, %sign3A_277 : i32
      %rem3A_279 = arith.remsi %sub3A_261, %jit3A_262 : i32
      %ne3A_280 = arith.constant 0 : i32
      %ne3A_281 = arith.cmpi ne, %rem3A_279, %ne3A_280 : i32
      %and3A_282 = arith.andi %ne3A_278, %ne3A_281 : i1
      %sub3A_283 = arith.constant 1 : i32
      %sub3A_284 = arith.subi %div3A_263, %sub3A_283 : i32
      %select_n3A_285 = arith.select %and3A_282, %sub3A_284, %div3A_263 : i32
      %mul3A_286 = arith.constant 640 : i32
      %mul3A_287 = arith.muli %select_n3A_285, %mul3A_286 : i32
      %add3A_288 = arith.addi %add3A_188, %mul3A_287 : i32
      %swap3A_289 = arith.constant 16 : index
      %swap3A_290 = tpu.vector_load %arg10[%swap3A_289] {strides = array<i32>} : memref<32xi32, #tpu.memory_space<vmem>>, vector<16xi32>,
      %swap3A_291 = vector.shape_cast %swap3A_290 : vector<16xi32> to vector<16xi32>
      %swap3A_292 = vector.shape_cast %scan3A_91#2 : vector<16xi32> to vector<16xi32>
      tpu.vector_store %arg10[%swap3A_289], %swap3A_292 {strides = array<i32>} : memref<32xi32, #tpu.memory_space<vmem>>, vector<16xi32>,
      %get3A_293 = arith.constant 15 : index
      %get3A_294 = tpu.vector_load %arg10[%get3A_293] {strides = array<i32>} : memref<32xi32, #tpu.memory_space<vmem>>, vector<16xi32>,
      %get3A_295 = vector.shape_cast %get3A_294 : vector<16xi32> to vector<16xi32>
      %add3A_296 = arith.addi %broadcast_in_dim3A_87, %get3A_295 : vector<16xi32>
      %get3A_297 = arith.constant 14 : index
      %get3A_298 = tpu.vector_load %arg10[%get3A_297] {strides = array<i32>} : memref<32xi32, #tpu.memory_space<vmem>>, vector<16xi32>,
      %get3A_299 = vector.shape_cast %get3A_298 : vector<16xi32> to vector<16xi32>
      %add3A_300 = arith.addi %add3A_296, %get3A_299 : vector<16xi32>
      %get3A_301 = arith.constant 13 : index
      %get3A_302 = tpu.vector_load %arg10[%get3A_301] {strides = array<i32>} : memref<32xi32, #tpu.memory_space<vmem>>, vector<16xi32>,
      %get3A_303 = vector.shape_cast %get3A_302 : vector<16xi32> to vector<16xi32>
      %add3A_304 = arith.addi %add3A_300, %get3A_303 : vector<16xi32>
      %get3A_305 = arith.constant 12 : index
      %get3A_306 = tpu.vector_load %arg10[%get3A_305] {strides = array<i32>} : memref<32xi32, #tpu.memory_space<vmem>>, vector<16xi32>,
      %get3A_307 = vector.shape_cast %get3A_306 : vector<16xi32> to vector<16xi32>
      %add3A_308 = arith.addi %add3A_304, %get3A_307 : vector<16xi32>
      %get3A_309 = arith.constant 11 : index
      %get3A_310 = tpu.vector_load %arg10[%get3A_309] {strides = array<i32>} : memref<32xi32, #tpu.memory_space<vmem>>, vector<16xi32>,
      %get3A_311 = vector.shape_cast %get3A_310 : vector<16xi32> to vector<16xi32>
      %add3A_312 = arith.addi %add3A_308, %get3A_311 : vector<16xi32>
      %get3A_313 = arith.constant 10 : index
      %get3A_314 = tpu.vector_load %arg10[%get3A_313] {strides = array<i32>} : memref<32xi32, #tpu.memory_space<vmem>>, vector<16xi32>,
      %get3A_315 = vector.shape_cast %get3A_314 : vector<16xi32> to vector<16xi32>
      %add3A_316 = arith.addi %add3A_312, %get3A_315 : vector<16xi32>
      %get3A_317 = arith.constant 9 : index
      %get3A_318 = tpu.vector_load %arg10[%get3A_317] {strides = array<i32>} : memref<32xi32, #tpu.memory_space<vmem>>, vector<16xi32>,
      %get3A_319 = vector.shape_cast %get3A_318 : vector<16xi32> to vector<16xi32>
      %add3A_320 = arith.addi %add3A_316, %get3A_319 : vector<16xi32>
      %get3A_321 = arith.constant 8 : index
      %get3A_322 = tpu.vector_load %arg10[%get3A_321] {strides = array<i32>} : memref<32xi32, #tpu.memory_space<vmem>>, vector<16xi32>,
      %get3A_323 = vector.shape_cast %get3A_322 : vector<16xi32> to vector<16xi32>
      %add3A_324 = arith.addi %add3A_320, %get3A_323 : vector<16xi32>
      %get3A_325 = arith.constant 7 : index
      %get3A_326 = tpu.vector_load %arg10[%get3A_325] {strides = array<i32>} : memref<32xi32, #tpu.memory_space<vmem>>, vector<16xi32>,
      %get3A_327 = vector.shape_cast %get3A_326 : vector<16xi32> to vector<16xi32>
      %add3A_328 = arith.addi %add3A_324, %get3A_327 : vector<16xi32>
      %get3A_329 = arith.constant 6 : index
      %get3A_330 = tpu.vector_load %arg10[%get3A_329] {strides = array<i32>} : memref<32xi32, #tpu.memory_space<vmem>>, vector<16xi32>,
      %get3A_331 = vector.shape_cast %get3A_330 : vector<16xi32> to vector<16xi32>
      %add3A_332 = arith.addi %add3A_328, %get3A_331 : vector<16xi32>
      %get3A_333 = arith.constant 5 : index
      %get3A_334 = tpu.vector_load %arg10[%get3A_333] {strides = array<i32>} : memref<32xi32, #tpu.memory_space<vmem>>, vector<16xi32>,
      %get3A_335 = vector.shape_cast %get3A_334 : vector<16xi32> to vector<16xi32>
      %add3A_336 = arith.addi %add3A_332, %get3A_335 : vector<16xi32>
      %get3A_337 = arith.constant 4 : index
      %get3A_338 = tpu.vector_load %arg10[%get3A_337] {strides = array<i32>} : memref<32xi32, #tpu.memory_space<vmem>>, vector<16xi32>,
      %get3A_339 = vector.shape_cast %get3A_338 : vector<16xi32> to vector<16xi32>
      %add3A_340 = arith.addi %add3A_336, %get3A_339 : vector<16xi32>
      %get3A_341 = arith.constant 3 : index
      %get3A_342 = tpu.vector_load %arg10[%get3A_341] {strides = array<i32>} : memref<32xi32, #tpu.memory_space<vmem>>, vector<16xi32>,
      %get3A_343 = vector.shape_cast %get3A_342 : vector<16xi32> to vector<16xi32>
      %add3A_344 = arith.addi %add3A_340, %get3A_343 : vector<16xi32>
      %get3A_345 = arith.constant 2 : index
      %get3A_346 = tpu.vector_load %arg10[%get3A_345] {strides = array<i32>} : memref<32xi32, #tpu.memory_space<vmem>>, vector<16xi32>,
      %get3A_347 = vector.shape_cast %get3A_346 : vector<16xi32> to vector<16xi32>
      %add3A_348 = arith.addi %add3A_344, %get3A_347 : vector<16xi32>
      %get3A_349 = arith.constant 1 : index
      %get3A_350 = tpu.vector_load %arg10[%get3A_349] {strides = array<i32>} : memref<32xi32, #tpu.memory_space<vmem>>, vector<16xi32>,
      %get3A_351 = vector.shape_cast %get3A_350 : vector<16xi32> to vector<16xi32>
      %add3A_352 = arith.addi %add3A_348, %get3A_351 : vector<16xi32>
      %add3A_353 = arith.addi %add3A_352, %scan3A_91#2 : vector<16xi32>
      %slice3A_354 = vector.extract_strided_slice %add3A_353 {offsets = [15], sizes = [1], strides = [1]} : vector<16xi32> to vector<1xi32>
      %squeeze3A_355 = vector.extract %slice3A_354[0] : i32 from vector<1xi32>
      %add3A_356 = vector.broadcast %add3A_288 : i32 to vector<16xi32>
      %add3A_357 = arith.addi %add3A_352, %add3A_356 : vector<16xi32>
      %add3A_358 = arith.constant 640 : i32
      %add3A_359 = arith.addi %squeeze3A_355, %add3A_358 : i32
      %sub3A_360 = arith.constant 1 : i32
      %sub3A_361 = arith.subi %add3A_359, %sub3A_360 : i32
      %jit3A_362 = arith.constant 640 : i32
      %div3A_363 = arith.divsi %sub3A_361, %jit3A_362 : i32
      %sign3A_364 = arith.constant 0 : i32
      %sign3A_365 = arith.cmpi sgt, %sub3A_361, %sign3A_364 : i32
      %sign3A_366 = arith.extui %sign3A_365 : i1 to i32
      %sign3A_367 = arith.constant 0 : i32
      %sign3A_368 = arith.cmpi slt, %sub3A_361, %sign3A_367 : i32
      %sign3A_369 = arith.extui %sign3A_368 : i1 to i32
      %sign3A_370 = arith.subi %sign3A_366, %sign3A_369 : i32
      %sign3A_371 = arith.constant 0 : i32
      %sign3A_372 = arith.cmpi sgt, %jit3A_362, %sign3A_371 : i32
      %sign3A_373 = arith.extui %sign3A_372 : i1 to i32
      %sign3A_374 = arith.constant 0 : i32
      %sign3A_375 = arith.cmpi slt, %jit3A_362, %sign3A_374 : i32
      %sign3A_376 = arith.extui %sign3A_375 : i1 to i32
      %sign3A_377 = arith.subi %sign3A_373, %sign3A_376 : i32
      %ne3A_378 = arith.cmpi ne, %sign3A_370, %sign3A_377 : i32
      %rem3A_379 = arith.remsi %sub3A_361, %jit3A_362 : i32
      %ne3A_380 = arith.constant 0 : i32
      %ne3A_381 = arith.cmpi ne, %rem3A_379, %ne3A_380 : i32
      %and3A_382 = arith.andi %ne3A_378, %ne3A_381 : i1
      %sub3A_383 = arith.constant 1 : i32
      %sub3A_384 = arith.subi %div3A_363, %sub3A_383 : i32
      %select_n3A_385 = arith.select %and3A_382, %sub3A_384, %div3A_363 : i32
      %mul3A_386 = arith.constant 640 : i32
      %mul3A_387 = arith.muli %select_n3A_385, %mul3A_386 : i32
      %add3A_388 = arith.addi %add3A_288, %mul3A_387 : i32
      %swap3A_389 = arith.constant 16 : index
      %swap3A_390 = tpu.vector_load %arg10[%swap3A_389] {strides = array<i32>} : memref<32xi32, #tpu.memory_space<vmem>>, vector<16xi32>,
      %swap3A_391 = vector.shape_cast %swap3A_390 : vector<16xi32> to vector<16xi32>
      %swap3A_392 = vector.shape_cast %scan3A_91#3 : vector<16xi32> to vector<16xi32>
      tpu.vector_store %arg10[%swap3A_389], %swap3A_392 {strides = array<i32>} : memref<32xi32, #tpu.memory_space<vmem>>, vector<16xi32>,
      %get3A_393 = arith.constant 15 : index
      %get3A_394 = tpu.vector_load %arg10[%get3A_393] {strides = array<i32>} : memref<32xi32, #tpu.memory_space<vmem>>, vector<16xi32>,
      %get3A_395 = vector.shape_cast %get3A_394 : vector<16xi32> to vector<16xi32>
      %add3A_396 = arith.addi %broadcast_in_dim3A_87, %get3A_395 : vector<16xi32>
      %get3A_397 = arith.constant 14 : index
      %get3A_398 = tpu.vector_load %arg10[%get3A_397] {strides = array<i32>} : memref<32xi32, #tpu.memory_space<vmem>>, vector<16xi32>,
      %get3A_399 = vector.shape_cast %get3A_398 : vector<16xi32> to vector<16xi32>
      %add3A_400 = arith.addi %add3A_396, %get3A_399 : vector<16xi32>
      %get3A_401 = arith.constant 13 : index
      %get3A_402 = tpu.vector_load %arg10[%get3A_401] {strides = array<i32>} : memref<32xi32, #tpu.memory_space<vmem>>, vector<16xi32>,
      %get3A_403 = vector.shape_cast %get3A_402 : vector<16xi32> to vector<16xi32>
      %add3A_404 = arith.addi %add3A_400, %get3A_403 : vector<16xi32>
      %get3A_405 = arith.constant 12 : index
      %get3A_406 = tpu.vector_load %arg10[%get3A_405] {strides = array<i32>} : memref<32xi32, #tpu.memory_space<vmem>>, vector<16xi32>,
      %get3A_407 = vector.shape_cast %get3A_406 : vector<16xi32> to vector<16xi32>
      %add3A_408 = arith.addi %add3A_404, %get3A_407 : vector<16xi32>
      %get3A_409 = arith.constant 11 : index
      %get3A_410 = tpu.vector_load %arg10[%get3A_409] {strides = array<i32>} : memref<32xi32, #tpu.memory_space<vmem>>, vector<16xi32>,
      %get3A_411 = vector.shape_cast %get3A_410 : vector<16xi32> to vector<16xi32>
      %add3A_412 = arith.addi %add3A_408, %get3A_411 : vector<16xi32>
      %get3A_413 = arith.constant 10 : index
      %get3A_414 = tpu.vector_load %arg10[%get3A_413] {strides = array<i32>} : memref<32xi32, #tpu.memory_space<vmem>>, vector<16xi32>,
      %get3A_415 = vector.shape_cast %get3A_414 : vector<16xi32> to vector<16xi32>
      %add3A_416 = arith.addi %add3A_412, %get3A_415 : vector<16xi32>
      %get3A_417 = arith.constant 9 : index
      %get3A_418 = tpu.vector_load %arg10[%get3A_417] {strides = array<i32>} : memref<32xi32, #tpu.memory_space<vmem>>, vector<16xi32>,
      %get3A_419 = vector.shape_cast %get3A_418 : vector<16xi32> to vector<16xi32>
      %add3A_420 = arith.addi %add3A_416, %get3A_419 : vector<16xi32>
      %get3A_421 = arith.constant 8 : index
      %get3A_422 = tpu.vector_load %arg10[%get3A_421] {strides = array<i32>} : memref<32xi32, #tpu.memory_space<vmem>>, vector<16xi32>,
      %get3A_423 = vector.shape_cast %get3A_422 : vector<16xi32> to vector<16xi32>
      %add3A_424 = arith.addi %add3A_420, %get3A_423 : vector<16xi32>
      %get3A_425 = arith.constant 7 : index
      %get3A_426 = tpu.vector_load %arg10[%get3A_425] {strides = array<i32>} : memref<32xi32, #tpu.memory_space<vmem>>, vector<16xi32>,
      %get3A_427 = vector.shape_cast %get3A_426 : vector<16xi32> to vector<16xi32>
      %add3A_428 = arith.addi %add3A_424, %get3A_427 : vector<16xi32>
      %get3A_429 = arith.constant 6 : index
      %get3A_430 = tpu.vector_load %arg10[%get3A_429] {strides = array<i32>} : memref<32xi32, #tpu.memory_space<vmem>>, vector<16xi32>,
      %get3A_431 = vector.shape_cast %get3A_430 : vector<16xi32> to vector<16xi32>
      %add3A_432 = arith.addi %add3A_428, %get3A_431 : vector<16xi32>
      %get3A_433 = arith.constant 5 : index
      %get3A_434 = tpu.vector_load %arg10[%get3A_433] {strides = array<i32>} : memref<32xi32, #tpu.memory_space<vmem>>, vector<16xi32>,
      %get3A_435 = vector.shape_cast %get3A_434 : vector<16xi32> to vector<16xi32>
      %add3A_436 = arith.addi %add3A_432, %get3A_435 : vector<16xi32>
      %get3A_437 = arith.constant 4 : index
      %get3A_438 = tpu.vector_load %arg10[%get3A_437] {strides = array<i32>} : memref<32xi32, #tpu.memory_space<vmem>>, vector<16xi32>,
      %get3A_439 = vector.shape_cast %get3A_438 : vector<16xi32> to vector<16xi32>
      %add3A_440 = arith.addi %add3A_436, %get3A_439 : vector<16xi32>
      %get3A_441 = arith.constant 3 : index
      %get3A_442 = tpu.vector_load %arg10[%get3A_441] {strides = array<i32>} : memref<32xi32, #tpu.memory_space<vmem>>, vector<16xi32>,
      %get3A_443 = vector.shape_cast %get3A_442 : vector<16xi32> to vector<16xi32>
      %add3A_444 = arith.addi %add3A_440, %get3A_443 : vector<16xi32>
      %get3A_445 = arith.constant 2 : index
      %get3A_446 = tpu.vector_load %arg10[%get3A_445] {strides = array<i32>} : memref<32xi32, #tpu.memory_space<vmem>>, vector<16xi32>,
      %get3A_447 = vector.shape_cast %get3A_446 : vector<16xi32> to vector<16xi32>
      %add3A_448 = arith.addi %add3A_444, %get3A_447 : vector<16xi32>
      %get3A_449 = arith.constant 1 : index
      %get3A_450 = tpu.vector_load %arg10[%get3A_449] {strides = array<i32>} : memref<32xi32, #tpu.memory_space<vmem>>, vector<16xi32>,
      %get3A_451 = vector.shape_cast %get3A_450 : vector<16xi32> to vector<16xi32>
      %add3A_452 = arith.addi %add3A_448, %get3A_451 : vector<16xi32>
      %add3A_453 = arith.addi %add3A_452, %scan3A_91#3 : vector<16xi32>
      %slice3A_454 = vector.extract_strided_slice %add3A_453 {offsets = [15], sizes = [1], strides = [1]} : vector<16xi32> to vector<1xi32>
      %squeeze3A_455 = vector.extract %slice3A_454[0] : i32 from vector<1xi32>
      %add3A_456 = vector.broadcast %add3A_388 : i32 to vector<16xi32>
      %add3A_457 = arith.addi %add3A_452, %add3A_456 : vector<16xi32>
      %add3A_458 = arith.constant 640 : i32
      %add3A_459 = arith.addi %squeeze3A_455, %add3A_458 : i32
      %sub3A_460 = arith.constant 1 : i32
      %sub3A_461 = arith.subi %add3A_459, %sub3A_460 : i32
      %jit3A_462 = arith.constant 640 : i32
      %div3A_463 = arith.divsi %sub3A_461, %jit3A_462 : i32
      %sign3A_464 = arith.constant 0 : i32
      %sign3A_465 = arith.cmpi sgt, %sub3A_461, %sign3A_464 : i32
      %sign3A_466 = arith.extui %sign3A_465 : i1 to i32
      %sign3A_467 = arith.constant 0 : i32
      %sign3A_468 = arith.cmpi slt, %sub3A_461, %sign3A_467 : i32
      %sign3A_469 = arith.extui %sign3A_468 : i1 to i32
      %sign3A_470 = arith.subi %sign3A_466, %sign3A_469 : i32
      %sign3A_471 = arith.constant 0 : i32
      %sign3A_472 = arith.cmpi sgt, %jit3A_462, %sign3A_471 : i32
      %sign3A_473 = arith.extui %sign3A_472 : i1 to i32
      %sign3A_474 = arith.constant 0 : i32
      %sign3A_475 = arith.cmpi slt, %jit3A_462, %sign3A_474 : i32
      %sign3A_476 = arith.extui %sign3A_475 : i1 to i32
      %sign3A_477 = arith.subi %sign3A_473, %sign3A_476 : i32
      %ne3A_478 = arith.cmpi ne, %sign3A_470, %sign3A_477 : i32
      %rem3A_479 = arith.remsi %sub3A_461, %jit3A_462 : i32
      %ne3A_480 = arith.constant 0 : i32
      %ne3A_481 = arith.cmpi ne, %rem3A_479, %ne3A_480 : i32
      %and3A_482 = arith.andi %ne3A_478, %ne3A_481 : i1
      %sub3A_483 = arith.constant 1 : i32
      %sub3A_484 = arith.subi %div3A_463, %sub3A_483 : i32
      %select_n3A_485 = arith.select %and3A_482, %sub3A_484, %div3A_463 : i32
      %mul3A_486 = arith.constant 640 : i32
      %mul3A_487 = arith.muli %select_n3A_485, %mul3A_486 : i32
      %add3A_488 = arith.addi %add3A_388, %mul3A_487 : i32
      %swap3A_489 = arith.constant 16 : index
      %swap3A_490 = tpu.vector_load %arg10[%swap3A_489] {strides = array<i32>} : memref<32xi32, #tpu.memory_space<vmem>>, vector<16xi32>,
      %swap3A_491 = vector.shape_cast %swap3A_490 : vector<16xi32> to vector<16xi32>
      %swap3A_492 = vector.shape_cast %scan3A_91#4 : vector<16xi32> to vector<16xi32>
      tpu.vector_store %arg10[%swap3A_489], %swap3A_492 {strides = array<i32>} : memref<32xi32, #tpu.memory_space<vmem>>, vector<16xi32>,
      %get3A_493 = arith.constant 15 : index
      %get3A_494 = tpu.vector_load %arg10[%get3A_493] {strides = array<i32>} : memref<32xi32, #tpu.memory_space<vmem>>, vector<16xi32>,
      %get3A_495 = vector.shape_cast %get3A_494 : vector<16xi32> to vector<16xi32>
      %add3A_496 = arith.addi %broadcast_in_dim3A_87, %get3A_495 : vector<16xi32>
      %get3A_497 = arith.constant 14 : index
      %get3A_498 = tpu.vector_load %arg10[%get3A_497] {strides = array<i32>} : memref<32xi32, #tpu.memory_space<vmem>>, vector<16xi32>,
      %get3A_499 = vector.shape_cast %get3A_498 : vector<16xi32> to vector<16xi32>
      %add3A_500 = arith.addi %add3A_496, %get3A_499 : vector<16xi32>
      %get3A_501 = arith.constant 13 : index
      %get3A_502 = tpu.vector_load %arg10[%get3A_501] {strides = array<i32>} : memref<32xi32, #tpu.memory_space<vmem>>, vector<16xi32>,
      %get3A_503 = vector.shape_cast %get3A_502 : vector<16xi32> to vector<16xi32>
      %add3A_504 = arith.addi %add3A_500, %get3A_503 : vector<16xi32>
      %get3A_505 = arith.constant 12 : index
      %get3A_506 = tpu.vector_load %arg10[%get3A_505] {strides = array<i32>} : memref<32xi32, #tpu.memory_space<vmem>>, vector<16xi32>,
      %get3A_507 = vector.shape_cast %get3A_506 : vector<16xi32> to vector<16xi32>
      %add3A_508 = arith.addi %add3A_504, %get3A_507 : vector<16xi32>
      %get3A_509 = arith.constant 11 : index
      %get3A_510 = tpu.vector_load %arg10[%get3A_509] {strides = array<i32>} : memref<32xi32, #tpu.memory_space<vmem>>, vector<16xi32>,
      %get3A_511 = vector.shape_cast %get3A_510 : vector<16xi32> to vector<16xi32>
      %add3A_512 = arith.addi %add3A_508, %get3A_511 : vector<16xi32>
      %get3A_513 = arith.constant 10 : index
      %get3A_514 = tpu.vector_load %arg10[%get3A_513] {strides = array<i32>} : memref<32xi32, #tpu.memory_space<vmem>>, vector<16xi32>,
      %get3A_515 = vector.shape_cast %get3A_514 : vector<16xi32> to vector<16xi32>
      %add3A_516 = arith.addi %add3A_512, %get3A_515 : vector<16xi32>
      %get3A_517 = arith.constant 9 : index
      %get3A_518 = tpu.vector_load %arg10[%get3A_517] {strides = array<i32>} : memref<32xi32, #tpu.memory_space<vmem>>, vector<16xi32>,
      %get3A_519 = vector.shape_cast %get3A_518 : vector<16xi32> to vector<16xi32>
      %add3A_520 = arith.addi %add3A_516, %get3A_519 : vector<16xi32>
      %get3A_521 = arith.constant 8 : index
      %get3A_522 = tpu.vector_load %arg10[%get3A_521] {strides = array<i32>} : memref<32xi32, #tpu.memory_space<vmem>>, vector<16xi32>,
      %get3A_523 = vector.shape_cast %get3A_522 : vector<16xi32> to vector<16xi32>
      %add3A_524 = arith.addi %add3A_520, %get3A_523 : vector<16xi32>
      %get3A_525 = arith.constant 7 : index
      %get3A_526 = tpu.vector_load %arg10[%get3A_525] {strides = array<i32>} : memref<32xi32, #tpu.memory_space<vmem>>, vector<16xi32>,
      %get3A_527 = vector.shape_cast %get3A_526 : vector<16xi32> to vector<16xi32>
      %add3A_528 = arith.addi %add3A_524, %get3A_527 : vector<16xi32>
      %get3A_529 = arith.constant 6 : index
      %get3A_530 = tpu.vector_load %arg10[%get3A_529] {strides = array<i32>} : memref<32xi32, #tpu.memory_space<vmem>>, vector<16xi32>,
      %get3A_531 = vector.shape_cast %get3A_530 : vector<16xi32> to vector<16xi32>
      %add3A_532 = arith.addi %add3A_528, %get3A_531 : vector<16xi32>
      %get3A_533 = arith.constant 5 : index
      %get3A_534 = tpu.vector_load %arg10[%get3A_533] {strides = array<i32>} : memref<32xi32, #tpu.memory_space<vmem>>, vector<16xi32>,
      %get3A_535 = vector.shape_cast %get3A_534 : vector<16xi32> to vector<16xi32>
      %add3A_536 = arith.addi %add3A_532, %get3A_535 : vector<16xi32>
      %get3A_537 = arith.constant 4 : index
      %get3A_538 = tpu.vector_load %arg10[%get3A_537] {strides = array<i32>} : memref<32xi32, #tpu.memory_space<vmem>>, vector<16xi32>,
      %get3A_539 = vector.shape_cast %get3A_538 : vector<16xi32> to vector<16xi32>
      %add3A_540 = arith.addi %add3A_536, %get3A_539 : vector<16xi32>
      %get3A_541 = arith.constant 3 : index
      %get3A_542 = tpu.vector_load %arg10[%get3A_541] {strides = array<i32>} : memref<32xi32, #tpu.memory_space<vmem>>, vector<16xi32>,
      %get3A_543 = vector.shape_cast %get3A_542 : vector<16xi32> to vector<16xi32>
      %add3A_544 = arith.addi %add3A_540, %get3A_543 : vector<16xi32>
      %get3A_545 = arith.constant 2 : index
      %get3A_546 = tpu.vector_load %arg10[%get3A_545] {strides = array<i32>} : memref<32xi32, #tpu.memory_space<vmem>>, vector<16xi32>,
      %get3A_547 = vector.shape_cast %get3A_546 : vector<16xi32> to vector<16xi32>
      %add3A_548 = arith.addi %add3A_544, %get3A_547 : vector<16xi32>
      %get3A_549 = arith.constant 1 : index
      %get3A_550 = tpu.vector_load %arg10[%get3A_549] {strides = array<i32>} : memref<32xi32, #tpu.memory_space<vmem>>, vector<16xi32>,
      %get3A_551 = vector.shape_cast %get3A_550 : vector<16xi32> to vector<16xi32>
      %add3A_552 = arith.addi %add3A_548, %get3A_551 : vector<16xi32>
      %add3A_553 = arith.addi %add3A_552, %scan3A_91#4 : vector<16xi32>
      %slice3A_554 = vector.extract_strided_slice %add3A_553 {offsets = [15], sizes = [1], strides = [1]} : vector<16xi32> to vector<1xi32>
      %squeeze3A_555 = vector.extract %slice3A_554[0] : i32 from vector<1xi32>
      %add3A_556 = vector.broadcast %add3A_488 : i32 to vector<16xi32>
      %add3A_557 = arith.addi %add3A_552, %add3A_556 : vector<16xi32>
      %add3A_558 = arith.constant 640 : i32
      %add3A_559 = arith.addi %squeeze3A_555, %add3A_558 : i32
      %sub3A_560 = arith.constant 1 : i32
      %sub3A_561 = arith.subi %add3A_559, %sub3A_560 : i32
      %jit3A_562 = arith.constant 640 : i32
      %div3A_563 = arith.divsi %sub3A_561, %jit3A_562 : i32
      %sign3A_564 = arith.constant 0 : i32
      %sign3A_565 = arith.cmpi sgt, %sub3A_561, %sign3A_564 : i32
      %sign3A_566 = arith.extui %sign3A_565 : i1 to i32
      %sign3A_567 = arith.constant 0 : i32
      %sign3A_568 = arith.cmpi slt, %sub3A_561, %sign3A_567 : i32
      %sign3A_569 = arith.extui %sign3A_568 : i1 to i32
      %sign3A_570 = arith.subi %sign3A_566, %sign3A_569 : i32
      %sign3A_571 = arith.constant 0 : i32
      %sign3A_572 = arith.cmpi sgt, %jit3A_562, %sign3A_571 : i32
      %sign3A_573 = arith.extui %sign3A_572 : i1 to i32
      %sign3A_574 = arith.constant 0 : i32
      %sign3A_575 = arith.cmpi slt, %jit3A_562, %sign3A_574 : i32
      %sign3A_576 = arith.extui %sign3A_575 : i1 to i32
      %sign3A_577 = arith.subi %sign3A_573, %sign3A_576 : i32
      %ne3A_578 = arith.cmpi ne, %sign3A_570, %sign3A_577 : i32
      %rem3A_579 = arith.remsi %sub3A_561, %jit3A_562 : i32
      %ne3A_580 = arith.constant 0 : i32
      %ne3A_581 = arith.cmpi ne, %rem3A_579, %ne3A_580 : i32
      %and3A_582 = arith.andi %ne3A_578, %ne3A_581 : i1
      %sub3A_583 = arith.constant 1 : i32
      %sub3A_584 = arith.subi %div3A_563, %sub3A_583 : i32
      %select_n3A_585 = arith.select %and3A_582, %sub3A_584, %div3A_563 : i32
      %mul3A_586 = arith.constant 640 : i32
      %mul3A_587 = arith.muli %select_n3A_585, %mul3A_586 : i32
      %add3A_588 = arith.addi %add3A_488, %mul3A_587 : i32
      %swap3A_589 = arith.constant 16 : index
      %swap3A_590 = tpu.vector_load %arg10[%swap3A_589] {strides = array<i32>} : memref<32xi32, #tpu.memory_space<vmem>>, vector<16xi32>,
      %swap3A_591 = vector.shape_cast %swap3A_590 : vector<16xi32> to vector<16xi32>
      %swap3A_592 = vector.shape_cast %scan3A_91#5 : vector<16xi32> to vector<16xi32>
      tpu.vector_store %arg10[%swap3A_589], %swap3A_592 {strides = array<i32>} : memref<32xi32, #tpu.memory_space<vmem>>, vector<16xi32>,
      %get3A_593 = arith.constant 15 : index
      %get3A_594 = tpu.vector_load %arg10[%get3A_593] {strides = array<i32>} : memref<32xi32, #tpu.memory_space<vmem>>, vector<16xi32>,
      %get3A_595 = vector.shape_cast %get3A_594 : vector<16xi32> to vector<16xi32>
      %add3A_596 = arith.addi %broadcast_in_dim3A_87, %get3A_595 : vector<16xi32>
      %get3A_597 = arith.constant 14 : index
      %get3A_598 = tpu.vector_load %arg10[%get3A_597] {strides = array<i32>} : memref<32xi32, #tpu.memory_space<vmem>>, vector<16xi32>,
      %get3A_599 = vector.shape_cast %get3A_598 : vector<16xi32> to vector<16xi32>
      %add3A_600 = arith.addi %add3A_596, %get3A_599 : vector<16xi32>
      %get3A_601 = arith.constant 13 : index
      %get3A_602 = tpu.vector_load %arg10[%get3A_601] {strides = array<i32>} : memref<32xi32, #tpu.memory_space<vmem>>, vector<16xi32>,
      %get3A_603 = vector.shape_cast %get3A_602 : vector<16xi32> to vector<16xi32>
      %add3A_604 = arith.addi %add3A_600, %get3A_603 : vector<16xi32>
      %get3A_605 = arith.constant 12 : index
      %get3A_606 = tpu.vector_load %arg10[%get3A_605] {strides = array<i32>} : memref<32xi32, #tpu.memory_space<vmem>>, vector<16xi32>,
      %get3A_607 = vector.shape_cast %get3A_606 : vector<16xi32> to vector<16xi32>
      %add3A_608 = arith.addi %add3A_604, %get3A_607 : vector<16xi32>
      %get3A_609 = arith.constant 11 : index
      %get3A_610 = tpu.vector_load %arg10[%get3A_609] {strides = array<i32>} : memref<32xi32, #tpu.memory_space<vmem>>, vector<16xi32>,
      %get3A_611 = vector.shape_cast %get3A_610 : vector<16xi32> to vector<16xi32>
      %add3A_612 = arith.addi %add3A_608, %get3A_611 : vector<16xi32>
      %get3A_613 = arith.constant 10 : index
      %get3A_614 = tpu.vector_load %arg10[%get3A_613] {strides = array<i32>} : memref<32xi32, #tpu.memory_space<vmem>>, vector<16xi32>,
      %get3A_615 = vector.shape_cast %get3A_614 : vector<16xi32> to vector<16xi32>
      %add3A_616 = arith.addi %add3A_612, %get3A_615 : vector<16xi32>
      %get3A_617 = arith.constant 9 : index
      %get3A_618 = tpu.vector_load %arg10[%get3A_617] {strides = array<i32>} : memref<32xi32, #tpu.memory_space<vmem>>, vector<16xi32>,
      %get3A_619 = vector.shape_cast %get3A_618 : vector<16xi32> to vector<16xi32>
      %add3A_620 = arith.addi %add3A_616, %get3A_619 : vector<16xi32>
      %get3A_621 = arith.constant 8 : index
      %get3A_622 = tpu.vector_load %arg10[%get3A_621] {strides = array<i32>} : memref<32xi32, #tpu.memory_space<vmem>>, vector<16xi32>,
      %get3A_623 = vector.shape_cast %get3A_622 : vector<16xi32> to vector<16xi32>
      %add3A_624 = arith.addi %add3A_620, %get3A_623 : vector<16xi32>
      %get3A_625 = arith.constant 7 : index
      %get3A_626 = tpu.vector_load %arg10[%get3A_625] {strides = array<i32>} : memref<32xi32, #tpu.memory_space<vmem>>, vector<16xi32>,
      %get3A_627 = vector.shape_cast %get3A_626 : vector<16xi32> to vector<16xi32>
      %add3A_628 = arith.addi %add3A_624, %get3A_627 : vector<16xi32>
      %get3A_629 = arith.constant 6 : index
      %get3A_630 = tpu.vector_load %arg10[%get3A_629] {strides = array<i32>} : memref<32xi32, #tpu.memory_space<vmem>>, vector<16xi32>,
      %get3A_631 = vector.shape_cast %get3A_630 : vector<16xi32> to vector<16xi32>
      %add3A_632 = arith.addi %add3A_628, %get3A_631 : vector<16xi32>
      %get3A_633 = arith.constant 5 : index
      %get3A_634 = tpu.vector_load %arg10[%get3A_633] {strides = array<i32>} : memref<32xi32, #tpu.memory_space<vmem>>, vector<16xi32>,
      %get3A_635 = vector.shape_cast %get3A_634 : vector<16xi32> to vector<16xi32>
      %add3A_636 = arith.addi %add3A_632, %get3A_635 : vector<16xi32>
      %get3A_637 = arith.constant 4 : index
      %get3A_638 = tpu.vector_load %arg10[%get3A_637] {strides = array<i32>} : memref<32xi32, #tpu.memory_space<vmem>>, vector<16xi32>,
      %get3A_639 = vector.shape_cast %get3A_638 : vector<16xi32> to vector<16xi32>
      %add3A_640 = arith.addi %add3A_636, %get3A_639 : vector<16xi32>
      %get3A_641 = arith.constant 3 : index
      %get3A_642 = tpu.vector_load %arg10[%get3A_641] {strides = array<i32>} : memref<32xi32, #tpu.memory_space<vmem>>, vector<16xi32>,
      %get3A_643 = vector.shape_cast %get3A_642 : vector<16xi32> to vector<16xi32>
      %add3A_644 = arith.addi %add3A_640, %get3A_643 : vector<16xi32>
      %get3A_645 = arith.constant 2 : index
      %get3A_646 = tpu.vector_load %arg10[%get3A_645] {strides = array<i32>} : memref<32xi32, #tpu.memory_space<vmem>>, vector<16xi32>,
      %get3A_647 = vector.shape_cast %get3A_646 : vector<16xi32> to vector<16xi32>
      %add3A_648 = arith.addi %add3A_644, %get3A_647 : vector<16xi32>
      %get3A_649 = arith.constant 1 : index
      %get3A_650 = tpu.vector_load %arg10[%get3A_649] {strides = array<i32>} : memref<32xi32, #tpu.memory_space<vmem>>, vector<16xi32>,
      %get3A_651 = vector.shape_cast %get3A_650 : vector<16xi32> to vector<16xi32>
      %add3A_652 = arith.addi %add3A_648, %get3A_651 : vector<16xi32>
      %add3A_653 = arith.addi %add3A_652, %scan3A_91#5 : vector<16xi32>
      %slice3A_654 = vector.extract_strided_slice %add3A_653 {offsets = [15], sizes = [1], strides = [1]} : vector<16xi32> to vector<1xi32>
      %squeeze3A_655 = vector.extract %slice3A_654[0] : i32 from vector<1xi32>
      %add3A_656 = vector.broadcast %add3A_588 : i32 to vector<16xi32>
      %add3A_657 = arith.addi %add3A_652, %add3A_656 : vector<16xi32>
      %add3A_658 = arith.constant 640 : i32
      %add3A_659 = arith.addi %squeeze3A_655, %add3A_658 : i32
      %sub3A_660 = arith.constant 1 : i32
      %sub3A_661 = arith.subi %add3A_659, %sub3A_660 : i32
      %jit3A_662 = arith.constant 640 : i32
      %div3A_663 = arith.divsi %sub3A_661, %jit3A_662 : i32
      %sign3A_664 = arith.constant 0 : i32
      %sign3A_665 = arith.cmpi sgt, %sub3A_661, %sign3A_664 : i32
      %sign3A_666 = arith.extui %sign3A_665 : i1 to i32
      %sign3A_667 = arith.constant 0 : i32
      %sign3A_668 = arith.cmpi slt, %sub3A_661, %sign3A_667 : i32
      %sign3A_669 = arith.extui %sign3A_668 : i1 to i32
      %sign3A_670 = arith.subi %sign3A_666, %sign3A_669 : i32
      %sign3A_671 = arith.constant 0 : i32
      %sign3A_672 = arith.cmpi sgt, %jit3A_662, %sign3A_671 : i32
      %sign3A_673 = arith.extui %sign3A_672 : i1 to i32
      %sign3A_674 = arith.constant 0 : i32
      %sign3A_675 = arith.cmpi slt, %jit3A_662, %sign3A_674 : i32
      %sign3A_676 = arith.extui %sign3A_675 : i1 to i32
      %sign3A_677 = arith.subi %sign3A_673, %sign3A_676 : i32
      %ne3A_678 = arith.cmpi ne, %sign3A_670, %sign3A_677 : i32
      %rem3A_679 = arith.remsi %sub3A_661, %jit3A_662 : i32
      %ne3A_680 = arith.constant 0 : i32
      %ne3A_681 = arith.cmpi ne, %rem3A_679, %ne3A_680 : i32
      %and3A_682 = arith.andi %ne3A_678, %ne3A_681 : i1
      %sub3A_683 = arith.constant 1 : i32
      %sub3A_684 = arith.subi %div3A_663, %sub3A_683 : i32
      %select_n3A_685 = arith.select %and3A_682, %sub3A_684, %div3A_663 : i32
      %mul3A_686 = arith.constant 640 : i32
      %mul3A_687 = arith.muli %select_n3A_685, %mul3A_686 : i32
      %add3A_688 = arith.addi %add3A_588, %mul3A_687 : i32
      %swap3A_689 = arith.constant 16 : index
      %swap3A_690 = tpu.vector_load %arg10[%swap3A_689] {strides = array<i32>} : memref<32xi32, #tpu.memory_space<vmem>>, vector<16xi32>,
      %swap3A_691 = vector.shape_cast %swap3A_690 : vector<16xi32> to vector<16xi32>
      %swap3A_692 = vector.shape_cast %scan3A_91#6 : vector<16xi32> to vector<16xi32>
      tpu.vector_store %arg10[%swap3A_689], %swap3A_692 {strides = array<i32>} : memref<32xi32, #tpu.memory_space<vmem>>, vector<16xi32>,
      %get3A_693 = arith.constant 15 : index
      %get3A_694 = tpu.vector_load %arg10[%get3A_693] {strides = array<i32>} : memref<32xi32, #tpu.memory_space<vmem>>, vector<16xi32>,
      %get3A_695 = vector.shape_cast %get3A_694 : vector<16xi32> to vector<16xi32>
      %add3A_696 = arith.addi %broadcast_in_dim3A_87, %get3A_695 : vector<16xi32>
      %get3A_697 = arith.constant 14 : index
      %get3A_698 = tpu.vector_load %arg10[%get3A_697] {strides = array<i32>} : memref<32xi32, #tpu.memory_space<vmem>>, vector<16xi32>,
      %get3A_699 = vector.shape_cast %get3A_698 : vector<16xi32> to vector<16xi32>
      %add3A_700 = arith.addi %add3A_696, %get3A_699 : vector<16xi32>
      %get3A_701 = arith.constant 13 : index
      %get3A_702 = tpu.vector_load %arg10[%get3A_701] {strides = array<i32>} : memref<32xi32, #tpu.memory_space<vmem>>, vector<16xi32>,
      %get3A_703 = vector.shape_cast %get3A_702 : vector<16xi32> to vector<16xi32>
      %add3A_704 = arith.addi %add3A_700, %get3A_703 : vector<16xi32>
      %get3A_705 = arith.constant 12 : index
      %get3A_706 = tpu.vector_load %arg10[%get3A_705] {strides = array<i32>} : memref<32xi32, #tpu.memory_space<vmem>>, vector<16xi32>,
      %get3A_707 = vector.shape_cast %get3A_706 : vector<16xi32> to vector<16xi32>
      %add3A_708 = arith.addi %add3A_704, %get3A_707 : vector<16xi32>
      %get3A_709 = arith.constant 11 : index
      %get3A_710 = tpu.vector_load %arg10[%get3A_709] {strides = array<i32>} : memref<32xi32, #tpu.memory_space<vmem>>, vector<16xi32>,
      %get3A_711 = vector.shape_cast %get3A_710 : vector<16xi32> to vector<16xi32>
      %add3A_712 = arith.addi %add3A_708, %get3A_711 : vector<16xi32>
      %get3A_713 = arith.constant 10 : index
      %get3A_714 = tpu.vector_load %arg10[%get3A_713] {strides = array<i32>} : memref<32xi32, #tpu.memory_space<vmem>>, vector<16xi32>,
      %get3A_715 = vector.shape_cast %get3A_714 : vector<16xi32> to vector<16xi32>
      %add3A_716 = arith.addi %add3A_712, %get3A_715 : vector<16xi32>
      %get3A_717 = arith.constant 9 : index
      %get3A_718 = tpu.vector_load %arg10[%get3A_717] {strides = array<i32>} : memref<32xi32, #tpu.memory_space<vmem>>, vector<16xi32>,
      %get3A_719 = vector.shape_cast %get3A_718 : vector<16xi32> to vector<16xi32>
      %add3A_720 = arith.addi %add3A_716, %get3A_719 : vector<16xi32>
      %get3A_721 = arith.constant 8 : index
      %get3A_722 = tpu.vector_load %arg10[%get3A_721] {strides = array<i32>} : memref<32xi32, #tpu.memory_space<vmem>>, vector<16xi32>,
      %get3A_723 = vector.shape_cast %get3A_722 : vector<16xi32> to vector<16xi32>
      %add3A_724 = arith.addi %add3A_720, %get3A_723 : vector<16xi32>
      %get3A_725 = arith.constant 7 : index
      %get3A_726 = tpu.vector_load %arg10[%get3A_725] {strides = array<i32>} : memref<32xi32, #tpu.memory_space<vmem>>, vector<16xi32>,
      %get3A_727 = vector.shape_cast %get3A_726 : vector<16xi32> to vector<16xi32>
      %add3A_728 = arith.addi %add3A_724, %get3A_727 : vector<16xi32>
      %get3A_729 = arith.constant 6 : index
      %get3A_730 = tpu.vector_load %arg10[%get3A_729] {strides = array<i32>} : memref<32xi32, #tpu.memory_space<vmem>>, vector<16xi32>,
      %get3A_731 = vector.shape_cast %get3A_730 : vector<16xi32> to vector<16xi32>
      %add3A_732 = arith.addi %add3A_728, %get3A_731 : vector<16xi32>
      %get3A_733 = arith.constant 5 : index
      %get3A_734 = tpu.vector_load %arg10[%get3A_733] {strides = array<i32>} : memref<32xi32, #tpu.memory_space<vmem>>, vector<16xi32>,
      %get3A_735 = vector.shape_cast %get3A_734 : vector<16xi32> to vector<16xi32>
      %add3A_736 = arith.addi %add3A_732, %get3A_735 : vector<16xi32>
      %get3A_737 = arith.constant 4 : index
      %get3A_738 = tpu.vector_load %arg10[%get3A_737] {strides = array<i32>} : memref<32xi32, #tpu.memory_space<vmem>>, vector<16xi32>,
      %get3A_739 = vector.shape_cast %get3A_738 : vector<16xi32> to vector<16xi32>
      %add3A_740 = arith.addi %add3A_736, %get3A_739 : vector<16xi32>
      %get3A_741 = arith.constant 3 : index
      %get3A_742 = tpu.vector_load %arg10[%get3A_741] {strides = array<i32>} : memref<32xi32, #tpu.memory_space<vmem>>, vector<16xi32>,
      %get3A_743 = vector.shape_cast %get3A_742 : vector<16xi32> to vector<16xi32>
      %add3A_744 = arith.addi %add3A_740, %get3A_743 : vector<16xi32>
      %get3A_745 = arith.constant 2 : index
      %get3A_746 = tpu.vector_load %arg10[%get3A_745] {strides = array<i32>} : memref<32xi32, #tpu.memory_space<vmem>>, vector<16xi32>,
      %get3A_747 = vector.shape_cast %get3A_746 : vector<16xi32> to vector<16xi32>
      %add3A_748 = arith.addi %add3A_744, %get3A_747 : vector<16xi32>
      %get3A_749 = arith.constant 1 : index
      %get3A_750 = tpu.vector_load %arg10[%get3A_749] {strides = array<i32>} : memref<32xi32, #tpu.memory_space<vmem>>, vector<16xi32>,
      %get3A_751 = vector.shape_cast %get3A_750 : vector<16xi32> to vector<16xi32>
      %add3A_752 = arith.addi %add3A_748, %get3A_751 : vector<16xi32>
      %add3A_753 = arith.addi %add3A_752, %scan3A_91#6 : vector<16xi32>
      %slice3A_754 = vector.extract_strided_slice %add3A_753 {offsets = [15], sizes = [1], strides = [1]} : vector<16xi32> to vector<1xi32>
      %squeeze3A_755 = vector.extract %slice3A_754[0] : i32 from vector<1xi32>
      %add3A_756 = vector.broadcast %add3A_688 : i32 to vector<16xi32>
      %add3A_757 = arith.addi %add3A_752, %add3A_756 : vector<16xi32>
      %add3A_758 = arith.constant 640 : i32
      %add3A_759 = arith.addi %squeeze3A_755, %add3A_758 : i32
      %sub3A_760 = arith.constant 1 : i32
      %sub3A_761 = arith.subi %add3A_759, %sub3A_760 : i32
      %jit3A_762 = arith.constant 640 : i32
      %div3A_763 = arith.divsi %sub3A_761, %jit3A_762 : i32
      %sign3A_764 = arith.constant 0 : i32
      %sign3A_765 = arith.cmpi sgt, %sub3A_761, %sign3A_764 : i32
      %sign3A_766 = arith.extui %sign3A_765 : i1 to i32
      %sign3A_767 = arith.constant 0 : i32
      %sign3A_768 = arith.cmpi slt, %sub3A_761, %sign3A_767 : i32
      %sign3A_769 = arith.extui %sign3A_768 : i1 to i32
      %sign3A_770 = arith.subi %sign3A_766, %sign3A_769 : i32
      %sign3A_771 = arith.constant 0 : i32
      %sign3A_772 = arith.cmpi sgt, %jit3A_762, %sign3A_771 : i32
      %sign3A_773 = arith.extui %sign3A_772 : i1 to i32
      %sign3A_774 = arith.constant 0 : i32
      %sign3A_775 = arith.cmpi slt, %jit3A_762, %sign3A_774 : i32
      %sign3A_776 = arith.extui %sign3A_775 : i1 to i32
      %sign3A_777 = arith.subi %sign3A_773, %sign3A_776 : i32
      %ne3A_778 = arith.cmpi ne, %sign3A_770, %sign3A_777 : i32
      %rem3A_779 = arith.remsi %sub3A_761, %jit3A_762 : i32
      %ne3A_780 = arith.constant 0 : i32
      %ne3A_781 = arith.cmpi ne, %rem3A_779, %ne3A_780 : i32
      %and3A_782 = arith.andi %ne3A_778, %ne3A_781 : i1
      %sub3A_783 = arith.constant 1 : i32
      %sub3A_784 = arith.subi %div3A_763, %sub3A_783 : i32
      %select_n3A_785 = arith.select %and3A_782, %sub3A_784, %div3A_763 : i32
      %mul3A_786 = arith.constant 640 : i32
      %mul3A_787 = arith.muli %select_n3A_785, %mul3A_786 : i32
      %add3A_788 = arith.addi %add3A_688, %mul3A_787 : i32
      %swap3A_789 = arith.constant 16 : index
      %swap3A_790 = tpu.vector_load %arg10[%swap3A_789] {strides = array<i32>} : memref<32xi32, #tpu.memory_space<vmem>>, vector<16xi32>,
      %swap3A_791 = vector.shape_cast %swap3A_790 : vector<16xi32> to vector<16xi32>
      %swap3A_792 = vector.shape_cast %scan3A_91#7 : vector<16xi32> to vector<16xi32>
      tpu.vector_store %arg10[%swap3A_789], %swap3A_792 {strides = array<i32>} : memref<32xi32, #tpu.memory_space<vmem>>, vector<16xi32>,
      %get3A_793 = arith.constant 15 : index
      %get3A_794 = tpu.vector_load %arg10[%get3A_793] {strides = array<i32>} : memref<32xi32, #tpu.memory_space<vmem>>, vector<16xi32>,
      %get3A_795 = vector.shape_cast %get3A_794 : vector<16xi32> to vector<16xi32>
      %add3A_796 = arith.addi %broadcast_in_dim3A_87, %get3A_795 : vector<16xi32>
      %get3A_797 = arith.constant 14 : index
      %get3A_798 = tpu.vector_load %arg10[%get3A_797] {strides = array<i32>} : memref<32xi32, #tpu.memory_space<vmem>>, vector<16xi32>,
      %get3A_799 = vector.shape_cast %get3A_798 : vector<16xi32> to vector<16xi32>
      %add3A_800 = arith.addi %add3A_796, %get3A_799 : vector<16xi32>
      %get3A_801 = arith.constant 13 : index
      %get3A_802 = tpu.vector_load %arg10[%get3A_801] {strides = array<i32>} : memref<32xi32, #tpu.memory_space<vmem>>, vector<16xi32>,
      %get3A_803 = vector.shape_cast %get3A_802 : vector<16xi32> to vector<16xi32>
      %add3A_804 = arith.addi %add3A_800, %get3A_803 : vector<16xi32>
      %get3A_805 = arith.constant 12 : index
      %get3A_806 = tpu.vector_load %arg10[%get3A_805] {strides = array<i32>} : memref<32xi32, #tpu.memory_space<vmem>>, vector<16xi32>,
      %get3A_807 = vector.shape_cast %get3A_806 : vector<16xi32> to vector<16xi32>
      %add3A_808 = arith.addi %add3A_804, %get3A_807 : vector<16xi32>
      %get3A_809 = arith.constant 11 : index
      %get3A_810 = tpu.vector_load %arg10[%get3A_809] {strides = array<i32>} : memref<32xi32, #tpu.memory_space<vmem>>, vector<16xi32>,
      %get3A_811 = vector.shape_cast %get3A_810 : vector<16xi32> to vector<16xi32>
      %add3A_812 = arith.addi %add3A_808, %get3A_811 : vector<16xi32>
      %get3A_813 = arith.constant 10 : index
      %get3A_814 = tpu.vector_load %arg10[%get3A_813] {strides = array<i32>} : memref<32xi32, #tpu.memory_space<vmem>>, vector<16xi32>,
      %get3A_815 = vector.shape_cast %get3A_814 : vector<16xi32> to vector<16xi32>
      %add3A_816 = arith.addi %add3A_812, %get3A_815 : vector<16xi32>
      %get3A_817 = arith.constant 9 : index
      %get3A_818 = tpu.vector_load %arg10[%get3A_817] {strides = array<i32>} : memref<32xi32, #tpu.memory_space<vmem>>, vector<16xi32>,
      %get3A_819 = vector.shape_cast %get3A_818 : vector<16xi32> to vector<16xi32>
      %add3A_820 = arith.addi %add3A_816, %get3A_819 : vector<16xi32>
      %get3A_821 = arith.constant 8 : index
      %get3A_822 = tpu.vector_load %arg10[%get3A_821] {strides = array<i32>} : memref<32xi32, #tpu.memory_space<vmem>>, vector<16xi32>,
      %get3A_823 = vector.shape_cast %get3A_822 : vector<16xi32> to vector<16xi32>
      %add3A_824 = arith.addi %add3A_820, %get3A_823 : vector<16xi32>
      %get3A_825 = arith.constant 7 : index
      %get3A_826 = tpu.vector_load %arg10[%get3A_825] {strides = array<i32>} : memref<32xi32, #tpu.memory_space<vmem>>, vector<16xi32>,
      %get3A_827 = vector.shape_cast %get3A_826 : vector<16xi32> to vector<16xi32>
      %add3A_828 = arith.addi %add3A_824, %get3A_827 : vector<16xi32>
      %get3A_829 = arith.constant 6 : index
      %get3A_830 = tpu.vector_load %arg10[%get3A_829] {strides = array<i32>} : memref<32xi32, #tpu.memory_space<vmem>>, vector<16xi32>,
      %get3A_831 = vector.shape_cast %get3A_830 : vector<16xi32> to vector<16xi32>
      %add3A_832 = arith.addi %add3A_828, %get3A_831 : vector<16xi32>
      %get3A_833 = arith.constant 5 : index
      %get3A_834 = tpu.vector_load %arg10[%get3A_833] {strides = array<i32>} : memref<32xi32, #tpu.memory_space<vmem>>, vector<16xi32>,
      %get3A_835 = vector.shape_cast %get3A_834 : vector<16xi32> to vector<16xi32>
      %add3A_836 = arith.addi %add3A_832, %get3A_835 : vector<16xi32>
      %get3A_837 = arith.constant 4 : index
      %get3A_838 = tpu.vector_load %arg10[%get3A_837] {strides = array<i32>} : memref<32xi32, #tpu.memory_space<vmem>>, vector<16xi32>,
      %get3A_839 = vector.shape_cast %get3A_838 : vector<16xi32> to vector<16xi32>
      %add3A_840 = arith.addi %add3A_836, %get3A_839 : vector<16xi32>
      %get3A_841 = arith.constant 3 : index
      %get3A_842 = tpu.vector_load %arg10[%get3A_841] {strides = array<i32>} : memref<32xi32, #tpu.memory_space<vmem>>, vector<16xi32>,
      %get3A_843 = vector.shape_cast %get3A_842 : vector<16xi32> to vector<16xi32>
      %add3A_844 = arith.addi %add3A_840, %get3A_843 : vector<16xi32>
      %get3A_845 = arith.constant 2 : index
      %get3A_846 = tpu.vector_load %arg10[%get3A_845] {strides = array<i32>} : memref<32xi32, #tpu.memory_space<vmem>>, vector<16xi32>,
      %get3A_847 = vector.shape_cast %get3A_846 : vector<16xi32> to vector<16xi32>
      %add3A_848 = arith.addi %add3A_844, %get3A_847 : vector<16xi32>
      %get3A_849 = arith.constant 1 : index
      %get3A_850 = tpu.vector_load %arg10[%get3A_849] {strides = array<i32>} : memref<32xi32, #tpu.memory_space<vmem>>, vector<16xi32>,
      %get3A_851 = vector.shape_cast %get3A_850 : vector<16xi32> to vector<16xi32>
      %add3A_852 = arith.addi %add3A_848, %get3A_851 : vector<16xi32>
      %add3A_853 = arith.addi %add3A_852, %scan3A_91#7 : vector<16xi32>
      %slice3A_854 = vector.extract_strided_slice %add3A_853 {offsets = [15], sizes = [1], strides = [1]} : vector<16xi32> to vector<1xi32>
      %squeeze3A_855 = vector.extract %slice3A_854[0] : i32 from vector<1xi32>
      %add3A_856 = vector.broadcast %add3A_788 : i32 to vector<16xi32>
      %add3A_857 = arith.addi %add3A_852, %add3A_856 : vector<16xi32>
      %add3A_858 = arith.constant 640 : i32
      %add3A_859 = arith.addi %squeeze3A_855, %add3A_858 : i32
      %sub3A_860 = arith.constant 1 : i32
      %sub3A_861 = arith.subi %add3A_859, %sub3A_860 : i32
      %jit3A_862 = arith.constant 640 : i32
      %div3A_863 = arith.divsi %sub3A_861, %jit3A_862 : i32
      %sign3A_864 = arith.constant 0 : i32
      %sign3A_865 = arith.cmpi sgt, %sub3A_861, %sign3A_864 : i32
      %sign3A_866 = arith.extui %sign3A_865 : i1 to i32
      %sign3A_867 = arith.constant 0 : i32
      %sign3A_868 = arith.cmpi slt, %sub3A_861, %sign3A_867 : i32
      %sign3A_869 = arith.extui %sign3A_868 : i1 to i32
      %sign3A_870 = arith.subi %sign3A_866, %sign3A_869 : i32
      %sign3A_871 = arith.constant 0 : i32
      %sign3A_872 = arith.cmpi sgt, %jit3A_862, %sign3A_871 : i32
      %sign3A_873 = arith.extui %sign3A_872 : i1 to i32
      %sign3A_874 = arith.constant 0 : i32
      %sign3A_875 = arith.cmpi slt, %jit3A_862, %sign3A_874 : i32
      %sign3A_876 = arith.extui %sign3A_875 : i1 to i32
      %sign3A_877 = arith.subi %sign3A_873, %sign3A_876 : i32
      %ne3A_878 = arith.cmpi ne, %sign3A_870, %sign3A_877 : i32
      %rem3A_879 = arith.remsi %sub3A_861, %jit3A_862 : i32
      %ne3A_880 = arith.constant 0 : i32
      %ne3A_881 = arith.cmpi ne, %rem3A_879, %ne3A_880 : i32
      %and3A_882 = arith.andi %ne3A_878, %ne3A_881 : i1
      %sub3A_883 = arith.constant 1 : i32
      %sub3A_884 = arith.subi %div3A_863, %sub3A_883 : i32
      %select_n3A_885 = arith.select %and3A_882, %sub3A_884, %div3A_863 : i32
      %mul3A_886 = arith.constant 640 : i32
      %mul3A_887 = arith.muli %select_n3A_885, %mul3A_886 : i32
      %add3A_888 = arith.addi %add3A_788, %mul3A_887 : i32
      %add3A_889 = arith.constant 0 : i32
      %add3A_890 = vector.broadcast %add3A_889 : i32 to vector<16xi32>
      %add3A_891 = arith.addi %iota3A, %add3A_890 : vector<16xi32>
      %mul3A_892 = arith.constant 640 : i32
      %mul3A_893 = vector.broadcast %mul3A_892 : i32 to vector<16xi32>
      %mul3A_894 = arith.muli %add3A_891, %mul3A_893 : vector<16xi32>
      %le3A = vector.broadcast %add3A_188 : i32 to vector<16xi32>
      %le3A_895 = arith.cmpi sle, %le3A, %mul3A_894 : vector<16xi32>
      %jit3A_896 = arith.constant 1 : i32
      %jit3A_897 = arith.constant 0 : i32
      %broadcast_in_dim3A_898 = vector.broadcast %jit3A_896 : i32 to vector<16xi32>
      %broadcast_in_dim3A_899 = vector.broadcast %jit3A_897 : i32 to vector<16xi32>
      %select_n3A_900 = arith.select %le3A_895, %broadcast_in_dim3A_898, %broadcast_in_dim3A_899 : vector<16xi1>, vector<16xi32>
      %add3A_901 = arith.addi %broadcast_in_dim3A_87, %select_n3A_900 : vector<16xi32>
      %le3A_902 = vector.broadcast %add3A_288 : i32 to vector<16xi32>
      %le3A_903 = arith.cmpi sle, %le3A_902, %mul3A_894 : vector<16xi32>
      %jit3A_904 = arith.constant 1 : i32
      %jit3A_905 = arith.constant 0 : i32
      %broadcast_in_dim3A_906 = vector.broadcast %jit3A_904 : i32 to vector<16xi32>
      %broadcast_in_dim3A_907 = vector.broadcast %jit3A_905 : i32 to vector<16xi32>
      %select_n3A_908 = arith.select %le3A_903, %broadcast_in_dim3A_906, %broadcast_in_dim3A_907 : vector<16xi1>, vector<16xi32>
      %add3A_909 = arith.addi %add3A_901, %select_n3A_908 : vector<16xi32>
      %le3A_910 = vector.broadcast %add3A_388 : i32 to vector<16xi32>
      %le3A_911 = arith.cmpi sle, %le3A_910, %mul3A_894 : vector<16xi32>
      %jit3A_912 = arith.constant 1 : i32
      %jit3A_913 = arith.constant 0 : i32
      %broadcast_in_dim3A_914 = vector.broadcast %jit3A_912 : i32 to vector<16xi32>
      %broadcast_in_dim3A_915 = vector.broadcast %jit3A_913 : i32 to vector<16xi32>
      %select_n3A_916 = arith.select %le3A_911, %broadcast_in_dim3A_914, %broadcast_in_dim3A_915 : vector<16xi1>, vector<16xi32>
      %add3A_917 = arith.addi %add3A_909, %select_n3A_916 : vector<16xi32>
      %le3A_918 = vector.broadcast %add3A_488 : i32 to vector<16xi32>
      %le3A_919 = arith.cmpi sle, %le3A_918, %mul3A_894 : vector<16xi32>
      %jit3A_920 = arith.constant 1 : i32
      %jit3A_921 = arith.constant 0 : i32
      %broadcast_in_dim3A_922 = vector.broadcast %jit3A_920 : i32 to vector<16xi32>
      %broadcast_in_dim3A_923 = vector.broadcast %jit3A_921 : i32 to vector<16xi32>
      %select_n3A_924 = arith.select %le3A_919, %broadcast_in_dim3A_922, %broadcast_in_dim3A_923 : vector<16xi1>, vector<16xi32>
      %add3A_925 = arith.addi %add3A_917, %select_n3A_924 : vector<16xi32>
      %le3A_926 = vector.broadcast %add3A_588 : i32 to vector<16xi32>
      %le3A_927 = arith.cmpi sle, %le3A_926, %mul3A_894 : vector<16xi32>
      %jit3A_928 = arith.constant 1 : i32
      %jit3A_929 = arith.constant 0 : i32
      %broadcast_in_dim3A_930 = vector.broadcast %jit3A_928 : i32 to vector<16xi32>
      %broadcast_in_dim3A_931 = vector.broadcast %jit3A_929 : i32 to vector<16xi32>
      %select_n3A_932 = arith.select %le3A_927, %broadcast_in_dim3A_930, %broadcast_in_dim3A_931 : vector<16xi1>, vector<16xi32>
      %add3A_933 = arith.addi %add3A_925, %select_n3A_932 : vector<16xi32>
      %le3A_934 = vector.broadcast %add3A_688 : i32 to vector<16xi32>
      %le3A_935 = arith.cmpi sle, %le3A_934, %mul3A_894 : vector<16xi32>
      %jit3A_936 = arith.constant 1 : i32
      %jit3A_937 = arith.constant 0 : i32
      %broadcast_in_dim3A_938 = vector.broadcast %jit3A_936 : i32 to vector<16xi32>
      %broadcast_in_dim3A_939 = vector.broadcast %jit3A_937 : i32 to vector<16xi32>
      %select_n3A_940 = arith.select %le3A_935, %broadcast_in_dim3A_938, %broadcast_in_dim3A_939 : vector<16xi1>, vector<16xi32>
      %add3A_941 = arith.addi %add3A_933, %select_n3A_940 : vector<16xi32>
      %le3A_942 = vector.broadcast %add3A_788 : i32 to vector<16xi32>
      %le3A_943 = arith.cmpi sle, %le3A_942, %mul3A_894 : vector<16xi32>
      %jit3A_944 = arith.constant 1 : i32
      %jit3A_945 = arith.constant 0 : i32
      %broadcast_in_dim3A_946 = vector.broadcast %jit3A_944 : i32 to vector<16xi32>
      %broadcast_in_dim3A_947 = vector.broadcast %jit3A_945 : i32 to vector<16xi32>
      %select_n3A_948 = arith.select %le3A_943, %broadcast_in_dim3A_946, %broadcast_in_dim3A_947 : vector<16xi1>, vector<16xi32>
      %add3A_949 = arith.addi %add3A_941, %select_n3A_948 : vector<16xi32>
      %le3A_950 = vector.broadcast %add3A_888 : i32 to vector<16xi32>
      %le3A_951 = arith.cmpi sle, %le3A_950, %mul3A_894 : vector<16xi32>
      %jit3A_952 = arith.constant 1 : i32
      %jit3A_953 = arith.constant 0 : i32
      %broadcast_in_dim3A_954 = vector.broadcast %jit3A_952 : i32 to vector<16xi32>
      %broadcast_in_dim3A_955 = vector.broadcast %jit3A_953 : i32 to vector<16xi32>
      %select_n3A_956 = arith.select %le3A_951, %broadcast_in_dim3A_954, %broadcast_in_dim3A_955 : vector<16xi1>, vector<16xi32>
      %add3A_957 = arith.addi %add3A_949, %select_n3A_956 : vector<16xi32>
      %swap3A_958 = arith.constant 0 : index
      %swap3A_959 = tpu.vector_load %arg9[%swap3A_958] {strides = array<i32>} : memref<32xi32, #tpu.memory_space<vmem>>, vector<16xi32>,
      %swap3A_960 = vector.shape_cast %swap3A_959 : vector<16xi32> to vector<16xi32>
      %swap3A_961 = vector.shape_cast %add3A_957 : vector<16xi32> to vector<16xi32>
      tpu.vector_store %arg9[%swap3A_958], %swap3A_961 {strides = array<i32>} : memref<32xi32, #tpu.memory_space<vmem>>, vector<16xi32>,
      %add3A_962 = arith.constant 16 : i32
      %add3A_963 = vector.broadcast %add3A_962 : i32 to vector<16xi32>
      %add3A_964 = arith.addi %iota3A, %add3A_963 : vector<16xi32>
      %mul3A_965 = arith.constant 640 : i32
      %mul3A_966 = vector.broadcast %mul3A_965 : i32 to vector<16xi32>
      %mul3A_967 = arith.muli %add3A_964, %mul3A_966 : vector<16xi32>
      %le3A_968 = vector.broadcast %add3A_188 : i32 to vector<16xi32>
      %le3A_969 = arith.cmpi sle, %le3A_968, %mul3A_967 : vector<16xi32>
      %jit3A_970 = arith.constant 1 : i32
      %jit3A_971 = arith.constant 0 : i32
      %broadcast_in_dim3A_972 = vector.broadcast %jit3A_970 : i32 to vector<16xi32>
      %broadcast_in_dim3A_973 = vector.broadcast %jit3A_971 : i32 to vector<16xi32>
      %select_n3A_974 = arith.select %le3A_969, %broadcast_in_dim3A_972, %broadcast_in_dim3A_973 : vector<16xi1>, vector<16xi32>
      %add3A_975 = arith.addi %broadcast_in_dim3A_87, %select_n3A_974 : vector<16xi32>
      %le3A_976 = vector.broadcast %add3A_288 : i32 to vector<16xi32>
      %le3A_977 = arith.cmpi sle, %le3A_976, %mul3A_967 : vector<16xi32>
      %jit3A_978 = arith.constant 1 : i32
      %jit3A_979 = arith.constant 0 : i32
      %broadcast_in_dim3A_980 = vector.broadcast %jit3A_978 : i32 to vector<16xi32>
      %broadcast_in_dim3A_981 = vector.broadcast %jit3A_979 : i32 to vector<16xi32>
      %select_n3A_982 = arith.select %le3A_977, %broadcast_in_dim3A_980, %broadcast_in_dim3A_981 : vector<16xi1>, vector<16xi32>
      %add3A_983 = arith.addi %add3A_975, %select_n3A_982 : vector<16xi32>
      %le3A_984 = vector.broadcast %add3A_388 : i32 to vector<16xi32>
      %le3A_985 = arith.cmpi sle, %le3A_984, %mul3A_967 : vector<16xi32>
      %jit3A_986 = arith.constant 1 : i32
      %jit3A_987 = arith.constant 0 : i32
      %broadcast_in_dim3A_988 = vector.broadcast %jit3A_986 : i32 to vector<16xi32>
      %broadcast_in_dim3A_989 = vector.broadcast %jit3A_987 : i32 to vector<16xi32>
      %select_n3A_990 = arith.select %le3A_985, %broadcast_in_dim3A_988, %broadcast_in_dim3A_989 : vector<16xi1>, vector<16xi32>
      %add3A_991 = arith.addi %add3A_983, %select_n3A_990 : vector<16xi32>
      %le3A_992 = vector.broadcast %add3A_488 : i32 to vector<16xi32>
      %le3A_993 = arith.cmpi sle, %le3A_992, %mul3A_967 : vector<16xi32>
      %jit3A_994 = arith.constant 1 : i32
      %jit3A_995 = arith.constant 0 : i32
      %broadcast_in_dim3A_996 = vector.broadcast %jit3A_994 : i32 to vector<16xi32>
      %broadcast_in_dim3A_997 = vector.broadcast %jit3A_995 : i32 to vector<16xi32>
      %select_n3A_998 = arith.select %le3A_993, %broadcast_in_dim3A_996, %broadcast_in_dim3A_997 : vector<16xi1>, vector<16xi32>
      %add3A_999 = arith.addi %add3A_991, %select_n3A_998 : vector<16xi32>
      %le3A_1000 = vector.broadcast %add3A_588 : i32 to vector<16xi32>
      %le3A_1001 = arith.cmpi sle, %le3A_1000, %mul3A_967 : vector<16xi32>
      %jit3A_1002 = arith.constant 1 : i32
      %jit3A_1003 = arith.constant 0 : i32
      %broadcast_in_dim3A_1004 = vector.broadcast %jit3A_1002 : i32 to vector<16xi32>
      %broadcast_in_dim3A_1005 = vector.broadcast %jit3A_1003 : i32 to vector<16xi32>
      %select_n3A_1006 = arith.select %le3A_1001, %broadcast_in_dim3A_1004, %broadcast_in_dim3A_1005 : vector<16xi1>, vector<16xi32>
      %add3A_1007 = arith.addi %add3A_999, %select_n3A_1006 : vector<16xi32>
      %le3A_1008 = vector.broadcast %add3A_688 : i32 to vector<16xi32>
      %le3A_1009 = arith.cmpi sle, %le3A_1008, %mul3A_967 : vector<16xi32>
      %jit3A_1010 = arith.constant 1 : i32
      %jit3A_1011 = arith.constant 0 : i32
      %broadcast_in_dim3A_1012 = vector.broadcast %jit3A_1010 : i32 to vector<16xi32>
      %broadcast_in_dim3A_1013 = vector.broadcast %jit3A_1011 : i32 to vector<16xi32>
      %select_n3A_1014 = arith.select %le3A_1009, %broadcast_in_dim3A_1012, %broadcast_in_dim3A_1013 : vector<16xi1>, vector<16xi32>
      %add3A_1015 = arith.addi %add3A_1007, %select_n3A_1014 : vector<16xi32>
      %le3A_1016 = vector.broadcast %add3A_788 : i32 to vector<16xi32>
      %le3A_1017 = arith.cmpi sle, %le3A_1016, %mul3A_967 : vector<16xi32>
      %jit3A_1018 = arith.constant 1 : i32
      %jit3A_1019 = arith.constant 0 : i32
      %broadcast_in_dim3A_1020 = vector.broadcast %jit3A_1018 : i32 to vector<16xi32>
      %broadcast_in_dim3A_1021 = vector.broadcast %jit3A_1019 : i32 to vector<16xi32>
      %select_n3A_1022 = arith.select %le3A_1017, %broadcast_in_dim3A_1020, %broadcast_in_dim3A_1021 : vector<16xi1>, vector<16xi32>
      %add3A_1023 = arith.addi %add3A_1015, %select_n3A_1022 : vector<16xi32>
      %le3A_1024 = vector.broadcast %add3A_888 : i32 to vector<16xi32>
      %le3A_1025 = arith.cmpi sle, %le3A_1024, %mul3A_967 : vector<16xi32>
      %jit3A_1026 = arith.constant 1 : i32
      %jit3A_1027 = arith.constant 0 : i32
      %broadcast_in_dim3A_1028 = vector.broadcast %jit3A_1026 : i32 to vector<16xi32>
      %broadcast_in_dim3A_1029 = vector.broadcast %jit3A_1027 : i32 to vector<16xi32>
      %select_n3A_1030 = arith.select %le3A_1025, %broadcast_in_dim3A_1028, %broadcast_in_dim3A_1029 : vector<16xi1>, vector<16xi32>
      %add3A_1031 = arith.addi %add3A_1023, %select_n3A_1030 : vector<16xi32>
      %swap3A_1032 = arith.constant 16 : index
      %swap3A_1033 = tpu.vector_load %arg9[%swap3A_1032] {strides = array<i32>} : memref<32xi32, #tpu.memory_space<vmem>>, vector<16xi32>,
      %swap3A_1034 = vector.shape_cast %swap3A_1033 : vector<16xi32> to vector<16xi32>
      %swap3A_1035 = vector.shape_cast %add3A_1031 : vector<16xi32> to vector<16xi32>
      tpu.vector_store %arg9[%swap3A_1032], %swap3A_1035 {strides = array<i32>} : memref<32xi32, #tpu.memory_space<vmem>>, vector<16xi32>,
      %scan3A_1036 = arith.constant 0 : i32
      %scan3A_1037 = arith.constant 256 : i32
      %scan3A_1038 = arith.addi %scan3A_1036, %scan3A_1037 : i32
      %scan3A_1039 = arith.constant 1 : i32
      %scan3A_1040:8 = scf.for %scan3A_1047 = %scan3A_1036 to %scan3A_1038 step %scan3A_1039 iter_args(%scan3A_1048 = %add3A_162, %scan3A_1049 = %add3A_257, %scan3A_1050 = %add3A_357, %scan3A_1051 = %add3A_457, %scan3A_1052 = %add3A_557, %scan3A_1053 = %add3A_657, %scan3A_1054 = %add3A_757, %scan3A_1055 = %add3A_857) -> (vector<16xi32>, vector<16xi32>, vector<16xi32>, vector<16xi32>, vector<16xi32>, vector<16xi32>, vector<16xi32>, vector<16xi32>)  : i32 {
        %mul3A_1056 = arith.constant 16 : i32
        %mul3A_1057 = arith.muli %scan3A_1047, %mul3A_1056 : i32
        %get3A_1058 = arith.index_cast %mul3A_1057 : i32 to index
        %get3A_1059 = tpu.vector_load %arg7[%get3A_1058] {strides = array<i32>} : memref<4096xi32, #tpu.memory_space<vmem>>, vector<16xi32>,
        %get3A_1060 = vector.shape_cast %get3A_1059 : vector<16xi32> to vector<16xi32>
        %eq3A_1061 = arith.constant 0 : i32
        %eq3A_1062 = vector.broadcast %eq3A_1061 : i32 to vector<16xi32>
        %eq3A_1063 = arith.cmpi eq, %get3A_1060, %eq3A_1062 : vector<16xi32>
        %select_n3A_1064 = arith.select %eq3A_1063, %scan3A_1048, %broadcast_in_dim3A_87 : vector<16xi1>, vector<16xi32>
        %jit3A_1065 = arith.constant 1 : i32
        %jit3A_1066 = arith.constant 0 : i32
        %broadcast_in_dim3A_1067 = vector.broadcast %jit3A_1065 : i32 to vector<16xi32>
        %broadcast_in_dim3A_1068 = vector.broadcast %jit3A_1066 : i32 to vector<16xi32>
        %select_n3A_1069 = arith.select %eq3A_1063, %broadcast_in_dim3A_1067, %broadcast_in_dim3A_1068 : vector<16xi1>, vector<16xi32>
        %add3A_1070 = arith.addi %scan3A_1048, %select_n3A_1069 : vector<16xi32>
        %eq3A_1071 = arith.constant 1 : i32
        %eq3A_1072 = vector.broadcast %eq3A_1071 : i32 to vector<16xi32>
        %eq3A_1073 = arith.cmpi eq, %get3A_1060, %eq3A_1072 : vector<16xi32>
        %select_n3A_1074 = arith.select %eq3A_1073, %scan3A_1049, %select_n3A_1064 : vector<16xi1>, vector<16xi32>
        %jit3A_1075 = arith.constant 1 : i32
        %jit3A_1076 = arith.constant 0 : i32
        %broadcast_in_dim3A_1077 = vector.broadcast %jit3A_1075 : i32 to vector<16xi32>
        %broadcast_in_dim3A_1078 = vector.broadcast %jit3A_1076 : i32 to vector<16xi32>
        %select_n3A_1079 = arith.select %eq3A_1073, %broadcast_in_dim3A_1077, %broadcast_in_dim3A_1078 : vector<16xi1>, vector<16xi32>
        %add3A_1080 = arith.addi %scan3A_1049, %select_n3A_1079 : vector<16xi32>
        %eq3A_1081 = arith.constant 2 : i32
        %eq3A_1082 = vector.broadcast %eq3A_1081 : i32 to vector<16xi32>
        %eq3A_1083 = arith.cmpi eq, %get3A_1060, %eq3A_1082 : vector<16xi32>
        %select_n3A_1084 = arith.select %eq3A_1083, %scan3A_1050, %select_n3A_1074 : vector<16xi1>, vector<16xi32>
        %jit3A_1085 = arith.constant 1 : i32
        %jit3A_1086 = arith.constant 0 : i32
        %broadcast_in_dim3A_1087 = vector.broadcast %jit3A_1085 : i32 to vector<16xi32>
        %broadcast_in_dim3A_1088 = vector.broadcast %jit3A_1086 : i32 to vector<16xi32>
        %select_n3A_1089 = arith.select %eq3A_1083, %broadcast_in_dim3A_1087, %broadcast_in_dim3A_1088 : vector<16xi1>, vector<16xi32>
        %add3A_1090 = arith.addi %scan3A_1050, %select_n3A_1089 : vector<16xi32>
        %eq3A_1091 = arith.constant 3 : i32
        %eq3A_1092 = vector.broadcast %eq3A_1091 : i32 to vector<16xi32>
        %eq3A_1093 = arith.cmpi eq, %get3A_1060, %eq3A_1092 : vector<16xi32>
        %select_n3A_1094 = arith.select %eq3A_1093, %scan3A_1051, %select_n3A_1084 : vector<16xi1>, vector<16xi32>
        %jit3A_1095 = arith.constant 1 : i32
        %jit3A_1096 = arith.constant 0 : i32
        %broadcast_in_dim3A_1097 = vector.broadcast %jit3A_1095 : i32 to vector<16xi32>
        %broadcast_in_dim3A_1098 = vector.broadcast %jit3A_1096 : i32 to vector<16xi32>
        %select_n3A_1099 = arith.select %eq3A_1093, %broadcast_in_dim3A_1097, %broadcast_in_dim3A_1098 : vector<16xi1>, vector<16xi32>
        %add3A_1100 = arith.addi %scan3A_1051, %select_n3A_1099 : vector<16xi32>
        %eq3A_1101 = arith.constant 4 : i32
        %eq3A_1102 = vector.broadcast %eq3A_1101 : i32 to vector<16xi32>
        %eq3A_1103 = arith.cmpi eq, %get3A_1060, %eq3A_1102 : vector<16xi32>
        %select_n3A_1104 = arith.select %eq3A_1103, %scan3A_1052, %select_n3A_1094 : vector<16xi1>, vector<16xi32>
        %jit3A_1105 = arith.constant 1 : i32
        %jit3A_1106 = arith.constant 0 : i32
        %broadcast_in_dim3A_1107 = vector.broadcast %jit3A_1105 : i32 to vector<16xi32>
        %broadcast_in_dim3A_1108 = vector.broadcast %jit3A_1106 : i32 to vector<16xi32>
        %select_n3A_1109 = arith.select %eq3A_1103, %broadcast_in_dim3A_1107, %broadcast_in_dim3A_1108 : vector<16xi1>, vector<16xi32>
        %add3A_1110 = arith.addi %scan3A_1052, %select_n3A_1109 : vector<16xi32>
        %eq3A_1111 = arith.constant 5 : i32
        %eq3A_1112 = vector.broadcast %eq3A_1111 : i32 to vector<16xi32>
        %eq3A_1113 = arith.cmpi eq, %get3A_1060, %eq3A_1112 : vector<16xi32>
        %select_n3A_1114 = arith.select %eq3A_1113, %scan3A_1053, %select_n3A_1104 : vector<16xi1>, vector<16xi32>
        %jit3A_1115 = arith.constant 1 : i32
        %jit3A_1116 = arith.constant 0 : i32
        %broadcast_in_dim3A_1117 = vector.broadcast %jit3A_1115 : i32 to vector<16xi32>
        %broadcast_in_dim3A_1118 = vector.broadcast %jit3A_1116 : i32 to vector<16xi32>
        %select_n3A_1119 = arith.select %eq3A_1113, %broadcast_in_dim3A_1117, %broadcast_in_dim3A_1118 : vector<16xi1>, vector<16xi32>
        %add3A_1120 = arith.addi %scan3A_1053, %select_n3A_1119 : vector<16xi32>
        %eq3A_1121 = arith.constant 6 : i32
        %eq3A_1122 = vector.broadcast %eq3A_1121 : i32 to vector<16xi32>
        %eq3A_1123 = arith.cmpi eq, %get3A_1060, %eq3A_1122 : vector<16xi32>
        %select_n3A_1124 = arith.select %eq3A_1123, %scan3A_1054, %select_n3A_1114 : vector<16xi1>, vector<16xi32>
        %jit3A_1125 = arith.constant 1 : i32
        %jit3A_1126 = arith.constant 0 : i32
        %broadcast_in_dim3A_1127 = vector.broadcast %jit3A_1125 : i32 to vector<16xi32>
        %broadcast_in_dim3A_1128 = vector.broadcast %jit3A_1126 : i32 to vector<16xi32>
        %select_n3A_1129 = arith.select %eq3A_1123, %broadcast_in_dim3A_1127, %broadcast_in_dim3A_1128 : vector<16xi1>, vector<16xi32>
        %add3A_1130 = arith.addi %scan3A_1054, %select_n3A_1129 : vector<16xi32>
        %eq3A_1131 = arith.constant 7 : i32
        %eq3A_1132 = vector.broadcast %eq3A_1131 : i32 to vector<16xi32>
        %eq3A_1133 = arith.cmpi eq, %get3A_1060, %eq3A_1132 : vector<16xi32>
        %select_n3A_1134 = arith.select %eq3A_1133, %scan3A_1055, %select_n3A_1124 : vector<16xi1>, vector<16xi32>
        %jit3A_1135 = arith.constant 1 : i32
        %jit3A_1136 = arith.constant 0 : i32
        %broadcast_in_dim3A_1137 = vector.broadcast %jit3A_1135 : i32 to vector<16xi32>
        %broadcast_in_dim3A_1138 = vector.broadcast %jit3A_1136 : i32 to vector<16xi32>
        %select_n3A_1139 = arith.select %eq3A_1133, %broadcast_in_dim3A_1137, %broadcast_in_dim3A_1138 : vector<16xi1>, vector<16xi32>
        %add3A_1140 = arith.addi %scan3A_1055, %select_n3A_1139 : vector<16xi32>
        %mul3A_1141 = arith.constant 16 : i32
        %mul3A_1142 = arith.muli %scan3A_1047, %mul3A_1141 : i32
        %swap3A_1143 = arith.index_cast %mul3A_1142 : i32 to index
        %swap3A_1144 = tpu.vector_load %arg8[%swap3A_1143] {strides = array<i32>} : memref<4096xi32, #tpu.memory_space<vmem>>, vector<16xi32>,
        %swap3A_1145 = vector.shape_cast %swap3A_1144 : vector<16xi32> to vector<16xi32>
        %swap3A_1146 = vector.shape_cast %select_n3A_1134 : vector<16xi32> to vector<16xi32>
        tpu.vector_store %arg8[%swap3A_1143], %swap3A_1146 {strides = array<i32>} : memref<4096xi32, #tpu.memory_space<vmem>>, vector<16xi32>,
        scf.yield %add3A_1070, %add3A_1080, %add3A_1090, %add3A_1100, %add3A_1110, %add3A_1120, %add3A_1130, %add3A_1140 : vector<16xi32>, vector<16xi32>, vector<16xi32>, vector<16xi32>, vector<16xi32>, vector<16xi32>, vector<16xi32>, vector<16xi32>
      }
      %scan3A_1041 = arith.constant 256 : i32
      "tpu.region"() ({
        %run_scoped3A = tpu.sem_alloc : memref<!tpu.dma_semaphore, #tpu.memory_space<semaphore_mem>>
        tpu.enqueue_dma source(%arg8 : memref<4096xi32, #tpu.memory_space<vmem>>) target(%arg11 : memref<4096xi32, #tpu.memory_space<vmem_shared>>) target_semaphore(%run_scoped3A : memref<!tpu.dma_semaphore, #tpu.memory_space<semaphore_mem>>)
        tpu.wait_dma2 semaphore(%run_scoped3A : memref<!tpu.dma_semaphore, #tpu.memory_space<semaphore_mem>>) src(%arg8 : memref<4096xi32, #tpu.memory_space<vmem>>) dst(%arg11 : memref<4096xi32, #tpu.memory_space<vmem_shared>>)
        tpu.yield
      }) : () -> ()
      %eq3A_1042 = arith.constant 0 : i32
      %eq3A_1043 = arith.cmpi eq, %arg0, %eq3A_1042 : i32
      %convert_element_type3A_1044 = arith.extui %eq3A_1043 : i1 to i32
      %cond3A_1045 = arith.constant 0 : i32
      %cond3A_1046 = arith.cmpi ne, %convert_element_type3A_1044, %cond3A_1045 : i32
      scf.if %cond3A_1046 {
        "tpu.region"() ({
          %run_scoped3A = tpu.sem_alloc : memref<!tpu.dma_semaphore, #tpu.memory_space<semaphore_mem>>
          tpu.enqueue_dma source(%arg8 : memref<4096xi32, #tpu.memory_space<vmem>>) target(%arg4 : memref<4096xi32, #tpu.memory_space<hbm>>) target_semaphore(%run_scoped3A : memref<!tpu.dma_semaphore, #tpu.memory_space<semaphore_mem>>)
          tpu.wait_dma2 semaphore(%run_scoped3A : memref<!tpu.dma_semaphore, #tpu.memory_space<semaphore_mem>>) src(%arg8 : memref<4096xi32, #tpu.memory_space<vmem>>) dst(%arg4 : memref<4096xi32, #tpu.memory_space<hbm>>)
          tpu.yield
        }) : () -> ()
        "tpu.region"() ({
          %run_scoped3A = tpu.sem_alloc : memref<!tpu.dma_semaphore, #tpu.memory_space<semaphore_mem>>
          tpu.enqueue_dma source(%arg9 : memref<32xi32, #tpu.memory_space<vmem>>) target(%arg5 : memref<32xi32, #tpu.memory_space<hbm>>) target_semaphore(%run_scoped3A : memref<!tpu.dma_semaphore, #tpu.memory_space<semaphore_mem>>)
          tpu.wait_dma2 semaphore(%run_scoped3A : memref<!tpu.dma_semaphore, #tpu.memory_space<semaphore_mem>>) src(%arg9 : memref<32xi32, #tpu.memory_space<vmem>>) dst(%arg5 : memref<32xi32, #tpu.memory_space<hbm>>)
          tpu.yield
        }) : () -> ()
      } else {
      }
    } else {
    }
    %barrier3A = arith.constant 0 : index
    tpu.barrier barrier_id(%barrier3A)
    %mul3A = arith.constant 2 : i32
    %mul3A_2 = arith.muli %arg1, %mul3A : i32
    %add3A = arith.addi %mul3A_2, %arg0 : i32
    %ge3A = arith.constant 16 : i32
    %ge3A_3 = arith.cmpi sge, %add3A, %ge3A : i32
    %sub3A = arith.constant 16 : i32
    %sub3A_4 = arith.subi %add3A, %sub3A : i32
    %select_n3A = arith.select %ge3A_3, %sub3A_4, %add3A : i32
    %mul3A_5 = arith.constant 128 : i32
    %mul3A_6 = arith.muli %add3A, %mul3A_5 : i32
    "tpu.region"() ({
      %run_scoped3A = tpu.sem_alloc : memref<!tpu.dma_semaphore, #tpu.memory_space<semaphore_mem>>
      %dma_start3A_87 = tpu.memref_slice %arg11[%mul3A_6] : memref<4096xi32, #tpu.memory_space<vmem_shared>> -> memref<32xi32, #tpu.memory_space<vmem_shared>>
      %dma_start3A_88 = tpu.memref_slice %arg11[%mul3A_6] : memref<4096xi32, #tpu.memory_space<vmem_shared>> -> memref<32xi32, #tpu.memory_space<vmem_shared>>
      tpu.enqueue_dma source(%dma_start3A_88 : memref<32xi32, #tpu.memory_space<vmem_shared>>) target(%arg12 : memref<32xi32, #tpu.memory_space<vmem>>) target_semaphore(%run_scoped3A : memref<!tpu.dma_semaphore, #tpu.memory_space<semaphore_mem>>)
      %dma_wait3A_89 = tpu.memref_slice %arg11[%mul3A_6] : memref<4096xi32, #tpu.memory_space<vmem_shared>> -> memref<32xi32, #tpu.memory_space<vmem_shared>>
      %dma_wait3A_90 = tpu.memref_slice %arg11[%mul3A_6] : memref<4096xi32, #tpu.memory_space<vmem_shared>> -> memref<32xi32, #tpu.memory_space<vmem_shared>>
      tpu.wait_dma2 semaphore(%run_scoped3A : memref<!tpu.dma_semaphore, #tpu.memory_space<semaphore_mem>>) src(%dma_wait3A_90 : memref<32xi32, #tpu.memory_space<vmem_shared>>) dst(%arg12 : memref<32xi32, #tpu.memory_space<vmem>>)
      tpu.yield
    }) : () -> ()
    %mul3A_7 = arith.constant 128 : i32
    %mul3A_8 = arith.muli %select_n3A, %mul3A_7 : i32
    %dma_start3A = arith.constant 0 : i32
    %dma_start3A_9 = tpu.memref_slice %arg3[%mul3A_8, %dma_start3A] : memref<2048x1024xf32, #tpu.memory_space<hbm>> -> memref<32x1024xf32, #tpu.memory_space<hbm>>
    %dma_start3A_10 = arith.constant 0 : i32
    %dma_start3A_11 = tpu.memref_slice %arg3[%mul3A_8, %dma_start3A_10] : memref<2048x1024xf32, #tpu.memory_space<hbm>> -> memref<32x1024xf32, #tpu.memory_space<hbm>>
    tpu.enqueue_dma source(%dma_start3A_11 : memref<32x1024xf32, #tpu.memory_space<hbm>>) target(%arg14 : memref<32x1024xf32, #tpu.memory_space<vmem>>) target_semaphore(%arg16 : memref<!tpu.dma_semaphore, #tpu.memory_space<semaphore_mem>>)
    %mul3A_12 = arith.constant 128 : i32
    %mul3A_13 = arith.muli %add3A, %mul3A_12 : i32
    %add3A_14 = arith.constant 32 : i32
    %add3A_15 = arith.addi %mul3A_13, %add3A_14 : i32
    "tpu.region"() ({
      %run_scoped3A = tpu.sem_alloc : memref<!tpu.dma_semaphore, #tpu.memory_space<semaphore_mem>>
      %dma_start3A_87 = tpu.memref_slice %arg11[%add3A_15] : memref<4096xi32, #tpu.memory_space<vmem_shared>> -> memref<32xi32, #tpu.memory_space<vmem_shared>>
      %dma_start3A_88 = tpu.memref_slice %arg11[%add3A_15] : memref<4096xi32, #tpu.memory_space<vmem_shared>> -> memref<32xi32, #tpu.memory_space<vmem_shared>>
      tpu.enqueue_dma source(%dma_start3A_88 : memref<32xi32, #tpu.memory_space<vmem_shared>>) target(%arg13 : memref<32xi32, #tpu.memory_space<vmem>>) target_semaphore(%run_scoped3A : memref<!tpu.dma_semaphore, #tpu.memory_space<semaphore_mem>>)
      %dma_wait3A_89 = tpu.memref_slice %arg11[%add3A_15] : memref<4096xi32, #tpu.memory_space<vmem_shared>> -> memref<32xi32, #tpu.memory_space<vmem_shared>>
      %dma_wait3A_90 = tpu.memref_slice %arg11[%add3A_15] : memref<4096xi32, #tpu.memory_space<vmem_shared>> -> memref<32xi32, #tpu.memory_space<vmem_shared>>
      tpu.wait_dma2 semaphore(%run_scoped3A : memref<!tpu.dma_semaphore, #tpu.memory_space<semaphore_mem>>) src(%dma_wait3A_90 : memref<32xi32, #tpu.memory_space<vmem_shared>>) dst(%arg13 : memref<32xi32, #tpu.memory_space<vmem>>)
      tpu.yield
    }) : () -> ()
    %mul3A_16 = arith.constant 128 : i32
    %mul3A_17 = arith.muli %select_n3A, %mul3A_16 : i32
    %add3A_18 = arith.constant 32 : i32
    %add3A_19 = arith.addi %mul3A_17, %add3A_18 : i32
    %dma_start3A_20 = arith.constant 0 : i32
    %dma_start3A_21 = tpu.memref_slice %arg3[%add3A_19, %dma_start3A_20] : memref<2048x1024xf32, #tpu.memory_space<hbm>> -> memref<32x1024xf32, #tpu.memory_space<hbm>>
    %dma_start3A_22 = arith.constant 0 : i32
    %dma_start3A_23 = tpu.memref_slice %arg3[%add3A_19, %dma_start3A_22] : memref<2048x1024xf32, #tpu.memory_space<hbm>> -> memref<32x1024xf32, #tpu.memory_space<hbm>>
    tpu.enqueue_dma source(%dma_start3A_23 : memref<32x1024xf32, #tpu.memory_space<hbm>>) target(%arg15 : memref<32x1024xf32, #tpu.memory_space<vmem>>) target_semaphore(%arg17 : memref<!tpu.dma_semaphore, #tpu.memory_space<semaphore_mem>>)
    %dma_wait3A = arith.constant 0 : i32
    %dma_wait3A_24 = tpu.memref_slice %arg3[%mul3A_8, %dma_wait3A] : memref<2048x1024xf32, #tpu.memory_space<hbm>> -> memref<32x1024xf32, #tpu.memory_space<hbm>>
    %dma_wait3A_25 = arith.constant 0 : i32
    %dma_wait3A_26 = tpu.memref_slice %arg3[%mul3A_8, %dma_wait3A_25] : memref<2048x1024xf32, #tpu.memory_space<hbm>> -> memref<32x1024xf32, #tpu.memory_space<hbm>>
    tpu.wait_dma2 semaphore(%arg16 : memref<!tpu.dma_semaphore, #tpu.memory_space<semaphore_mem>>) src(%dma_wait3A_26 : memref<32x1024xf32, #tpu.memory_space<hbm>>) dst(%arg14 : memref<32x1024xf32, #tpu.memory_space<vmem>>)
    %dma_start3A_27 = arith.constant 0 : i32
    %dma_start3A_28 = arith.constant 0 : i32
    %dma_start3A_29 = tpu.memref_slice %arg6[%dma_start3A_27, %dma_start3A_28] : memref<9600x1024xf32, #tpu.memory_space<hbm>> -> memref<9600x1024xf32, #tpu.memory_space<hbm>>
    tpu.enqueue_indirect_dma source(%arg14 : memref<32x1024xf32, #tpu.memory_space<vmem>>) target(%dma_start3A_29 : memref<9600x1024xf32, #tpu.memory_space<hbm>>) offsets(%arg12 : memref<32xi32, #tpu.memory_space<vmem>>) semaphore(%arg18 : memref<!tpu.dma_semaphore, #tpu.memory_space<semaphore_mem>>)
    %dma_wait3A_30 = arith.constant 0 : i32
    %dma_wait3A_31 = arith.constant 0 : i32
    %dma_wait3A_32 = tpu.memref_slice %arg6[%dma_wait3A_30, %dma_wait3A_31] : memref<9600x1024xf32, #tpu.memory_space<hbm>> -> memref<9600x1024xf32, #tpu.memory_space<hbm>>
    tpu.wait_indirect_dma semaphore(%arg18 : memref<!tpu.dma_semaphore, #tpu.memory_space<semaphore_mem>>) src(%arg14 : memref<32x1024xf32, #tpu.memory_space<vmem>>) dst(%dma_wait3A_32 : memref<9600x1024xf32, #tpu.memory_space<hbm>>)
    %mul3A_33 = arith.constant 128 : i32
    %mul3A_34 = arith.muli %add3A, %mul3A_33 : i32
    %add3A_35 = arith.constant 64 : i32
    %add3A_36 = arith.addi %mul3A_34, %add3A_35 : i32
    "tpu.region"() ({
      %run_scoped3A = tpu.sem_alloc : memref<!tpu.dma_semaphore, #tpu.memory_space<semaphore_mem>>
      %dma_start3A_87 = tpu.memref_slice %arg11[%add3A_36] : memref<4096xi32, #tpu.memory_space<vmem_shared>> -> memref<32xi32, #tpu.memory_space<vmem_shared>>
      %dma_start3A_88 = tpu.memref_slice %arg11[%add3A_36] : memref<4096xi32, #tpu.memory_space<vmem_shared>> -> memref<32xi32, #tpu.memory_space<vmem_shared>>
      tpu.enqueue_dma source(%dma_start3A_88 : memref<32xi32, #tpu.memory_space<vmem_shared>>) target(%arg12 : memref<32xi32, #tpu.memory_space<vmem>>) target_semaphore(%run_scoped3A : memref<!tpu.dma_semaphore, #tpu.memory_space<semaphore_mem>>)
      %dma_wait3A_89 = tpu.memref_slice %arg11[%add3A_36] : memref<4096xi32, #tpu.memory_space<vmem_shared>> -> memref<32xi32, #tpu.memory_space<vmem_shared>>
      %dma_wait3A_90 = tpu.memref_slice %arg11[%add3A_36] : memref<4096xi32, #tpu.memory_space<vmem_shared>> -> memref<32xi32, #tpu.memory_space<vmem_shared>>
      tpu.wait_dma2 semaphore(%run_scoped3A : memref<!tpu.dma_semaphore, #tpu.memory_space<semaphore_mem>>) src(%dma_wait3A_90 : memref<32xi32, #tpu.memory_space<vmem_shared>>) dst(%arg12 : memref<32xi32, #tpu.memory_space<vmem>>)
      tpu.yield
    }) : () -> ()
    %mul3A_37 = arith.constant 128 : i32
    %mul3A_38 = arith.muli %select_n3A, %mul3A_37 : i32
    %add3A_39 = arith.constant 64 : i32
    %add3A_40 = arith.addi %mul3A_38, %add3A_39 : i32
    %dma_start3A_41 = arith.constant 0 : i32
    %dma_start3A_42 = tpu.memref_slice %arg3[%add3A_40, %dma_start3A_41] : memref<2048x1024xf32, #tpu.memory_space<hbm>> -> memref<32x1024xf32, #tpu.memory_space<hbm>>
    %dma_start3A_43 = arith.constant 0 : i32
    %dma_start3A_44 = tpu.memref_slice %arg3[%add3A_40, %dma_start3A_43] : memref<2048x1024xf32, #tpu.memory_space<hbm>> -> memref<32x1024xf32, #tpu.memory_space<hbm>>
    tpu.enqueue_dma source(%dma_start3A_44 : memref<32x1024xf32, #tpu.memory_space<hbm>>) target(%arg14 : memref<32x1024xf32, #tpu.memory_space<vmem>>) target_semaphore(%arg16 : memref<!tpu.dma_semaphore, #tpu.memory_space<semaphore_mem>>)
    %dma_wait3A_45 = arith.constant 0 : i32
    %dma_wait3A_46 = tpu.memref_slice %arg3[%add3A_19, %dma_wait3A_45] : memref<2048x1024xf32, #tpu.memory_space<hbm>> -> memref<32x1024xf32, #tpu.memory_space<hbm>>
    %dma_wait3A_47 = arith.constant 0 : i32
    %dma_wait3A_48 = tpu.memref_slice %arg3[%add3A_19, %dma_wait3A_47] : memref<2048x1024xf32, #tpu.memory_space<hbm>> -> memref<32x1024xf32, #tpu.memory_space<hbm>>
    tpu.wait_dma2 semaphore(%arg17 : memref<!tpu.dma_semaphore, #tpu.memory_space<semaphore_mem>>) src(%dma_wait3A_48 : memref<32x1024xf32, #tpu.memory_space<hbm>>) dst(%arg15 : memref<32x1024xf32, #tpu.memory_space<vmem>>)
    %dma_start3A_49 = arith.constant 0 : i32
    %dma_start3A_50 = arith.constant 0 : i32
    %dma_start3A_51 = tpu.memref_slice %arg6[%dma_start3A_49, %dma_start3A_50] : memref<9600x1024xf32, #tpu.memory_space<hbm>> -> memref<9600x1024xf32, #tpu.memory_space<hbm>>
    tpu.enqueue_indirect_dma source(%arg15 : memref<32x1024xf32, #tpu.memory_space<vmem>>) target(%dma_start3A_51 : memref<9600x1024xf32, #tpu.memory_space<hbm>>) offsets(%arg13 : memref<32xi32, #tpu.memory_space<vmem>>) semaphore(%arg19 : memref<!tpu.dma_semaphore, #tpu.memory_space<semaphore_mem>>)
    %dma_wait3A_52 = arith.constant 0 : i32
    %dma_wait3A_53 = arith.constant 0 : i32
    %dma_wait3A_54 = tpu.memref_slice %arg6[%dma_wait3A_52, %dma_wait3A_53] : memref<9600x1024xf32, #tpu.memory_space<hbm>> -> memref<9600x1024xf32, #tpu.memory_space<hbm>>
    tpu.wait_indirect_dma semaphore(%arg19 : memref<!tpu.dma_semaphore, #tpu.memory_space<semaphore_mem>>) src(%arg15 : memref<32x1024xf32, #tpu.memory_space<vmem>>) dst(%dma_wait3A_54 : memref<9600x1024xf32, #tpu.memory_space<hbm>>)
    %mul3A_55 = arith.constant 128 : i32
    %mul3A_56 = arith.muli %add3A, %mul3A_55 : i32
    %add3A_57 = arith.constant 96 : i32
    %add3A_58 = arith.addi %mul3A_56, %add3A_57 : i32
    "tpu.region"() ({
      %run_scoped3A = tpu.sem_alloc : memref<!tpu.dma_semaphore, #tpu.memory_space<semaphore_mem>>
      %dma_start3A_87 = tpu.memref_slice %arg11[%add3A_58] : memref<4096xi32, #tpu.memory_space<vmem_shared>> -> memref<32xi32, #tpu.memory_space<vmem_shared>>
      %dma_start3A_88 = tpu.memref_slice %arg11[%add3A_58] : memref<4096xi32, #tpu.memory_space<vmem_shared>> -> memref<32xi32, #tpu.memory_space<vmem_shared>>
      tpu.enqueue_dma source(%dma_start3A_88 : memref<32xi32, #tpu.memory_space<vmem_shared>>) target(%arg13 : memref<32xi32, #tpu.memory_space<vmem>>) target_semaphore(%run_scoped3A : memref<!tpu.dma_semaphore, #tpu.memory_space<semaphore_mem>>)
      %dma_wait3A_89 = tpu.memref_slice %arg11[%add3A_58] : memref<4096xi32, #tpu.memory_space<vmem_shared>> -> memref<32xi32, #tpu.memory_space<vmem_shared>>
      %dma_wait3A_90 = tpu.memref_slice %arg11[%add3A_58] : memref<4096xi32, #tpu.memory_space<vmem_shared>> -> memref<32xi32, #tpu.memory_space<vmem_shared>>
      tpu.wait_dma2 semaphore(%run_scoped3A : memref<!tpu.dma_semaphore, #tpu.memory_space<semaphore_mem>>) src(%dma_wait3A_90 : memref<32xi32, #tpu.memory_space<vmem_shared>>) dst(%arg13 : memref<32xi32, #tpu.memory_space<vmem>>)
      tpu.yield
    }) : () -> ()
    %mul3A_59 = arith.constant 128 : i32
    %mul3A_60 = arith.muli %select_n3A, %mul3A_59 : i32
    %add3A_61 = arith.constant 96 : i32
    %add3A_62 = arith.addi %mul3A_60, %add3A_61 : i32
    %dma_start3A_63 = arith.constant 0 : i32
    %dma_start3A_64 = tpu.memref_slice %arg3[%add3A_62, %dma_start3A_63] : memref<2048x1024xf32, #tpu.memory_space<hbm>> -> memref<32x1024xf32, #tpu.memory_space<hbm>>
    %dma_start3A_65 = arith.constant 0 : i32
    %dma_start3A_66 = tpu.memref_slice %arg3[%add3A_62, %dma_start3A_65] : memref<2048x1024xf32, #tpu.memory_space<hbm>> -> memref<32x1024xf32, #tpu.memory_space<hbm>>
    tpu.enqueue_dma source(%dma_start3A_66 : memref<32x1024xf32, #tpu.memory_space<hbm>>) target(%arg15 : memref<32x1024xf32, #tpu.memory_space<vmem>>) target_semaphore(%arg17 : memref<!tpu.dma_semaphore, #tpu.memory_space<semaphore_mem>>)
    %dma_wait3A_67 = arith.constant 0 : i32
    %dma_wait3A_68 = tpu.memref_slice %arg3[%add3A_40, %dma_wait3A_67] : memref<2048x1024xf32, #tpu.memory_space<hbm>> -> memref<32x1024xf32, #tpu.memory_space<hbm>>
    %dma_wait3A_69 = arith.constant 0 : i32
    %dma_wait3A_70 = tpu.memref_slice %arg3[%add3A_40, %dma_wait3A_69] : memref<2048x1024xf32, #tpu.memory_space<hbm>> -> memref<32x1024xf32, #tpu.memory_space<hbm>>
    tpu.wait_dma2 semaphore(%arg16 : memref<!tpu.dma_semaphore, #tpu.memory_space<semaphore_mem>>) src(%dma_wait3A_70 : memref<32x1024xf32, #tpu.memory_space<hbm>>) dst(%arg14 : memref<32x1024xf32, #tpu.memory_space<vmem>>)
    %dma_start3A_71 = arith.constant 0 : i32
    %dma_start3A_72 = arith.constant 0 : i32
    %dma_start3A_73 = tpu.memref_slice %arg6[%dma_start3A_71, %dma_start3A_72] : memref<9600x1024xf32, #tpu.memory_space<hbm>> -> memref<9600x1024xf32, #tpu.memory_space<hbm>>
    tpu.enqueue_indirect_dma source(%arg14 : memref<32x1024xf32, #tpu.memory_space<vmem>>) target(%dma_start3A_73 : memref<9600x1024xf32, #tpu.memory_space<hbm>>) offsets(%arg12 : memref<32xi32, #tpu.memory_space<vmem>>) semaphore(%arg18 : memref<!tpu.dma_semaphore, #tpu.memory_space<semaphore_mem>>)
    %dma_wait3A_74 = arith.constant 0 : i32
    %dma_wait3A_75 = tpu.memref_slice %arg3[%add3A_62, %dma_wait3A_74] : memref<2048x1024xf32, #tpu.memory_space<hbm>> -> memref<32x1024xf32, #tpu.memory_space<hbm>>
    %dma_wait3A_76 = arith.constant 0 : i32
    %dma_wait3A_77 = tpu.memref_slice %arg3[%add3A_62, %dma_wait3A_76] : memref<2048x1024xf32, #tpu.memory_space<hbm>> -> memref<32x1024xf32, #tpu.memory_space<hbm>>
    tpu.wait_dma2 semaphore(%arg17 : memref<!tpu.dma_semaphore, #tpu.memory_space<semaphore_mem>>) src(%dma_wait3A_77 : memref<32x1024xf32, #tpu.memory_space<hbm>>) dst(%arg15 : memref<32x1024xf32, #tpu.memory_space<vmem>>)
    %dma_start3A_78 = arith.constant 0 : i32
    %dma_start3A_79 = arith.constant 0 : i32
    %dma_start3A_80 = tpu.memref_slice %arg6[%dma_start3A_78, %dma_start3A_79] : memref<9600x1024xf32, #tpu.memory_space<hbm>> -> memref<9600x1024xf32, #tpu.memory_space<hbm>>
    tpu.enqueue_indirect_dma source(%arg15 : memref<32x1024xf32, #tpu.memory_space<vmem>>) target(%dma_start3A_80 : memref<9600x1024xf32, #tpu.memory_space<hbm>>) offsets(%arg13 : memref<32xi32, #tpu.memory_space<vmem>>) semaphore(%arg19 : memref<!tpu.dma_semaphore, #tpu.memory_space<semaphore_mem>>)
    %dma_wait3A_81 = arith.constant 0 : i32
    %dma_wait3A_82 = arith.constant 0 : i32
    %dma_wait3A_83 = tpu.memref_slice %arg6[%dma_wait3A_81, %dma_wait3A_82] : memref<9600x1024xf32, #tpu.memory_space<hbm>> -> memref<9600x1024xf32, #tpu.memory_space<hbm>>
    tpu.wait_indirect_dma semaphore(%arg18 : memref<!tpu.dma_semaphore, #tpu.memory_space<semaphore_mem>>) src(%arg14 : memref<32x1024xf32, #tpu.memory_space<vmem>>) dst(%dma_wait3A_83 : memref<9600x1024xf32, #tpu.memory_space<hbm>>)
    %dma_wait3A_84 = arith.constant 0 : i32
    %dma_wait3A_85 = arith.constant 0 : i32
    %dma_wait3A_86 = tpu.memref_slice %arg6[%dma_wait3A_84, %dma_wait3A_85] : memref<9600x1024xf32, #tpu.memory_space<hbm>> -> memref<9600x1024xf32, #tpu.memory_space<hbm>>
    tpu.wait_indirect_dma semaphore(%arg19 : memref<!tpu.dma_semaphore, #tpu.memory_space<semaphore_mem>>) src(%arg15 : memref<32x1024xf32, #tpu.memory_space<vmem>>) dst(%dma_wait3A_86 : memref<9600x1024xf32, #tpu.memory_space<hbm>>)
    return
  }
}

#map = affine_map<(d0, d1) -> (0, 0)>
#map1 = affine_map<(d0, d1) -> (0)>
module attributes {stable_mosaic.version = 14 : i64} {
  func.func @_ygather_body(%arg0: i32, %arg1: i32, %arg2: memref<9600x1024xf32, #tpu.memory_space<hbm>>, %arg3: memref<4096xi32, #tpu.memory_space<hbm>>, %arg4: memref<2048x1024xf32, #tpu.memory_space<hbm>>, %arg5: memref<2048x1024xf32, #tpu.memory_space<hbm>>, %arg6: memref<64xi32, #tpu.memory_space<vmem>>, %arg7: memref<64xi32, #tpu.memory_space<vmem>>, %arg8: memref<32x1024xf32, #tpu.memory_space<vmem>>, %arg9: memref<32x1024xf32, #tpu.memory_space<vmem>>, %arg10: memref<!tpu.dma_semaphore, #tpu.memory_space<semaphore_mem>>, %arg11: memref<!tpu.dma_semaphore, #tpu.memory_space<semaphore_mem>>) attributes {dimension_semantics = [#tpu.dimension_semantics<core_parallel>, #tpu.dimension_semantics<subcore_parallel>], iteration_bounds = array<i64: 2, 16>, scalar_prefetch = 0 : i64, scratch_operands = 6 : i64, tpu.core_type = #tpu.core_type<sc_vector_subcore>, window_params = [{transform_indices = #map}, {transform_indices = #map1}, {transform_indices = #map}, {transform_indices = #map}]} {
    %mul3A = arith.constant 2 : i32
    %mul3A_0 = arith.muli %arg1, %mul3A : i32
    %add3A = arith.addi %mul3A_0, %arg0 : i32
    %mul3A_1 = arith.constant 64 : i32
    %mul3A_2 = arith.muli %add3A, %mul3A_1 : i32
    "tpu.region"() ({
      %run_scoped3A = tpu.sem_alloc : memref<!tpu.dma_semaphore, #tpu.memory_space<semaphore_mem>>
      %dma_start3A_53 = tpu.memref_slice %arg3[%mul3A_2] : memref<4096xi32, #tpu.memory_space<hbm>> -> memref<64xi32, #tpu.memory_space<hbm>>
      %dma_start3A_54 = tpu.memref_slice %arg3[%mul3A_2] : memref<4096xi32, #tpu.memory_space<hbm>> -> memref<64xi32, #tpu.memory_space<hbm>>
      tpu.enqueue_dma source(%dma_start3A_54 : memref<64xi32, #tpu.memory_space<hbm>>) target(%arg6 : memref<64xi32, #tpu.memory_space<vmem>>) target_semaphore(%run_scoped3A : memref<!tpu.dma_semaphore, #tpu.memory_space<semaphore_mem>>)
      %dma_wait3A_55 = tpu.memref_slice %arg3[%mul3A_2] : memref<4096xi32, #tpu.memory_space<hbm>> -> memref<64xi32, #tpu.memory_space<hbm>>
      %dma_wait3A_56 = tpu.memref_slice %arg3[%mul3A_2] : memref<4096xi32, #tpu.memory_space<hbm>> -> memref<64xi32, #tpu.memory_space<hbm>>
      tpu.wait_dma2 semaphore(%run_scoped3A : memref<!tpu.dma_semaphore, #tpu.memory_space<semaphore_mem>>) src(%dma_wait3A_56 : memref<64xi32, #tpu.memory_space<hbm>>) dst(%arg6 : memref<64xi32, #tpu.memory_space<vmem>>)
      tpu.yield
    }) : () -> ()
    %mul3A_3 = arith.constant 64 : i32
    %mul3A_4 = arith.muli %add3A, %mul3A_3 : i32
    %add3A_5 = arith.constant 2048 : i32
    %add3A_6 = arith.addi %add3A_5, %mul3A_4 : i32
    "tpu.region"() ({
      %run_scoped3A = tpu.sem_alloc : memref<!tpu.dma_semaphore, #tpu.memory_space<semaphore_mem>>
      %dma_start3A_53 = tpu.memref_slice %arg3[%add3A_6] : memref<4096xi32, #tpu.memory_space<hbm>> -> memref<64xi32, #tpu.memory_space<hbm>>
      %dma_start3A_54 = tpu.memref_slice %arg3[%add3A_6] : memref<4096xi32, #tpu.memory_space<hbm>> -> memref<64xi32, #tpu.memory_space<hbm>>
      tpu.enqueue_dma source(%dma_start3A_54 : memref<64xi32, #tpu.memory_space<hbm>>) target(%arg7 : memref<64xi32, #tpu.memory_space<vmem>>) target_semaphore(%run_scoped3A : memref<!tpu.dma_semaphore, #tpu.memory_space<semaphore_mem>>)
      %dma_wait3A_55 = tpu.memref_slice %arg3[%add3A_6] : memref<4096xi32, #tpu.memory_space<hbm>> -> memref<64xi32, #tpu.memory_space<hbm>>
      %dma_wait3A_56 = tpu.memref_slice %arg3[%add3A_6] : memref<4096xi32, #tpu.memory_space<hbm>> -> memref<64xi32, #tpu.memory_space<hbm>>
      tpu.wait_dma2 semaphore(%run_scoped3A : memref<!tpu.dma_semaphore, #tpu.memory_space<semaphore_mem>>) src(%dma_wait3A_56 : memref<64xi32, #tpu.memory_space<hbm>>) dst(%arg7 : memref<64xi32, #tpu.memory_space<vmem>>)
      tpu.yield
    }) : () -> ()
    %mul3A_7 = arith.constant 64 : i32
    %mul3A_8 = arith.muli %add3A, %mul3A_7 : i32
    %add3A_9 = arith.constant 0 : i32
    %add3A_10 = arith.addi %mul3A_8, %add3A_9 : i32
    %dma_start3A = arith.constant 0 : i32
    %dma_start3A_11 = tpu.memref_slice %arg6[%dma_start3A] : memref<64xi32, #tpu.memory_space<vmem>> -> memref<32xi32, #tpu.memory_space<vmem>>
    %dma_start3A_12 = arith.constant 0 : i32
    %dma_start3A_13 = arith.constant 0 : i32
    %dma_start3A_14 = tpu.memref_slice %arg2[%dma_start3A_12, %dma_start3A_13] : memref<9600x1024xf32, #tpu.memory_space<hbm>> -> memref<9600x1024xf32, #tpu.memory_space<hbm>>
    tpu.enqueue_indirect_dma source(%dma_start3A_14 : memref<9600x1024xf32, #tpu.memory_space<hbm>>) target(%arg8 : memref<32x1024xf32, #tpu.memory_space<vmem>>) offsets(%dma_start3A_11 : memref<32xi32, #tpu.memory_space<vmem>>) semaphore(%arg10 : memref<!tpu.dma_semaphore, #tpu.memory_space<semaphore_mem>>)
    %dma_start3A_15 = arith.constant 0 : i32
    %dma_start3A_16 = tpu.memref_slice %arg7[%dma_start3A_15] : memref<64xi32, #tpu.memory_space<vmem>> -> memref<32xi32, #tpu.memory_space<vmem>>
    %dma_start3A_17 = arith.constant 0 : i32
    %dma_start3A_18 = arith.constant 0 : i32
    %dma_start3A_19 = tpu.memref_slice %arg2[%dma_start3A_17, %dma_start3A_18] : memref<9600x1024xf32, #tpu.memory_space<hbm>> -> memref<9600x1024xf32, #tpu.memory_space<hbm>>
    tpu.enqueue_indirect_dma source(%dma_start3A_19 : memref<9600x1024xf32, #tpu.memory_space<hbm>>) target(%arg9 : memref<32x1024xf32, #tpu.memory_space<vmem>>) offsets(%dma_start3A_16 : memref<32xi32, #tpu.memory_space<vmem>>) semaphore(%arg11 : memref<!tpu.dma_semaphore, #tpu.memory_space<semaphore_mem>>)
    %dma_wait3A = arith.constant 0 : i32
    %dma_wait3A_20 = tpu.memref_slice %arg6[%dma_wait3A] : memref<64xi32, #tpu.memory_space<vmem>> -> memref<32xi32, #tpu.memory_space<vmem>>
    %dma_wait3A_21 = arith.constant 0 : i32
    %dma_wait3A_22 = arith.constant 0 : i32
    %dma_wait3A_23 = tpu.memref_slice %arg2[%dma_wait3A_21, %dma_wait3A_22] : memref<9600x1024xf32, #tpu.memory_space<hbm>> -> memref<9600x1024xf32, #tpu.memory_space<hbm>>
    tpu.wait_indirect_dma semaphore(%arg10 : memref<!tpu.dma_semaphore, #tpu.memory_space<semaphore_mem>>) src(%dma_wait3A_23 : memref<9600x1024xf32, #tpu.memory_space<hbm>>) dst(%arg8 : memref<32x1024xf32, #tpu.memory_space<vmem>>)
    "tpu.region"() ({
      %run_scoped3A = tpu.sem_alloc : memref<!tpu.dma_semaphore, #tpu.memory_space<semaphore_mem>>
      %dma_start3A_53 = arith.constant 0 : i32
      %dma_start3A_54 = tpu.memref_slice %arg4[%add3A_10, %dma_start3A_53] : memref<2048x1024xf32, #tpu.memory_space<hbm>> -> memref<32x1024xf32, #tpu.memory_space<hbm>>
      %dma_start3A_55 = arith.constant 0 : i32
      %dma_start3A_56 = tpu.memref_slice %arg4[%add3A_10, %dma_start3A_55] : memref<2048x1024xf32, #tpu.memory_space<hbm>> -> memref<32x1024xf32, #tpu.memory_space<hbm>>
      tpu.enqueue_dma source(%arg8 : memref<32x1024xf32, #tpu.memory_space<vmem>>) target(%dma_start3A_56 : memref<32x1024xf32, #tpu.memory_space<hbm>>) target_semaphore(%run_scoped3A : memref<!tpu.dma_semaphore, #tpu.memory_space<semaphore_mem>>)
      %dma_wait3A_57 = arith.constant 0 : i32
      %dma_wait3A_58 = tpu.memref_slice %arg4[%add3A_10, %dma_wait3A_57] : memref<2048x1024xf32, #tpu.memory_space<hbm>> -> memref<32x1024xf32, #tpu.memory_space<hbm>>
      %dma_wait3A_59 = arith.constant 0 : i32
      %dma_wait3A_60 = tpu.memref_slice %arg4[%add3A_10, %dma_wait3A_59] : memref<2048x1024xf32, #tpu.memory_space<hbm>> -> memref<32x1024xf32, #tpu.memory_space<hbm>>
      tpu.wait_dma2 semaphore(%run_scoped3A : memref<!tpu.dma_semaphore, #tpu.memory_space<semaphore_mem>>) src(%arg8 : memref<32x1024xf32, #tpu.memory_space<vmem>>) dst(%dma_wait3A_60 : memref<32x1024xf32, #tpu.memory_space<hbm>>)
      tpu.yield
    }) : () -> ()
    %dma_wait3A_24 = arith.constant 0 : i32
    %dma_wait3A_25 = tpu.memref_slice %arg7[%dma_wait3A_24] : memref<64xi32, #tpu.memory_space<vmem>> -> memref<32xi32, #tpu.memory_space<vmem>>
    %dma_wait3A_26 = arith.constant 0 : i32
    %dma_wait3A_27 = arith.constant 0 : i32
    %dma_wait3A_28 = tpu.memref_slice %arg2[%dma_wait3A_26, %dma_wait3A_27] : memref<9600x1024xf32, #tpu.memory_space<hbm>> -> memref<9600x1024xf32, #tpu.memory_space<hbm>>
    tpu.wait_indirect_dma semaphore(%arg11 : memref<!tpu.dma_semaphore, #tpu.memory_space<semaphore_mem>>) src(%dma_wait3A_28 : memref<9600x1024xf32, #tpu.memory_space<hbm>>) dst(%arg9 : memref<32x1024xf32, #tpu.memory_space<vmem>>)
    "tpu.region"() ({
      %run_scoped3A = tpu.sem_alloc : memref<!tpu.dma_semaphore, #tpu.memory_space<semaphore_mem>>
      %dma_start3A_53 = arith.constant 0 : i32
      %dma_start3A_54 = tpu.memref_slice %arg5[%add3A_10, %dma_start3A_53] : memref<2048x1024xf32, #tpu.memory_space<hbm>> -> memref<32x1024xf32, #tpu.memory_space<hbm>>
      %dma_start3A_55 = arith.constant 0 : i32
      %dma_start3A_56 = tpu.memref_slice %arg5[%add3A_10, %dma_start3A_55] : memref<2048x1024xf32, #tpu.memory_space<hbm>> -> memref<32x1024xf32, #tpu.memory_space<hbm>>
      tpu.enqueue_dma source(%arg9 : memref<32x1024xf32, #tpu.memory_space<vmem>>) target(%dma_start3A_56 : memref<32x1024xf32, #tpu.memory_space<hbm>>) target_semaphore(%run_scoped3A : memref<!tpu.dma_semaphore, #tpu.memory_space<semaphore_mem>>)
      %dma_wait3A_57 = arith.constant 0 : i32
      %dma_wait3A_58 = tpu.memref_slice %arg5[%add3A_10, %dma_wait3A_57] : memref<2048x1024xf32, #tpu.memory_space<hbm>> -> memref<32x1024xf32, #tpu.memory_space<hbm>>
      %dma_wait3A_59 = arith.constant 0 : i32
      %dma_wait3A_60 = tpu.memref_slice %arg5[%add3A_10, %dma_wait3A_59] : memref<2048x1024xf32, #tpu.memory_space<hbm>> -> memref<32x1024xf32, #tpu.memory_space<hbm>>
      tpu.wait_dma2 semaphore(%run_scoped3A : memref<!tpu.dma_semaphore, #tpu.memory_space<semaphore_mem>>) src(%arg9 : memref<32x1024xf32, #tpu.memory_space<vmem>>) dst(%dma_wait3A_60 : memref<32x1024xf32, #tpu.memory_space<hbm>>)
      tpu.yield
    }) : () -> ()
    %mul3A_29 = arith.constant 64 : i32
    %mul3A_30 = arith.muli %add3A, %mul3A_29 : i32
    %add3A_31 = arith.constant 32 : i32
    %add3A_32 = arith.addi %mul3A_30, %add3A_31 : i32
    %dma_start3A_33 = arith.constant 32 : i32
    %dma_start3A_34 = tpu.memref_slice %arg6[%dma_start3A_33] : memref<64xi32, #tpu.memory_space<vmem>> -> memref<32xi32, #tpu.memory_space<vmem>>
    %dma_start3A_35 = arith.constant 0 : i32
    %dma_start3A_36 = arith.constant 0 : i32
    %dma_start3A_37 = tpu.memref_slice %arg2[%dma_start3A_35, %dma_start3A_36] : memref<9600x1024xf32, #tpu.memory_space<hbm>> -> memref<9600x1024xf32, #tpu.memory_space<hbm>>
    tpu.enqueue_indirect_dma source(%dma_start3A_37 : memref<9600x1024xf32, #tpu.memory_space<hbm>>) target(%arg8 : memref<32x1024xf32, #tpu.memory_space<vmem>>) offsets(%dma_start3A_34 : memref<32xi32, #tpu.memory_space<vmem>>) semaphore(%arg10 : memref<!tpu.dma_semaphore, #tpu.memory_space<semaphore_mem>>)
    %dma_start3A_38 = arith.constant 32 : i32
    %dma_start3A_39 = tpu.memref_slice %arg7[%dma_start3A_38] : memref<64xi32, #tpu.memory_space<vmem>> -> memref<32xi32, #tpu.memory_space<vmem>>
    %dma_start3A_40 = arith.constant 0 : i32
    %dma_start3A_41 = arith.constant 0 : i32
    %dma_start3A_42 = tpu.memref_slice %arg2[%dma_start3A_40, %dma_start3A_41] : memref<9600x1024xf32, #tpu.memory_space<hbm>> -> memref<9600x1024xf32, #tpu.memory_space<hbm>>
    tpu.enqueue_indirect_dma source(%dma_start3A_42 : memref<9600x1024xf32, #tpu.memory_space<hbm>>) target(%arg9 : memref<32x1024xf32, #tpu.memory_space<vmem>>) offsets(%dma_start3A_39 : memref<32xi32, #tpu.memory_space<vmem>>) semaphore(%arg11 : memref<!tpu.dma_semaphore, #tpu.memory_space<semaphore_mem>>)
    %dma_wait3A_43 = arith.constant 32 : i32
    %dma_wait3A_44 = tpu.memref_slice %arg6[%dma_wait3A_43] : memref<64xi32, #tpu.memory_space<vmem>> -> memref<32xi32, #tpu.memory_space<vmem>>
    %dma_wait3A_45 = arith.constant 0 : i32
    %dma_wait3A_46 = arith.constant 0 : i32
    %dma_wait3A_47 = tpu.memref_slice %arg2[%dma_wait3A_45, %dma_wait3A_46] : memref<9600x1024xf32, #tpu.memory_space<hbm>> -> memref<9600x1024xf32, #tpu.memory_space<hbm>>
    tpu.wait_indirect_dma semaphore(%arg10 : memref<!tpu.dma_semaphore, #tpu.memory_space<semaphore_mem>>) src(%dma_wait3A_47 : memref<9600x1024xf32, #tpu.memory_space<hbm>>) dst(%arg8 : memref<32x1024xf32, #tpu.memory_space<vmem>>)
    "tpu.region"() ({
      %run_scoped3A = tpu.sem_alloc : memref<!tpu.dma_semaphore, #tpu.memory_space<semaphore_mem>>
      %dma_start3A_53 = arith.constant 0 : i32
      %dma_start3A_54 = tpu.memref_slice %arg4[%add3A_32, %dma_start3A_53] : memref<2048x1024xf32, #tpu.memory_space<hbm>> -> memref<32x1024xf32, #tpu.memory_space<hbm>>
      %dma_start3A_55 = arith.constant 0 : i32
      %dma_start3A_56 = tpu.memref_slice %arg4[%add3A_32, %dma_start3A_55] : memref<2048x1024xf32, #tpu.memory_space<hbm>> -> memref<32x1024xf32, #tpu.memory_space<hbm>>
      tpu.enqueue_dma source(%arg8 : memref<32x1024xf32, #tpu.memory_space<vmem>>) target(%dma_start3A_56 : memref<32x1024xf32, #tpu.memory_space<hbm>>) target_semaphore(%run_scoped3A : memref<!tpu.dma_semaphore, #tpu.memory_space<semaphore_mem>>)
      %dma_wait3A_57 = arith.constant 0 : i32
      %dma_wait3A_58 = tpu.memref_slice %arg4[%add3A_32, %dma_wait3A_57] : memref<2048x1024xf32, #tpu.memory_space<hbm>> -> memref<32x1024xf32, #tpu.memory_space<hbm>>
      %dma_wait3A_59 = arith.constant 0 : i32
      %dma_wait3A_60 = tpu.memref_slice %arg4[%add3A_32, %dma_wait3A_59] : memref<2048x1024xf32, #tpu.memory_space<hbm>> -> memref<32x1024xf32, #tpu.memory_space<hbm>>
      tpu.wait_dma2 semaphore(%run_scoped3A : memref<!tpu.dma_semaphore, #tpu.memory_space<semaphore_mem>>) src(%arg8 : memref<32x1024xf32, #tpu.memory_space<vmem>>) dst(%dma_wait3A_60 : memref<32x1024xf32, #tpu.memory_space<hbm>>)
      tpu.yield
    }) : () -> ()
    %dma_wait3A_48 = arith.constant 32 : i32
    %dma_wait3A_49 = tpu.memref_slice %arg7[%dma_wait3A_48] : memref<64xi32, #tpu.memory_space<vmem>> -> memref<32xi32, #tpu.memory_space<vmem>>
    %dma_wait3A_50 = arith.constant 0 : i32
    %dma_wait3A_51 = arith.constant 0 : i32
    %dma_wait3A_52 = tpu.memref_slice %arg2[%dma_wait3A_50, %dma_wait3A_51] : memref<9600x1024xf32, #tpu.memory_space<hbm>> -> memref<9600x1024xf32, #tpu.memory_space<hbm>>
    tpu.wait_indirect_dma semaphore(%arg11 : memref<!tpu.dma_semaphore, #tpu.memory_space<semaphore_mem>>) src(%dma_wait3A_52 : memref<9600x1024xf32, #tpu.memory_space<hbm>>) dst(%arg9 : memref<32x1024xf32, #tpu.memory_space<vmem>>)
    "tpu.region"() ({
      %run_scoped3A = tpu.sem_alloc : memref<!tpu.dma_semaphore, #tpu.memory_space<semaphore_mem>>
      %dma_start3A_53 = arith.constant 0 : i32
      %dma_start3A_54 = tpu.memref_slice %arg5[%add3A_32, %dma_start3A_53] : memref<2048x1024xf32, #tpu.memory_space<hbm>> -> memref<32x1024xf32, #tpu.memory_space<hbm>>
      %dma_start3A_55 = arith.constant 0 : i32
      %dma_start3A_56 = tpu.memref_slice %arg5[%add3A_32, %dma_start3A_55] : memref<2048x1024xf32, #tpu.memory_space<hbm>> -> memref<32x1024xf32, #tpu.memory_space<hbm>>
      tpu.enqueue_dma source(%arg9 : memref<32x1024xf32, #tpu.memory_space<vmem>>) target(%dma_start3A_56 : memref<32x1024xf32, #tpu.memory_space<hbm>>) target_semaphore(%run_scoped3A : memref<!tpu.dma_semaphore, #tpu.memory_space<semaphore_mem>>)
      %dma_wait3A_57 = arith.constant 0 : i32
      %dma_wait3A_58 = tpu.memref_slice %arg5[%add3A_32, %dma_wait3A_57] : memref<2048x1024xf32, #tpu.memory_space<hbm>> -> memref<32x1024xf32, #tpu.memory_space<hbm>>
      %dma_wait3A_59 = arith.constant 0 : i32
      %dma_wait3A_60 = tpu.memref_slice %arg5[%add3A_32, %dma_wait3A_59] : memref<2048x1024xf32, #tpu.memory_space<hbm>> -> memref<32x1024xf32, #tpu.memory_space<hbm>>
      tpu.wait_dma2 semaphore(%run_scoped3A : memref<!tpu.dma_semaphore, #tpu.memory_space<semaphore_mem>>) src(%arg9 : memref<32x1024xf32, #tpu.memory_space<vmem>>) dst(%dma_wait3A_60 : memref<32x1024xf32, #tpu.memory_space<hbm>>)
      tpu.yield
    }) : () -> ()
    return
  }
}

module attributes {stable_mosaic.version = 14 : i64} {
  func.func @_grouped_body(%arg0: i32, %arg1: memref<32xi32, #tpu.memory_space<smem>>, %arg2: memref<640x1024xf32, #tpu.memory_space<vmem>>, %arg3: memref<1x1408x1024xf32, #tpu.memory_space<vmem>>, %arg4: memref<1x1408x1024xf32, #tpu.memory_space<vmem>>, %arg5: memref<1x1024x1408xf32, #tpu.memory_space<vmem>>, %arg6: memref<640x1024xf32, #tpu.memory_space<vmem>>) attributes {dimension_semantics = [#tpu.dimension_semantics<arbitrary>], iteration_bounds = array<i64: 15>, scalar_prefetch = 1 : i64, scratch_operands = 0 : i64, tpu.core_type = #tpu.core_type<tc>, window_params = [{transform_indices = @transform_0, window_bounds = array<i64: 640, 1024>}, {transform_indices = @transform_1, window_bounds = array<i64: 1, 1408, 1024>}, {transform_indices = @transform_2, window_bounds = array<i64: 1, 1408, 1024>}, {transform_indices = @transform_3, window_bounds = array<i64: 1, 1024, 1408>}, {transform_indices = @transform_4, window_bounds = array<i64: 640, 1024>}]} {
    %get3A = arith.index_cast %arg0 : i32 to index
    %get3A_0 = memref.load %arg1[%get3A] : memref<32xi32, #tpu.memory_space<smem>>
    %lt3A = arith.constant 8 : i32
    %lt3A_1 = arith.cmpi slt, %get3A_0, %lt3A : i32
    %convert_element_type3A = arith.extui %lt3A_1 : i1 to i32
    %cond3A = arith.constant 0 : i32
    %cond3A_2 = arith.cmpi ne, %convert_element_type3A, %cond3A : i32
    scf.if %cond3A_2 {
      %get3A_3 = arith.constant 0 : index
      %get3A_4 = arith.constant 0 : index
      %get3A_5 = vector.load %arg2[%get3A_3, %get3A_4] : memref<640x1024xf32, #tpu.memory_space<vmem>>, vector<640x1024xf32>
      %convert_element_type3A_6 = arith.truncf %get3A_5 : vector<640x1024xf32> to vector<640x1024xbf16>
      %get3A_7 = arith.constant 0 : index
      %get3A_8 = arith.constant 0 : index
      %get3A_9 = arith.constant 0 : index
      %get3A_10 = vector.load %arg3[%get3A_7, %get3A_8, %get3A_9] : memref<1x1408x1024xf32, #tpu.memory_space<vmem>>, vector<1x1408x1024xf32>
      %get3A_11 = vector.shape_cast %get3A_10 : vector<1x1408x1024xf32> to vector<1408x1024xf32>
      %convert_element_type3A_12 = arith.truncf %get3A_11 : vector<1408x1024xf32> to vector<1408x1024xbf16>
      %get3A_13 = arith.constant 0 : index
      %get3A_14 = arith.constant 0 : index
      %get3A_15 = arith.constant 0 : index
      %get3A_16 = vector.load %arg4[%get3A_13, %get3A_14, %get3A_15] : memref<1x1408x1024xf32, #tpu.memory_space<vmem>>, vector<1x1408x1024xf32>
      %get3A_17 = vector.shape_cast %get3A_16 : vector<1x1408x1024xf32> to vector<1408x1024xf32>
      %convert_element_type3A_18 = arith.truncf %get3A_17 : vector<1408x1024xf32> to vector<1408x1024xbf16>
      %dot_general3A = arith.constant dense<0.000000e+00> : vector<640x1408xf32>
      %dot_general3A_19 = tpu.matmul %convert_element_type3A_6, %convert_element_type3A_12, %dot_general3A {dimension_numbers = #tpu.dot_dimension_numbers<[1], [1], [0], [0], [0, 0, 1, 0], [], []>, transpose_lhs_hint = false} : vector<640x1024xbf16>, vector<1408x1024xbf16>, vector<640x1408xf32> -> vector<640x1408xf32>
      %dot_general3A_20 = arith.constant dense<0.000000e+00> : vector<640x1408xf32>
      %dot_general3A_21 = tpu.matmul %convert_element_type3A_6, %convert_element_type3A_18, %dot_general3A_20 {dimension_numbers = #tpu.dot_dimension_numbers<[1], [1], [0], [0], [0, 0, 1, 0], [], []>, transpose_lhs_hint = false} : vector<640x1024xbf16>, vector<1408x1024xbf16>, vector<640x1408xf32> -> vector<640x1408xf32>
      %neg3A = arith.constant 0.000000e+00 : f32
      %neg3A_22 = vector.broadcast %neg3A : f32 to vector<640x1408xf32>
      %neg3A_23 = arith.subf %neg3A_22, %dot_general3A_19 : vector<640x1408xf32>
      %exp3A = math.exp %neg3A_23 : vector<640x1408xf32>
      %add3A = arith.constant 1.000000e+00 : f32
      %add3A_24 = vector.broadcast %add3A : f32 to vector<640x1408xf32>
      %add3A_25 = arith.addf %add3A_24, %exp3A : vector<640x1408xf32>
      %div3A = arith.constant 1.000000e+00 : f32
      %div3A_26 = vector.broadcast %div3A : f32 to vector<640x1408xf32>
      %div3A_27 = arith.divf %div3A_26, %add3A_25 : vector<640x1408xf32>
      %mul3A = arith.mulf %dot_general3A_19, %div3A_27 : vector<640x1408xf32>
      %mul3A_28 = arith.mulf %mul3A, %dot_general3A_21 : vector<640x1408xf32>
      %convert_element_type3A_29 = arith.truncf %mul3A_28 : vector<640x1408xf32> to vector<640x1408xbf16>
      %get3A_30 = arith.constant 0 : index
      %get3A_31 = arith.constant 0 : index
      %get3A_32 = arith.constant 0 : index
      %get3A_33 = vector.load %arg5[%get3A_30, %get3A_31, %get3A_32] : memref<1x1024x1408xf32, #tpu.memory_space<vmem>>, vector<1x1024x1408xf32>
      %get3A_34 = vector.shape_cast %get3A_33 : vector<1x1024x1408xf32> to vector<1024x1408xf32>
      %convert_element_type3A_35 = arith.truncf %get3A_34 : vector<1024x1408xf32> to vector<1024x1408xbf16>
      %dot_general3A_36 = arith.constant dense<0.000000e+00> : vector<640x1024xf32>
      %dot_general3A_37 = tpu.matmul %convert_element_type3A_29, %convert_element_type3A_35, %dot_general3A_36 {dimension_numbers = #tpu.dot_dimension_numbers<[1], [1], [0], [0], [0, 0, 1, 0], [], []>, transpose_lhs_hint = false} : vector<640x1408xbf16>, vector<1024x1408xbf16>, vector<640x1024xf32> -> vector<640x1024xf32>
      %swap3A = arith.constant 0 : index
      %swap3A_38 = arith.constant 0 : index
      %swap3A_39 = vector.load %arg6[%swap3A, %swap3A_38] : memref<640x1024xf32, #tpu.memory_space<vmem>>, vector<640x1024xf32>
      tpu.vector_store %arg6[%swap3A, %swap3A_38], %dot_general3A_37 {strides = array<i32>} : memref<640x1024xf32, #tpu.memory_space<vmem>>, vector<640x1024xf32>,
    } else {
    }
    return
  }
  func.func @transform_0(%arg0: i32, %arg1: memref<32xi32, #tpu.memory_space<smem>>) -> (i32, i32) {
    %c0_i32 = arith.constant 0 : i32
    %c0_i32_0 = arith.constant 0 : i32
    return %arg0, %c0_i32 : i32, i32
  }
  func.func @transform_1(%arg0: i32, %arg1: memref<32xi32, #tpu.memory_space<smem>>) -> (i32, i32, i32) {
    %get3A = arith.index_cast %arg0 : i32 to index
    %get3A_0 = memref.load %arg1[%get3A] : memref<32xi32, #tpu.memory_space<smem>>
    %min3A = arith.constant 7 : i32
    %min3A_1 = arith.minsi %get3A_0, %min3A : i32
    %c0_i32 = arith.constant 0 : i32
    %c0_i32_2 = arith.constant 0 : i32
    %c0_i32_3 = arith.constant 0 : i32
    return %min3A_1, %c0_i32, %c0_i32_2 : i32, i32, i32
  }
  func.func @transform_2(%arg0: i32, %arg1: memref<32xi32, #tpu.memory_space<smem>>) -> (i32, i32, i32) {
    %get3A = arith.index_cast %arg0 : i32 to index
    %get3A_0 = memref.load %arg1[%get3A] : memref<32xi32, #tpu.memory_space<smem>>
    %min3A = arith.constant 7 : i32
    %min3A_1 = arith.minsi %get3A_0, %min3A : i32
    %c1_i32 = arith.constant 1 : i32
    %c0_i32 = arith.constant 0 : i32
    %c0_i32_2 = arith.constant 0 : i32
    return %min3A_1, %c1_i32, %c0_i32 : i32, i32, i32
  }
  func.func @transform_3(%arg0: i32, %arg1: memref<32xi32, #tpu.memory_space<smem>>) -> (i32, i32, i32) {
    %get3A = arith.index_cast %arg0 : i32 to index
    %get3A_0 = memref.load %arg1[%get3A] : memref<32xi32, #tpu.memory_space<smem>>
    %min3A = arith.constant 7 : i32
    %min3A_1 = arith.minsi %get3A_0, %min3A : i32
    %c0_i32 = arith.constant 0 : i32
    %c0_i32_2 = arith.constant 0 : i32
    %c0_i32_3 = arith.constant 0 : i32
    return %min3A_1, %c0_i32, %c0_i32_2 : i32, i32, i32
  }
  func.func @transform_4(%arg0: i32, %arg1: memref<32xi32, #tpu.memory_space<smem>>) -> (i32, i32) {
    %c0_i32 = arith.constant 0 : i32
    %c0_i32_0 = arith.constant 0 : i32
    return %arg0, %c0_i32 : i32, i32
  }
}

module attributes {stable_mosaic.version = 14 : i64} {
  func.func @_router_body(%arg0: memref<2048x1024xf32, #tpu.memory_space<vmem>>, %arg1: memref<8x1024xf32, #tpu.memory_space<vmem>>, %arg2: memref<1x1024xf32, #tpu.memory_space<vmem>>, %arg3: memref<2048x1xi32, #tpu.memory_space<vmem>>, %arg4: memref<2048x1xi32, #tpu.memory_space<vmem>>, %arg5: memref<2048x1xf32, #tpu.memory_space<vmem>>, %arg6: memref<2048x1xf32, #tpu.memory_space<vmem>>, %arg7: memref<2048x1xf32, #tpu.memory_space<vmem>>) attributes {dimension_semantics = [], scalar_prefetch = 0 : i64, scratch_operands = 0 : i64, tpu.core_type = #tpu.core_type<tc>} {
    %get3A = arith.constant 0 : index
    %get3A_0 = arith.constant 0 : index
    %get3A_1 = vector.load %arg0[%get3A, %get3A_0] : memref<2048x1024xf32, #tpu.memory_space<vmem>>, vector<2048x1024xf32>
    %get3A_2 = arith.constant 0 : index
    %get3A_3 = arith.constant 0 : index
    %get3A_4 = vector.load %arg1[%get3A_2, %get3A_3] : memref<8x1024xf32, #tpu.memory_space<vmem>>, vector<8x1024xf32>
    %dot_general3A = arith.constant dense<0.000000e+00> : vector<2048x8xf32>
    %dot_general3A_5 = tpu.matmul %get3A_1, %get3A_4, %dot_general3A {dimension_numbers = #tpu.dot_dimension_numbers<[1], [1], [0], [0], [0, 0, 1, 0], [], []>, transpose_lhs_hint = false} : vector<2048x1024xf32>, vector<8x1024xf32>, vector<2048x8xf32> -> vector<2048x8xf32>
    %reduce_max3A = arith.constant dense<0xFF800000> : vector<2048xf32>
    %reduce_max3A_6 = vector.multi_reduction <maximumf>, %dot_general3A_5, %reduce_max3A [1] : vector<2048x8xf32> to vector<2048xf32>
    %broadcast_in_dim3A = vector.shape_cast %reduce_max3A_6 : vector<2048xf32> to vector<2048x1xf32>
    %sub3A = vector.broadcast %broadcast_in_dim3A : vector<2048x1xf32> to vector<2048x8xf32>
    %sub3A_7 = arith.subf %dot_general3A_5, %sub3A : vector<2048x8xf32>
    %exp3A = math.exp %sub3A_7 : vector<2048x8xf32>
    %reduce_sum3A = arith.constant dense<0.000000e+00> : vector<2048xf32>
    %reduce_sum3A_8 = vector.multi_reduction <add>, %exp3A, %reduce_sum3A [1] : vector<2048x8xf32> to vector<2048xf32>
    %broadcast_in_dim3A_9 = vector.shape_cast %reduce_sum3A_8 : vector<2048xf32> to vector<2048x1xf32>
    %div3A = vector.broadcast %broadcast_in_dim3A_9 : vector<2048x1xf32> to vector<2048x8xf32>
    %div3A_10 = arith.divf %exp3A, %div3A : vector<2048x8xf32>
    %iota3A = tpu.iota {dimensions = array<i32: 1>} : vector<2048x8xi32>
    %reduce_max3A_11 = arith.constant dense<0xFF800000> : vector<2048xf32>
    %reduce_max3A_12 = vector.multi_reduction <maximumf>, %div3A_10, %reduce_max3A_11 [1] : vector<2048x8xf32> to vector<2048xf32>
    %broadcast_in_dim3A_13 = vector.shape_cast %reduce_max3A_12 : vector<2048xf32> to vector<2048x1xf32>
    %eq3A = vector.broadcast %broadcast_in_dim3A_13 : vector<2048x1xf32> to vector<2048x8xf32>
    %eq3A_14 = arith.cmpf oeq, %div3A_10, %eq3A : vector<2048x8xf32>
    %jit3A = arith.constant 8 : i32
    %broadcast_in_dim3A_15 = vector.broadcast %jit3A : i32 to vector<2048x8xi32>
    %select_n3A = arith.select %eq3A_14, %iota3A, %broadcast_in_dim3A_15 : vector<2048x8xi1>, vector<2048x8xi32>
    %reduce_min3A = arith.constant dense<2147483647> : vector<2048xi32>
    %reduce_min3A_16 = vector.multi_reduction <minsi>, %select_n3A, %reduce_min3A [1] : vector<2048x8xi32> to vector<2048xi32>
    %broadcast_in_dim3A_17 = vector.shape_cast %reduce_min3A_16 : vector<2048xi32> to vector<2048x1xi32>
    %eq3A_18 = vector.broadcast %broadcast_in_dim3A_17 : vector<2048x1xi32> to vector<2048x8xi32>
    %eq3A_19 = arith.cmpi eq, %iota3A, %eq3A_18 : vector<2048x8xi32>
    %jit3A_20 = arith.constant -1.000000e+30 : f32
    %broadcast_in_dim3A_21 = vector.broadcast %jit3A_20 : f32 to vector<2048x8xf32>
    %select_n3A_22 = arith.select %eq3A_19, %broadcast_in_dim3A_21, %div3A_10 : vector<2048x8xi1>, vector<2048x8xf32>
    %reduce_max3A_23 = arith.constant dense<0xFF800000> : vector<2048xf32>
    %reduce_max3A_24 = vector.multi_reduction <maximumf>, %select_n3A_22, %reduce_max3A_23 [1] : vector<2048x8xf32> to vector<2048xf32>
    %broadcast_in_dim3A_25 = vector.shape_cast %reduce_max3A_24 : vector<2048xf32> to vector<2048x1xf32>
    %eq3A_26 = vector.broadcast %broadcast_in_dim3A_25 : vector<2048x1xf32> to vector<2048x8xf32>
    %eq3A_27 = arith.cmpf oeq, %select_n3A_22, %eq3A_26 : vector<2048x8xf32>
    %jit3A_28 = arith.constant 8 : i32
    %broadcast_in_dim3A_29 = vector.broadcast %jit3A_28 : i32 to vector<2048x8xi32>
    %select_n3A_30 = arith.select %eq3A_27, %iota3A, %broadcast_in_dim3A_29 : vector<2048x8xi1>, vector<2048x8xi32>
    %reduce_min3A_31 = arith.constant dense<2147483647> : vector<2048xi32>
    %reduce_min3A_32 = vector.multi_reduction <minsi>, %select_n3A_30, %reduce_min3A_31 [1] : vector<2048x8xi32> to vector<2048xi32>
    %broadcast_in_dim3A_33 = vector.shape_cast %reduce_min3A_32 : vector<2048xi32> to vector<2048x1xi32>
    %swap3A = arith.constant 0 : index
    %swap3A_34 = arith.constant 0 : index
    %swap3A_35 = vector.load %arg3[%swap3A, %swap3A_34] : memref<2048x1xi32, #tpu.memory_space<vmem>>, vector<2048x1xi32>
    tpu.vector_store %arg3[%swap3A, %swap3A_34], %broadcast_in_dim3A_17 {strides = array<i32>} : memref<2048x1xi32, #tpu.memory_space<vmem>>, vector<2048x1xi32>,
    %swap3A_36 = arith.constant 0 : index
    %swap3A_37 = arith.constant 0 : index
    %swap3A_38 = vector.load %arg4[%swap3A_36, %swap3A_37] : memref<2048x1xi32, #tpu.memory_space<vmem>>, vector<2048x1xi32>
    tpu.vector_store %arg4[%swap3A_36, %swap3A_37], %broadcast_in_dim3A_33 {strides = array<i32>} : memref<2048x1xi32, #tpu.memory_space<vmem>>, vector<2048x1xi32>,
    %swap3A_39 = arith.constant 0 : index
    %swap3A_40 = arith.constant 0 : index
    %swap3A_41 = vector.load %arg5[%swap3A_39, %swap3A_40] : memref<2048x1xf32, #tpu.memory_space<vmem>>, vector<2048x1xf32>
    tpu.vector_store %arg5[%swap3A_39, %swap3A_40], %broadcast_in_dim3A_13 {strides = array<i32>} : memref<2048x1xf32, #tpu.memory_space<vmem>>, vector<2048x1xf32>,
    %swap3A_42 = arith.constant 0 : index
    %swap3A_43 = arith.constant 0 : index
    %swap3A_44 = vector.load %arg6[%swap3A_42, %swap3A_43] : memref<2048x1xf32, #tpu.memory_space<vmem>>, vector<2048x1xf32>
    tpu.vector_store %arg6[%swap3A_42, %swap3A_43], %broadcast_in_dim3A_25 {strides = array<i32>} : memref<2048x1xf32, #tpu.memory_space<vmem>>, vector<2048x1xf32>,
    %get3A_45 = arith.constant 0 : index
    %get3A_46 = arith.constant 0 : index
    %get3A_47 = vector.load %arg2[%get3A_45, %get3A_46] : memref<1x1024xf32, #tpu.memory_space<vmem>>, vector<1x1024xf32>
    %dot_general3A_48 = arith.constant dense<0.000000e+00> : vector<2048x1xf32>
    %dot_general3A_49 = tpu.matmul %get3A_1, %get3A_47, %dot_general3A_48 {dimension_numbers = #tpu.dot_dimension_numbers<[1], [1], [0], [0], [0, 0, 1, 0], [], []>, transpose_lhs_hint = false} : vector<2048x1024xf32>, vector<1x1024xf32>, vector<2048x1xf32> -> vector<2048x1xf32>
    %neg3A = arith.constant 0.000000e+00 : f32
    %neg3A_50 = vector.broadcast %neg3A : f32 to vector<2048x1xf32>
    %neg3A_51 = arith.subf %neg3A_50, %dot_general3A_49 : vector<2048x1xf32>
    %exp3A_52 = math.exp %neg3A_51 : vector<2048x1xf32>
    %add3A = arith.constant 1.000000e+00 : f32
    %add3A_53 = vector.broadcast %add3A : f32 to vector<2048x1xf32>
    %add3A_54 = arith.addf %add3A_53, %exp3A_52 : vector<2048x1xf32>
    %div3A_55 = arith.constant 1.000000e+00 : f32
    %div3A_56 = vector.broadcast %div3A_55 : f32 to vector<2048x1xf32>
    %div3A_57 = arith.divf %div3A_56, %add3A_54 : vector<2048x1xf32>
    %swap3A_58 = arith.constant 0 : index
    %swap3A_59 = arith.constant 0 : index
    %swap3A_60 = vector.load %arg7[%swap3A_58, %swap3A_59] : memref<2048x1xf32, #tpu.memory_space<vmem>>, vector<2048x1xf32>
    tpu.vector_store %arg7[%swap3A_58, %swap3A_59], %div3A_57 {strides = array<i32>} : memref<2048x1xf32, #tpu.memory_space<vmem>>, vector<2048x1xf32>,
    return
  }
}

module attributes {stable_mosaic.version = 14 : i64} {
  func.func @_shared_body(%arg0: i32, %arg1: memref<2048x1024xbf16, #tpu.memory_space<vmem>>, %arg2: memref<512x1024xf32, #tpu.memory_space<vmem>>, %arg3: memref<512x1024xf32, #tpu.memory_space<vmem>>, %arg4: memref<1024x512xf32, #tpu.memory_space<vmem>>, %arg5: memref<2048x1024xf32, #tpu.memory_space<vmem>>) attributes {dimension_semantics = [#tpu.dimension_semantics<arbitrary>], iteration_bounds = array<i64: 11>, scalar_prefetch = 0 : i64, scratch_operands = 0 : i64, tpu.core_type = #tpu.core_type<tc>, window_params = [{pipeline_mode = #tpu.pipeline_mode<synchronous>, transform_indices = @transform_0, window_bounds = array<i64: 2048, 1024>}, {transform_indices = @transform_1, window_bounds = array<i64: 512, 1024>}, {transform_indices = @transform_2, window_bounds = array<i64: 512, 1024>}, {transform_indices = @transform_3, window_bounds = array<i64: 1024, 512>}, {pipeline_mode = #tpu.pipeline_mode<synchronous>, transform_indices = @transform_4, window_bounds = array<i64: 2048, 1024>}]} {
    %get3A = arith.constant 0 : index
    %get3A_0 = arith.constant 0 : index
    %get3A_1 = vector.load %arg1[%get3A, %get3A_0] : memref<2048x1024xbf16, #tpu.memory_space<vmem>>, vector<2048x1024xbf16>
    %get3A_2 = arith.constant 0 : index
    %get3A_3 = arith.constant 0 : index
    %get3A_4 = vector.load %arg2[%get3A_2, %get3A_3] : memref<512x1024xf32, #tpu.memory_space<vmem>>, vector<512x1024xf32>
    %convert_element_type3A = arith.truncf %get3A_4 : vector<512x1024xf32> to vector<512x1024xbf16>
    %get3A_5 = arith.constant 0 : index
    %get3A_6 = arith.constant 0 : index
    %get3A_7 = vector.load %arg3[%get3A_5, %get3A_6] : memref<512x1024xf32, #tpu.memory_space<vmem>>, vector<512x1024xf32>
    %convert_element_type3A_8 = arith.truncf %get3A_7 : vector<512x1024xf32> to vector<512x1024xbf16>
    %dot_general3A = arith.constant dense<0.000000e+00> : vector<2048x512xf32>
    %dot_general3A_9 = tpu.matmul %get3A_1, %convert_element_type3A, %dot_general3A {dimension_numbers = #tpu.dot_dimension_numbers<[1], [1], [0], [0], [0, 0, 1, 0], [], []>, transpose_lhs_hint = false} : vector<2048x1024xbf16>, vector<512x1024xbf16>, vector<2048x512xf32> -> vector<2048x512xf32>
    %dot_general3A_10 = arith.constant dense<0.000000e+00> : vector<2048x512xf32>
    %dot_general3A_11 = tpu.matmul %get3A_1, %convert_element_type3A_8, %dot_general3A_10 {dimension_numbers = #tpu.dot_dimension_numbers<[1], [1], [0], [0], [0, 0, 1, 0], [], []>, transpose_lhs_hint = false} : vector<2048x1024xbf16>, vector<512x1024xbf16>, vector<2048x512xf32> -> vector<2048x512xf32>
    %neg3A = arith.constant 0.000000e+00 : f32
    %neg3A_12 = vector.broadcast %neg3A : f32 to vector<2048x512xf32>
    %neg3A_13 = arith.subf %neg3A_12, %dot_general3A_9 : vector<2048x512xf32>
    %exp3A = math.exp %neg3A_13 : vector<2048x512xf32>
    %add3A = arith.constant 1.000000e+00 : f32
    %add3A_14 = vector.broadcast %add3A : f32 to vector<2048x512xf32>
    %add3A_15 = arith.addf %add3A_14, %exp3A : vector<2048x512xf32>
    %div3A = arith.constant 1.000000e+00 : f32
    %div3A_16 = vector.broadcast %div3A : f32 to vector<2048x512xf32>
    %div3A_17 = arith.divf %div3A_16, %add3A_15 : vector<2048x512xf32>
    %mul3A = arith.mulf %dot_general3A_9, %div3A_17 : vector<2048x512xf32>
    %mul3A_18 = arith.mulf %mul3A, %dot_general3A_11 : vector<2048x512xf32>
    %convert_element_type3A_19 = arith.truncf %mul3A_18 : vector<2048x512xf32> to vector<2048x512xbf16>
    %get3A_20 = arith.constant 0 : index
    %get3A_21 = arith.constant 0 : index
    %get3A_22 = vector.load %arg4[%get3A_20, %get3A_21] : memref<1024x512xf32, #tpu.memory_space<vmem>>, vector<1024x512xf32>
    %convert_element_type3A_23 = arith.truncf %get3A_22 : vector<1024x512xf32> to vector<1024x512xbf16>
    %dot_general3A_24 = arith.constant dense<0.000000e+00> : vector<2048x1024xf32>
    %dot_general3A_25 = tpu.matmul %convert_element_type3A_19, %convert_element_type3A_23, %dot_general3A_24 {dimension_numbers = #tpu.dot_dimension_numbers<[1], [1], [0], [0], [0, 0, 1, 0], [], []>, transpose_lhs_hint = false} : vector<2048x512xbf16>, vector<1024x512xbf16>, vector<2048x1024xf32> -> vector<2048x1024xf32>
    %eq3A = arith.constant 0 : i32
    %eq3A_26 = arith.cmpi eq, %arg0, %eq3A : i32
    %convert_element_type3A_27 = arith.extui %eq3A_26 : i1 to i32
    %cond3A = arith.constant 0 : i32
    %cond3A_28 = arith.cmpi ne, %convert_element_type3A_27, %cond3A : i32
    scf.if %cond3A_28 {
      %swap3A = arith.constant 0 : index
      %swap3A_33 = arith.constant 0 : index
      %swap3A_34 = vector.load %arg5[%swap3A, %swap3A_33] : memref<2048x1024xf32, #tpu.memory_space<vmem>>, vector<2048x1024xf32>
      tpu.vector_store %arg5[%swap3A, %swap3A_33], %dot_general3A_25 {strides = array<i32>} : memref<2048x1024xf32, #tpu.memory_space<vmem>>, vector<2048x1024xf32>,
    } else {
    }
    %gt3A = arith.constant 0 : i32
    %gt3A_29 = arith.cmpi sgt, %arg0, %gt3A : i32
    %convert_element_type3A_30 = arith.extui %gt3A_29 : i1 to i32
    %cond3A_31 = arith.constant 0 : i32
    %cond3A_32 = arith.cmpi ne, %convert_element_type3A_30, %cond3A_31 : i32
    scf.if %cond3A_32 {
      %get3A_33 = arith.constant 0 : index
      %get3A_34 = arith.constant 0 : index
      %get3A_35 = vector.load %arg5[%get3A_33, %get3A_34] : memref<2048x1024xf32, #tpu.memory_space<vmem>>, vector<2048x1024xf32>
      %add3A_36 = arith.addf %get3A_35, %dot_general3A_25 : vector<2048x1024xf32>
      %swap3A = arith.constant 0 : index
      %swap3A_37 = arith.constant 0 : index
      %swap3A_38 = vector.load %arg5[%swap3A, %swap3A_37] : memref<2048x1024xf32, #tpu.memory_space<vmem>>, vector<2048x1024xf32>
      tpu.vector_store %arg5[%swap3A, %swap3A_37], %add3A_36 {strides = array<i32>} : memref<2048x1024xf32, #tpu.memory_space<vmem>>, vector<2048x1024xf32>,
    } else {
    }
    return
  }
  func.func @transform_0(%arg0: i32) -> (i32, i32) {
    %c0_i32 = arith.constant 0 : i32
    %c0_i32_0 = arith.constant 0 : i32
    %c0_i32_1 = arith.constant 0 : i32
    return %c0_i32, %c0_i32_0 : i32, i32
  }
  func.func @transform_1(%arg0: i32) -> (i32, i32) {
    %c0_i32 = arith.constant 0 : i32
    %c0_i32_0 = arith.constant 0 : i32
    return %arg0, %c0_i32 : i32, i32
  }
  func.func @transform_2(%arg0: i32) -> (i32, i32) {
    %add3A = arith.constant 11 : i32
    %add3A_0 = arith.addi %arg0, %add3A : i32
    %c0_i32 = arith.constant 0 : i32
    %c0_i32_1 = arith.constant 0 : i32
    return %add3A_0, %c0_i32 : i32, i32
  }
  func.func @transform_3(%arg0: i32) -> (i32, i32) {
    %c0_i32 = arith.constant 0 : i32
    %c0_i32_0 = arith.constant 0 : i32
    return %c0_i32, %arg0 : i32, i32
  }
  func.func @transform_4(%arg0: i32) -> (i32, i32) {
    %c0_i32 = arith.constant 0 : i32
    %c0_i32_0 = arith.constant 0 : i32
    %c0_i32_1 = arith.constant 0 : i32
    return %c0_i32, %c0_i32_0 : i32, i32
  }
}

module attributes {stable_mosaic.version = 14 : i64} {
  func.func @_final_body(%arg0: memref<2048x1024xf32, #tpu.memory_space<vmem>>, %arg1: memref<2048x1xf32, #tpu.memory_space<vmem>>, %arg2: memref<2048x1024xf32, #tpu.memory_space<vmem>>, %arg3: memref<2048x1024xf32, #tpu.memory_space<vmem>>, %arg4: memref<2048x1xf32, #tpu.memory_space<vmem>>, %arg5: memref<2048x1xf32, #tpu.memory_space<vmem>>, %arg6: memref<2048x1024xf32, #tpu.memory_space<vmem>>) attributes {dimension_semantics = [], scalar_prefetch = 0 : i64, scratch_operands = 0 : i64, tpu.core_type = #tpu.core_type<tc>} {
    %get3A = arith.constant 0 : index
    %get3A_0 = arith.constant 0 : index
    %get3A_1 = vector.load %arg0[%get3A, %get3A_0] : memref<2048x1024xf32, #tpu.memory_space<vmem>>, vector<2048x1024xf32>
    %get3A_2 = arith.constant 0 : index
    %get3A_3 = arith.constant 0 : index
    %get3A_4 = vector.load %arg1[%get3A_2, %get3A_3] : memref<2048x1xf32, #tpu.memory_space<vmem>>, vector<2048x1xf32>
    %mul3A = vector.broadcast %get3A_4 : vector<2048x1xf32> to vector<2048x1024xf32>
    %mul3A_5 = arith.mulf %get3A_1, %mul3A : vector<2048x1024xf32>
    %get3A_6 = arith.constant 0 : index
    %get3A_7 = arith.constant 0 : index
    %get3A_8 = vector.load %arg4[%get3A_6, %get3A_7] : memref<2048x1xf32, #tpu.memory_space<vmem>>, vector<2048x1xf32>
    %get3A_9 = arith.constant 0 : index
    %get3A_10 = arith.constant 0 : index
    %get3A_11 = vector.load %arg2[%get3A_9, %get3A_10] : memref<2048x1024xf32, #tpu.memory_space<vmem>>, vector<2048x1024xf32>
    %mul3A_12 = vector.broadcast %get3A_8 : vector<2048x1xf32> to vector<2048x1024xf32>
    %mul3A_13 = arith.mulf %mul3A_12, %get3A_11 : vector<2048x1024xf32>
    %add3A = arith.addf %mul3A_5, %mul3A_13 : vector<2048x1024xf32>
    %get3A_14 = arith.constant 0 : index
    %get3A_15 = arith.constant 0 : index
    %get3A_16 = vector.load %arg5[%get3A_14, %get3A_15] : memref<2048x1xf32, #tpu.memory_space<vmem>>, vector<2048x1xf32>
    %get3A_17 = arith.constant 0 : index
    %get3A_18 = arith.constant 0 : index
    %get3A_19 = vector.load %arg3[%get3A_17, %get3A_18] : memref<2048x1024xf32, #tpu.memory_space<vmem>>, vector<2048x1024xf32>
    %mul3A_20 = vector.broadcast %get3A_16 : vector<2048x1xf32> to vector<2048x1024xf32>
    %mul3A_21 = arith.mulf %mul3A_20, %get3A_19 : vector<2048x1024xf32>
    %add3A_22 = arith.addf %add3A, %mul3A_21 : vector<2048x1024xf32>
    %swap3A = arith.constant 0 : index
    %swap3A_23 = arith.constant 0 : index
    %swap3A_24 = vector.load %arg6[%swap3A, %swap3A_23] : memref<2048x1024xf32, #tpu.memory_space<vmem>>, vector<2048x1024xf32>
    tpu.vector_store %arg6[%swap3A, %swap3A_23], %add3A_22 {strides = array<i32>} : memref<2048x1024xf32, #tpu.memory_space<vmem>>, vector<2048x1024xf32>,
    return
  }
}

</mosaic_0001>

<sc_bundles>
// kernel: _run.11.cloned.1.call-start
scs
__scs_entry_jumppad:
0x0: {  	(pc) =	sbr.rel $0x88, $3  }
0x1: {  	(tag) =	ssettag $0x0;
	lr =	simm.s32 $0x1  }
0x2: {  	[smem:$0x3F9A] =	sst lr;
	_ =	strace $0xD0000000  }
0x3: {  	_ = 	snop  }
0x4: {  	_ = 	snop  }
0x5: {  	_ = 	snop  }
0x6: {  	_ = 	snop  }
0x7: {  	_ = 	snop  }
__scs_overlays_trampoline_lowered:
0x8: {  	[smem:$0x3FA9] =	sst s0  }
0x9: {  	[smem:$0x3FAA] =	sst s1  }
0xa: {  	[smem:$0x3FAB] =	sst s2  }
0xb: {  	[smem:$0x3FAC] =	sst s3  }
0xc: {  	[smem:$0x3FAD] =	sst s4  }
0xd: {  	[smem:$0x3FAE] =	sst s5  }
0xe: {  	[smem:$0x3FAF] =	sst s6  }
0xf: {  	[smem:$0x3FB0] =	sst s7  }
0x10: {  	[smem:$0x3FB1] =	sst s8  }
0x11: {  	[smem:$0x3FB2] =	sst s9;
	s0 =	simm.s32 @!p0 $0x0  }
0x12: {  	s1 =	sld [smem:$0x3F98];
	s0 =	simm.s32 @p0 $0x1  }
0x13: {  	[smem:$0x3FB3] =	sst s0;
	s0 =	simm.s32 @!p1 $0x0  }
0x14: {  	s2 =	sld [smem:$0x3F97];
	s0 =	simm.s32 @p1 $0x1  }
0x15: {  	[smem:$0x3FB4] =	sst s0;
	s0 =	simm.s32 @!p2 $0x0  }
0x16: {  	s3 =	sld [smem:$0x3FDB];
	s0 =	simm.s32 @p2 $0x1  }
0x17: {  	s4 =	simm.s32 $0x1BF5;
	[smem:$0x3FB6] =	sst s0  }
0x18: {  	s0 =	sld [smem:$0x3F99];
	_ =	swait.ge [sflag:s4], $0x0  }
0x19: {  	s7 =	sld [smem:$0x3F9A]  }
0x1a: {  	s8 =	sadd.s32 $0xFFFFE003, lr  }
0x1b: {  	s9 =	sadd.s32 $0xFFFFFEF7, lr;
	s5 =	simm.s32 $0xFFFFFFFF;
	p2 =	slt.u32 s8, $0xFFFFF086  }
0x1c: {  	p1 =	slt.u32 s9, $0xF7A;
	s5 =	simm.s32 @!p2 $0x0  }
0x1d: {  	s5 =	simm.s32 @p1 $0x1;
	p0 =	seq.s32 s7, s2  }
0x1e: {  	s7 =	smul.u32 @!p0 $0xF7A, s2;
	p2 =	seq.s32 @!p0 s5, $0x0  }
0x1f: {  	s9 =	smul.u32 $0xF7A, s1;
	s8 =	simm.s32 @!p0 $0x1BF5;
	p2 =	por !p2, p0  }
0x20: {  	[sflag:s8] =	ssyncset.s32 @!p0 $0xFFFFF086;
	s6 =	sadd.s32 @!p0 s3, s7;
	s7 =	simm.s32 @!p0 $0x108  }
0x21: {  	s3 =	sadd.s32 s3, s9;
	s6 =	sadd.s32 @!p0 $0x88, s6;
	s7 =	simm.s32 @p2 $0x1082  }
0x22: {  	[simem:s7], [sflag:s8] =	dma.local @!p0 [hbm:s6], $0xF7A  }
0x23: {  	s9 =	sor.u32 $0xD0000000, s2;
	s6 =	simm.s32 $0x108;
	_ =	swait.ge @!p0 [sflag:s8], $0x0  }
0x24: {  	s3 =	sadd.s32 $0x88, s3;
	s6 =	simm.s32 @!p1 $0x1082;
	[sflag:s4] =	ssyncset.s32 $0xFFFFF086  }
0x25: {  	[simem:s6], [sflag:s4] =	dma.local [hbm:s3], $0xF7A  }
0x26: {  	[smem:$0x3F9A] =	sst s1;
	(tag) =	ssettag s2;
	_ =	strace s9  }
0x27: {  	s1 =	sld [smem:$0x3FAA]  }
0x28: {  	s2 =	sld [smem:$0x3FAB]  }
0x29: {  	s4 =	sld [smem:$0x3FAD]  }
0x2a: {  	p0 =	seq.s32 s5, $0x0;
	s5 =	sld [smem:$0x3FAE]  }
0x2b: {  	s6 =	sld [smem:$0x3FAF]  }
0x2c: {  	s7 =	sld [smem:$0x3FB0]  }
0x2d: {  	s3 =	simm.s32 $0x108;
	s8 =	sld [smem:$0x3FB1]  }
0x2e: {  	s3 =	simm.s32 @!p0 $0x1082;
	s9 =	sld [smem:$0x3FB2]  }
0x2f: {  	lr =	sadd.s32 s0, s3;
	s0 =	sld [smem:$0x3FA9]  }
0x30: {  	s3 =	sld [smem:$0x3FAC]  }
0x31: {  	[smem:$0x3FB5] =	sst s10  }
0x32: {  	s10 =	sld [smem:$0x3FB3];
	_ =	sdelay $0x3  }
0x33: {  	p0 =	seq.s32 s10, $0x1;
	s10 =	sld [smem:$0x3FB5];
	_ =	sdelay $0x3  }
0x34: {  	[smem:$0x3FB5] =	sst s10  }
0x35: {  	s10 =	sld [smem:$0x3FB4];
	_ =	sdelay $0x3  }
0x36: {  	p1 =	seq.s32 s10, $0x1;
	s10 =	sld [smem:$0x3FB5];
	_ =	sdelay $0x3  }
0x37: {  	[smem:$0x3FB5] =	sst s10  }
0x38: {  	s10 =	sld [smem:$0x3FB6]  }
0x39: {  	_ = 	snop;
	(pc) =	sbr.ind lr, $3  }
0x3a: {  	_ = 	snop  }
0x3b: {  	_ = 	snop  }
0x3c: {  	p2 =	seq.s32 s10, $0x1;
	s10 =	sld [smem:$0x3FB5]  }
0x3d: {  	_ =	shalt  }
0x3e: {  	_ =	shalt  }
0x3f: {  	_ =	shalt  }
0x40: {  	_ =	shalt  }
0x41: {  	_ =	shalt  }
0x42: {  	_ =	shalt  }
0x43: {  	_ =	shalt  }
0x44: {  	_ =	shalt  }
0x45: {  	_ =	shalt  }
0x46: {  	_ =	shalt  }
0x47: {  	_ =	shalt  }
0x48: {  	_ =	shalt  }
0x49: {  	_ =	shalt  }
0x4a: {  	_ =	shalt  }
0x4b: {  	_ =	shalt  }
0x4c: {  	_ =	shalt  }
0x4d: {  	_ =	shalt  }
0x4e: {  	_ =	shalt  }
0x4f: {  	_ =	shalt  }
0x50: {  	_ =	shalt  }
0x51: {  	_ =	shalt  }
0x52: {  	_ =	shalt  }
0x53: {  	_ =	shalt  }
0x54: {  	_ =	shalt  }
0x55: {  	_ =	shalt  }
0x56: {  	_ =	shalt  }
0x57: {  	_ =	shalt  }
0x58: {  	_ =	shalt  }
0x59: {  	_ =	shalt  }
0x5a: {  	_ =	shalt  }
0x5b: {  	_ =	shalt  }
0x5c: {  	_ =	shalt  }
0x5d: {  	_ =	shalt  }
0x5e: {  	_ =	shalt  }
0x5f: {  	_ =	shalt  }
0x60: {  	_ =	shalt  }
0x61: {  	_ =	shalt  }
0x62: {  	_ =	shalt  }
0x63: {  	_ =	shalt  }
0x64: {  	_ =	shalt  }
0x65: {  	_ =	shalt  }
0x66: {  	_ =	shalt  }
0x67: {  	_ =	shalt  }
0x68: {  	_ =	shalt  }
0x69: {  	_ =	shalt  }
0x6a: {  	_ =	shalt  }
0x6b: {  	_ =	shalt  }
0x6c: {  	_ =	shalt  }
0x6d: {  	_ =	shalt  }
0x6e: {  	_ =	shalt  }
0x6f: {  	_ =	shalt  }
0x70: {  	_ =	shalt  }
0x71: {  	_ =	shalt  }
0x72: {  	_ =	shalt  }
0x73: {  	_ =	shalt  }
0x74: {  	_ =	shalt  }
0x75: {  	_ =	shalt  }
0x76: {  	_ =	shalt  }
0x77: {  	_ =	shalt  }
0x78: {  	_ =	shalt  }
0x79: {  	_ =	shalt  }
0x7a: {  	_ =	shalt  }
0x7b: {  	_ =	shalt  }
0x7c: {  	_ =	shalt  }
0x7d: {  	_ =	shalt  }
0x7e: {  	_ =	shalt  }
0x7f: {  	_ =	shalt  }
0x80: {  	_ =	shalt  }
0x81: {  	_ =	shalt  }
0x82: {  	_ =	shalt  }
0x83: {  	_ =	shalt  }
0x84: {  	_ =	shalt  }
0x85: {  	_ =	shalt  }
0x86: {  	_ =	shalt  }
0x87: {  	_ =	shalt  }
.Lfunc_end0:
.L_simem_size_0:
called_computation.1_lowered:
.L_overlay_start_0:
0x88: {  	s2 =	sld [smem:$0x3FD9]  }
0x89: {  	s3 =	sld [smem:$0x3FFE];
	_ =	sdelay $0x1  }
0x8a: {  	s1 =	srdreg.scid  }
0x8b: {  	s0 =	sand.u32 $0x1, s1  }
0x8c: {  	s17 =	sshll.u32 s0, $0xA;
	s2 =	sadd.s32 s3, s2  }
0x8d: {  	s2 =	sadd.s32 s2, s17  }
0x8e: {  	[smem:$0x3FC1] =	sst s2  }
0x8f: {  	_ = 	snop  }
0x90: {  	s2 =	sld [smem:$0x3FD0];
	(tm) =	ssettm $0x1  }
0x91: {  	s18 =	sld [smem:$0x3FFB];
	_ =	sdelay $0x3  }
0x92: {  	_ =	strace s18  }
0x93: {  	s3 =	sld [smem:$0x3FFC];
	_ =	sdelay $0x3  }
0x94: {  	_ =	strace s3  }
0x95: {  	s3 =	sld [smem:$0x3FFD];
	_ =	sdelay $0x3  }
0x96: {  	_ =	strace s3  }
0x97: {  	_ =	strace $0x8FFFFFFF  }
0x98: {  	s19 =	sld [smem:$0x3FDB];
	_ =	sdelay $0x1  }
0x99: {  	s4 =	simm.s32 $_scs_section_size  }
0x9a: {  	s5 =	simm.s32 $_size__tile_overlayer_lowered;
	s6 =	simm.s32 $_tile_overlayer_lowered  }
0x9b: {  	s22 =	simm.s32 $0x1BFF;
	s21 =	sshll.u32 s6, $0x1;
	s3 =	sadd.s32 s4, s19  }
0x9c: {  	s7 =	simm.s32 $0x0;
	s20 =	sshll.u32 s5, $0x1;
	s5 =	sadd.s32 s21, s3  }
0x9d: {  	[timem:s7], [sflag:s22] =	dma.local [hbm:s5], s20  }
0x9e: {  	_ =	swait.ge [sflag:s22], s20  }
0x9f: {  	s4 =	ssub.s32 $0x0, s20;
	[sflag:s22] =	ssyncset.done $0x0  }
0xa0: {  	[sflag:s22] =	ssyncadd.s32 s4;
	_ =	sdelay $0x1  }
0xa1: {  	s23 =	simm.s32 $0x1B8B  }
0xa2: {  	_ =	swait.ge [sflag:s23], $0x1  }
0xa3: {  	[sflag:s23] =	ssyncset.done $0x0  }
0xa4: {  	s25 =	simm.s32 $0x1B8E;
	s24 =	sld [smem:$0x3FFE];
	[sflag:s23] =	ssyncadd.s32 $0xFFFFFFFF  }
0xa5: {  	s26 =	simm.s32 $execute0_lowered;
	[smem:$0x3FD2] =	sst s25  }
0xa6: {  	s5 =	sshll.u32 s26, $0x1;
	_ =	strace $0x80000049;
	[dreg:$0x1] =	wrdreg $0xFFFFFFFF  }
0xa7: {  	s28 =	simm.s32 $_size_execute0_lowered;
	s3 =	sadd.s32 s3, s5;
	[dreg:$0x0] =	wrdreg $0x0  }
0xa8: {  	s5 =	sshll.u32 s28, $0x1;
	[dreg:$0x2] =	wrdreg s3  }
0xa9: {  	[dreg:$0x3] =	wrdreg s5  }
0xaa: {  	[dreg:$0x4] =	wrdreg $0xC0  }
0xab: {  	_ =	task [dreg:s7], $0x5FFFF  }
0xac: {  	[dreg:$0x1] =	wrdreg $0xFFFFFFFF  }
0xad: {  	[dreg:$0x0] =	wrdreg $0x60  }
0xae: {  	[dreg:$0x2] =	wrdreg s24  }
0xaf: {  	[dreg:$0x3] =	wrdreg s2  }
0xb0: {  	[dreg:$0x4] =	wrdreg $0x9  }
0xb1: {  	_ =	task.clear_ibuf [dreg:s7], $0x5FFFF;
	_ =	strace $0x90000049  }
0xb2: {  	s29 =	simm.s32 $0x9;
	_ =	strace $0x8000004B  }
0xb3: {  	_ =	swait.ge [sflag:s29], $0x1  }
0xb4: {  	[sflag:s29] =	ssyncadd.s32 $0xFFFFFFFF  }
0xb5: {  	_ =	strace $0x9000004B  }
0xb6: {  	_ =	sfence  }
0xb7: {  	s30 =	sld [smem:$0x0];
	_ =	sdelay $0x2  }
0xb8: {  	s31 =	sshll.u32 s1, $0xD;
	s1 =	sshrl.u32 s1, $0x2  }
0xb9: {  	s3 =	sand.u32 $0x4000, s31;
	s1 =	sadd.s32 s1, s30  }
0xba: {  	s0 =	sor.u32 s3, s0;
	s1 =	sshll.u32 s1, $0x11  }
0xbb: {  	s0 =	sor.u32 s1, s0  }
0xbc: {  	s0 =	sadd.s32 $0x8F2B, s0  }
0xbd: {  	[sflag:s0] =	ssyncadd.remote.s32 $0x1  }
0xbe: {  	_ =	sfence.sel $0xFFFF  }
0xbf: {  	[dreg:$0x0] =	wrdreg $0xFFFFFFFF;
	(pc) =	sbr.abs _section_cstart, $3  }
0xc0: {  	[dreg:$0x1] =	wrdreg $0xFFFFFFFF  }
0xc1: {  	_ =	task.clear_ibuf [dreg:s7], $0x2FFFF;
	_ =	strace $0x9FFFFFFF  }
0xc2: {  	(tm) =	ssettm $0x7FFFFFFF  }
0xc3: {  	_ =	shalt  }
tec
execute0_lowered:
.L_overlay_start_1:
0x0: {  	(tag) =	ssettag $0x1  }
0x1: {  	s0 =	rddreg [dreg:$0x0]  }
0x2: {  	s1 =	rddreg [dreg:$0x1]  }
0x3: {  	s2 =	srdreg.scid;
	s4 =	stileid.u32;
	s26 =	simm.s32 $0x80  }
0x4: {  	s18 =	simm.s32 $0x1;
	s19 =	simm.s32 $0x2;
	s28 =	simm.s32 $0x3100  }
0x5: {  	s29 =	simm.s32 $0x3900;
	s30 =	simm.s32 $0x4100;
	s31 =	simm.s32 $0x4900  }
0x6: {  	s11 =	simm.s32 $0x6900;
	s12 =	simm.s32 $0x7100;
	s13 =	simm.s32 $0x7900  }
0x7: {  	s14 =	simm.s32 $0x8900;
	s15 =	simm.s32 $0x9100;
	s16 =	simm.s32 $0x9900  }
0x8: {  	s17 =	simm.s32 $0xA100;
	s3 =	sand.u32 $0x1, s2;
	s2 =	simm.s32 $0x0  }
0x9: {  	s4 =	sshll.u32 s4, $0x7;
	s8 =	sadd.s32 $0x1A600, s0;
	s5 =	sshll.u32 s3, $0x6  }
0xa: {  	[smem:$0x7FF] =	sst s2;
	s6 =	ssub.s32 $0x2, s3;
	s3 =	sadd.s32 $0x146A00, s0  }
0xb: {  	s4 =	sor.u32 s5, s4;
	_ =	strace $0x8000004A;
	s7 =	sshrl.u32 s6, $0x1  }
0xc: {  	[dreg:$0x9] =	wrdreg s26;
	s26 =	simm.s32 $0x2900;
	s5 =	sshrl.u32 s4, $0x3  }
0xd: {  	s7 =	ssub.s32 s6, s7;
	s23 =	sshll.u32 s4, $0x7;
	s4 =	sadd.s32 $0x146B00, s0  }
0xe: {  	s6 =	sadd.s32 $0x146D00, s0;
	s5 =	sadd.s32 s5, s0;
	s24 =	sadd.s32 s1, s23  }
0xf: {  	s9 =	sadd.s32 s8, s23;
	s10 =	sor.u32 $0x1000, s23;
	s7 =	smax.u32 s7, $0x1  }
0x10: {  	s23 =	simm.s32 $0x1900;
	s22 =	sadd.s32 $0x146800, s5;
	[dreg:$0x5] =	wrdreg s24  }
0x11: {  	s5 =	sadd.s32 $0x146900, s5;
	[dreg:$0x6] =	wrdreg s9;
	s1 =	sadd.s32 s1, s10  }
0x12: {  	s25 =	sadd.s32 s8, s10;
	s8 =	simm.s32 $0x3;
	[dreg:$0x3] =	wrdreg s22  }
0x13: {  	v2 =	vlaneseq.u32;
	s24 =	simm.s32 $0x2100;
	s10 =	simm.s32 $0x6100;
	[dreg:$0x4] =	wrdreg s5  }
0x14: {  	vm0 =	vmmov $0xffff;
	v1 =	vshrl.u32 v2, $0x3;
	s9 =	simm.s32 $0xA900;
	s5 =	sadd.s32 $0x146C00, s0;
	[dreg:$0x7] =	wrdreg s1  }
0x15: {  	v0 =	vand.u32 $0x7, v2;
	v2 =	vor.u32 $0x8, v2;
	v1 =	vmul.u32 $0x8, v1;
	[dreg:$0x8] =	wrdreg s25;
	s25 =	simm.s32 $0x100;
	s22 =	simm.s32 $0x1100  }
.LBB2_1:
0x16: {  	s20 =	rddreg [dreg:$0x3]  }
0x17: {  	[tilespmem:s2], [sflag:$0x3] =	stream.linear.gather [hbm4b:s20+s2], $0x40, $0x38;
	[tilespmem:$0x10100] =	vst v63  }
0x18: {  	_ =	swait.ge [sflag:s8], $0x40  }
0x19: {  	s1 =	rddreg [dreg:$0x4];
	[sflag:s8] =	ssyncset.done $0x0  }
0x1a: {  	s21 =	rddreg [dreg:$0x9];
	[sflag:s8] =	ssyncadd.s32 $0xFFFFFFC0  }
0x1b: {  	[tilespmem:s21], [sflag:$0x3] =	stream.linear.gather [hbm4b:s1+s2], $0x40, $0x38;
	[tilespmem:$0x10100] =	vst v63  }
0x1c: {  	_ =	swait.ge [sflag:s8], $0x40  }
0x1d: {  	[sflag:s8] =	ssyncset.done $0x0  }
0x1e: {  	[sflag:s8] =	ssyncadd.s32 $0xFFFFFFC0  }
0x1f: {  	v3 =	vld [tilespmem:$0x0];
	_ =	sdelay $0x4  }
0x20: {  	v4 =	vshll.u32 v3, $0x3  }
0x21: {  	v3 =	vand.u32 $0x7, v3;
	v4 =	vand.u32 $0xFFFFFFC0, v4  }
0x22: {  	v3 =	vor.u32 v3, v4  }
0x23: {  	v4 =	vperm.xlane v3, v0;
	_ =	sdelay $0x1  }
0x24: {  	v4 =	vadd.s32 v1, v4;
	_ =	sdelay $0x4  }
0x25: {  	[tilespmem:s25], [sflag:$0x1] =	stream.indirect_vreg.gather [hbm4b:s3+s2], $0x80, v4, vm0, $0xb8;
	[tilespmem:$0x10100] =	vst v63  }
0x26: {  	s21 =	simm.s32 $0x900;
	v3 =	vperm.xlane v3, v2  }
0x27: {  	[tilespmem:s21], [sflag:$0x1] =	stream.indirect_vreg.gather [hbm4b:s4+s2], $0x80, v4, vm0, $0xb8;
	[tilespmem:$0x10100] =	vst v63  }
0x28: {  	v3 =	vadd.s32 v1, v3  }
0x29: {  	[tilespmem:s22], [sflag:$0x1] =	stream.indirect_vreg.gather [hbm4b:s5+s2], $0x80, v4, vm0, $0xb8;
	[tilespmem:$0x10100] =	vst v63  }
0x2a: {  	_ = 	snop  }
0x2b: {  	[tilespmem:s23], [sflag:$0x1] =	stream.indirect_vreg.gather [hbm4b:s6+s2], $0x80, v4, vm0, $0xb8;
	[tilespmem:$0x10100] =	vst v63  }
0x2c: {  	_ = 	snop  }
0x2d: {  	[tilespmem:s24], [sflag:$0x1] =	stream.indirect_vreg.gather [hbm4b:s3+s2], $0x80, v3, vm0, $0xb8;
	[tilespmem:$0x10100] =	vst v63  }
0x2e: {  	_ = 	snop  }
0x2f: {  	[tilespmem:s26], [sflag:$0x1] =	stream.indirect_vreg.gather [hbm4b:s4+s2], $0x80, v3, vm0, $0xb8;
	[tilespmem:$0x10100] =	vst v63  }
0x30: {  	_ = 	snop  }
0x31: {  	[tilespmem:s28], [sflag:$0x1] =	stream.indirect_vreg.gather [hbm4b:s5+s2], $0x80, v3, vm0, $0xb8;
	[tilespmem:$0x10100] =	vst v63  }
0x32: {  	_ = 	snop  }
0x33: {  	[tilespmem:s29], [sflag:$0x1] =	stream.indirect_vreg.gather [hbm4b:s6+s2], $0x80, v3, vm0, $0xb8;
	[tilespmem:$0x10100] =	vst v63  }
0x34: {  	v3 =	vld [tilespmem:$0x10];
	_ =	sdelay $0x4  }
0x35: {  	v57 =	vshll.u32 v3, $0x3  }
0x36: {  	v3 =	vand.u32 $0x7, v3;
	v4 =	vand.u32 $0xFFFFFFC0, v57  }
0x37: {  	v3 =	vor.u32 v3, v4  }
0x38: {  	v4 =	vperm.xlane v3, v0;
	_ =	sdelay $0x1  }
0x39: {  	v4 =	vadd.s32 v1, v4;
	_ =	sdelay $0x4  }
0x3a: {  	[tilespmem:s30], [sflag:$0x1] =	stream.indirect_vreg.gather [hbm4b:s3+s2], $0x80, v4, vm0, $0xb8;
	[tilespmem:$0x10100] =	vst v63  }
0x3b: {  	v3 =	vperm.xlane v3, v2  }
0x3c: {  	[tilespmem:s31], [sflag:$0x1] =	stream.indirect_vreg.gather [hbm4b:s4+s2], $0x80, v4, vm0, $0xb8;
	[tilespmem:$0x10100] =	vst v63  }
0x3d: {  	s0 =	simm.s32 $0x5100;
	v3 =	vadd.s32 v1, v3  }
0x3e: {  	[tilespmem:s0], [sflag:$0x1] =	stream.indirect_vreg.gather [hbm4b:s5+s2], $0x80, v4, vm0, $0xb8;
	[tilespmem:$0x10100] =	vst v63  }
0x3f: {  	s1 =	simm.s32 $0x5900  }
0x40: {  	[tilespmem:s1], [sflag:$0x1] =	stream.indirect_vreg.gather [hbm4b:s6+s2], $0x80, v4, vm0, $0xb8;
	[tilespmem:$0x10100] =	vst v63  }
0x41: {  	_ = 	snop  }
0x42: {  	[tilespmem:s10], [sflag:$0x1] =	stream.indirect_vreg.gather [hbm4b:s3+s2], $0x80, v3, vm0, $0xb8;
	[tilespmem:$0x10100] =	vst v63  }
0x43: {  	_ = 	snop  }
0x44: {  	[tilespmem:s11], [sflag:$0x1] =	stream.indirect_vreg.gather [hbm4b:s4+s2], $0x80, v3, vm0, $0xb8;
	[tilespmem:$0x10100] =	vst v63  }
0x45: {  	_ = 	snop  }
0x46: {  	[tilespmem:s12], [sflag:$0x1] =	stream.indirect_vreg.gather [hbm4b:s5+s2], $0x80, v3, vm0, $0xb8;
	[tilespmem:$0x10100] =	vst v63  }
0x47: {  	_ = 	snop  }
0x48: {  	[tilespmem:s13], [sflag:$0x1] =	stream.indirect_vreg.gather [hbm4b:s6+s2], $0x80, v3, vm0, $0xb8;
	[tilespmem:$0x10100] =	vst v63  }
0x49: {  	v3 =	vld [tilespmem:$0x80];
	_ =	sdelay $0x4  }
0x4a: {  	v58 =	vshll.u32 v3, $0x3  }
0x4b: {  	v3 =	vand.u32 $0x7, v3;
	v4 =	vand.u32 $0xFFFFFFC0, v58  }
0x4c: {  	v3 =	vor.u32 v3, v4  }
0x4d: {  	v4 =	vperm.xlane v3, v0;
	_ =	sdelay $0x1  }
0x4e: {  	v4 =	vadd.s32 v1, v4;
	_ =	sdelay $0x3  }
0x4f: {  	s0 =	simm.s32 $0x8100  }
0x50: {  	[tilespmem:s0], [sflag:$0x2] =	stream.indirect_vreg.gather [hbm4b:s3+s2], $0x80, v4, vm0, $0xb8;
	[tilespmem:$0x10100] =	vst v63  }
0x51: {  	v3 =	vperm.xlane v3, v2  }
0x52: {  	[tilespmem:s14], [sflag:$0x2] =	stream.indirect_vreg.gather [hbm4b:s4+s2], $0x80, v4, vm0, $0xb8;
	[tilespmem:$0x10100] =	vst v63  }
0x53: {  	v3 =	vadd.s32 v1, v3  }
0x54: {  	[tilespmem:s15], [sflag:$0x2] =	stream.indirect_vreg.gather [hbm4b:s5+s2], $0x80, v4, vm0, $0xb8;
	[tilespmem:$0x10100] =	vst v63  }
0x55: {  	_ = 	snop  }
0x56: {  	[tilespmem:s16], [sflag:$0x2] =	stream.indirect_vreg.gather [hbm4b:s6+s2], $0x80, v4, vm0, $0xb8;
	[tilespmem:$0x10100] =	vst v63  }
0x57: {  	_ = 	snop  }
0x58: {  	[tilespmem:s17], [sflag:$0x2] =	stream.indirect_vreg.gather [hbm4b:s3+s2], $0x80, v3, vm0, $0xb8;
	[tilespmem:$0x10100] =	vst v63  }
0x59: {  	_ = 	snop  }
0x5a: {  	[tilespmem:s9], [sflag:$0x2] =	stream.indirect_vreg.gather [hbm4b:s4+s2], $0x80, v3, vm0, $0xb8;
	[tilespmem:$0x10100] =	vst v63  }
0x5b: {  	s20 =	simm.s32 $0xB100  }
0x5c: {  	[tilespmem:s20], [sflag:$0x2] =	stream.indirect_vreg.gather [hbm4b:s5+s2], $0x80, v3, vm0, $0xb8;
	[tilespmem:$0x10100] =	vst v63  }
0x5d: {  	s20 =	simm.s32 $0xB900  }
0x5e: {  	[tilespmem:s20], [sflag:$0x2] =	stream.indirect_vreg.gather [hbm4b:s6+s2], $0x80, v3, vm0, $0xb8;
	[tilespmem:$0x10100] =	vst v63  }
0x5f: {  	v3 =	vld [tilespmem:$0x90];
	_ =	sdelay $0x4  }
0x60: {  	v59 =	vshll.u32 v3, $0x3  }
0x61: {  	v3 =	vand.u32 $0x7, v3;
	v4 =	vand.u32 $0xFFFFFFC0, v59  }
0x62: {  	v3 =	vor.u32 v3, v4  }
0x63: {  	v4 =	vperm.xlane v3, v0;
	_ =	sdelay $0x1  }
0x64: {  	v4 =	vadd.s32 v1, v4;
	_ =	sdelay $0x3  }
0x65: {  	s20 =	simm.s32 $0xC100  }
0x66: {  	[tilespmem:s20], [sflag:$0x2] =	stream.indirect_vreg.gather [hbm4b:s3+s2], $0x80, v4, vm0, $0xb8;
	[tilespmem:$0x10100] =	vst v63  }
0x67: {  	v3 =	vperm.xlane v3, v2;
	s20 =	simm.s32 $0xC900  }
0x68: {  	[tilespmem:s20], [sflag:$0x2] =	stream.indirect_vreg.gather [hbm4b:s4+s2], $0x80, v4, vm0, $0xb8;
	[tilespmem:$0x10100] =	vst v63  }
0x69: {  	v3 =	vadd.s32 v1, v3;
	s20 =	simm.s32 $0xD100  }
0x6a: {  	[tilespmem:s20], [sflag:$0x2] =	stream.indirect_vreg.gather [hbm4b:s5+s2], $0x80, v4, vm0, $0xb8;
	[tilespmem:$0x10100] =	vst v63  }
0x6b: {  	s20 =	simm.s32 $0xD900  }
0x6c: {  	[tilespmem:s20], [sflag:$0x2] =	stream.indirect_vreg.gather [hbm4b:s6+s2], $0x80, v4, vm0, $0xb8;
	[tilespmem:$0x10100] =	vst v63  }
0x6d: {  	s20 =	simm.s32 $0xE100  }
0x6e: {  	[tilespmem:s20], [sflag:$0x2] =	stream.indirect_vreg.gather [hbm4b:s3+s2], $0x80, v3, vm0, $0xb8;
	[tilespmem:$0x10100] =	vst v63  }
0x6f: {  	s20 =	simm.s32 $0xE900  }
0x70: {  	[tilespmem:s20], [sflag:$0x2] =	stream.indirect_vreg.gather [hbm4b:s4+s2], $0x80, v3, vm0, $0xb8;
	[tilespmem:$0x10100] =	vst v63  }
0x71: {  	s20 =	simm.s32 $0xF100  }
0x72: {  	[tilespmem:s20], [sflag:$0x2] =	stream.indirect_vreg.gather [hbm4b:s5+s2], $0x80, v3, vm0, $0xb8;
	[tilespmem:$0x10100] =	vst v63  }
0x73: {  	s20 =	simm.s32 $0xF900  }
0x74: {  	[tilespmem:s20], [sflag:$0x2] =	stream.indirect_vreg.gather [hbm4b:s6+s2], $0x80, v3, vm0, $0xb8;
	[tilespmem:$0x10100] =	vst v63  }
0x75: {  	_ =	swait.ge [sflag:s18], $0x8000  }
0x76: {  	[sflag:s18] =	ssyncset.done $0x0  }
0x77: {  	s20 =	rddreg [dreg:$0x5];
	[sflag:s18] =	ssyncadd.s32 $0xFFFF8000  }
0x78: {  	[hbm4b:s20+s2] =	stream.linear.scatter [tilespmem:s25], [sflag:$0x3], $0x8000, $0x38;
	[tilespmem:$0x10100] =	vst v63  }
0x79: {  	_ =	swait.ge [sflag:s8], $0x8000  }
0x7a: {  	[sflag:s8] =	ssyncset.done $0x0  }
0x7b: {  	[sflag:s8] =	ssyncadd.s32 $0xFFFF8000  }
0x7c: {  	_ =	swait.ge [sflag:s19], $0x8000  }
0x7d: {  	[sflag:s19] =	ssyncset.done $0x0  }
0x7e: {  	s20 =	rddreg [dreg:$0x6];
	[sflag:s19] =	ssyncadd.s32 $0xFFFF8000  }
0x7f: {  	[hbm4b:s20+s2] =	stream.linear.scatter [tilespmem:s0], [sflag:$0x3], $0x8000, $0x38;
	[tilespmem:$0x10100] =	vst v63  }
0x80: {  	_ =	swait.ge [sflag:s8], $0x8000  }
0x81: {  	[sflag:s8] =	ssyncset.done $0x0  }
0x82: {  	[sflag:s8] =	ssyncadd.s32 $0xFFFF8000  }
0x83: {  	v3 =	vld [tilespmem:$0x20];
	_ =	sdelay $0x4  }
0x84: {  	v60 =	vshll.u32 v3, $0x3  }
0x85: {  	v3 =	vand.u32 $0x7, v3;
	v4 =	vand.u32 $0xFFFFFFC0, v60  }
0x86: {  	v3 =	vor.u32 v3, v4  }
0x87: {  	v4 =	vperm.xlane v3, v0;
	_ =	sdelay $0x1  }
0x88: {  	v4 =	vadd.s32 v1, v4;
	_ =	sdelay $0x4  }
0x89: {  	[tilespmem:s25], [sflag:$0x1] =	stream.indirect_vreg.gather [hbm4b:s3+s2], $0x80, v4, vm0, $0xb8;
	[tilespmem:$0x10100] =	vst v63  }
0x8a: {  	v3 =	vperm.xlane v3, v2  }
0x8b: {  	[tilespmem:s21], [sflag:$0x1] =	stream.indirect_vreg.gather [hbm4b:s4+s2], $0x80, v4, vm0, $0xb8;
	[tilespmem:$0x10100] =	vst v63  }
0x8c: {  	v3 =	vadd.s32 v1, v3  }
0x8d: {  	[tilespmem:s22], [sflag:$0x1] =	stream.indirect_vreg.gather [hbm4b:s5+s2], $0x80, v4, vm0, $0xb8;
	[tilespmem:$0x10100] =	vst v63  }
0x8e: {  	_ = 	snop  }
0x8f: {  	[tilespmem:s23], [sflag:$0x1] =	stream.indirect_vreg.gather [hbm4b:s6+s2], $0x80, v4, vm0, $0xb8;
	[tilespmem:$0x10100] =	vst v63  }
0x90: {  	_ = 	snop  }
0x91: {  	[tilespmem:s24], [sflag:$0x1] =	stream.indirect_vreg.gather [hbm4b:s3+s2], $0x80, v3, vm0, $0xb8;
	[tilespmem:$0x10100] =	vst v63  }
0x92: {  	_ = 	snop  }
0x93: {  	[tilespmem:s26], [sflag:$0x1] =	stream.indirect_vreg.gather [hbm4b:s4+s2], $0x80, v3, vm0, $0xb8;
	[tilespmem:$0x10100] =	vst v63  }
0x94: {  	_ = 	snop  }
0x95: {  	[tilespmem:s28], [sflag:$0x1] =	stream.indirect_vreg.gather [hbm4b:s5+s2], $0x80, v3, vm0, $0xb8;
	[tilespmem:$0x10100] =	vst v63  }
0x96: {  	_ = 	snop  }
0x97: {  	[tilespmem:s29], [sflag:$0x1] =	stream.indirect_vreg.gather [hbm4b:s6+s2], $0x80, v3, vm0, $0xb8;
	[tilespmem:$0x10100] =	vst v63  }
0x98: {  	v3 =	vld [tilespmem:$0x30];
	_ =	sdelay $0x4  }
0x99: {  	v61 =	vshll.u32 v3, $0x3  }
0x9a: {  	v3 =	vand.u32 $0x7, v3;
	v4 =	vand.u32 $0xFFFFFFC0, v61  }
0x9b: {  	v3 =	vor.u32 v3, v4  }
0x9c: {  	v4 =	vperm.xlane v3, v0;
	_ =	sdelay $0x1  }
0x9d: {  	v4 =	vadd.s32 v1, v4;
	_ =	sdelay $0x4  }
0x9e: {  	[tilespmem:s30], [sflag:$0x1] =	stream.indirect_vreg.gather [hbm4b:s3+s2], $0x80, v4, vm0, $0xb8;
	[tilespmem:$0x10100] =	vst v63  }
0x9f: {  	v3 =	vperm.xlane v3, v2  }
0xa0: {  	[tilespmem:s31], [sflag:$0x1] =	stream.indirect_vreg.gather [hbm4b:s4+s2], $0x80, v4, vm0, $0xb8;
	[tilespmem:$0x10100] =	vst v63  }
0xa1: {  	s21 =	simm.s32 $0x5100;
	v3 =	vadd.s32 v1, v3  }
0xa2: {  	[tilespmem:s21], [sflag:$0x1] =	stream.indirect_vreg.gather [hbm4b:s5+s2], $0x80, v4, vm0, $0xb8;
	[tilespmem:$0x10100] =	vst v63  }
0xa3: {  	_ = 	snop  }
0xa4: {  	[tilespmem:s1], [sflag:$0x1] =	stream.indirect_vreg.gather [hbm4b:s6+s2], $0x80, v4, vm0, $0xb8;
	[tilespmem:$0x10100] =	vst v63  }
0xa5: {  	_ = 	snop  }
0xa6: {  	[tilespmem:s10], [sflag:$0x1] =	stream.indirect_vreg.gather [hbm4b:s3+s2], $0x80, v3, vm0, $0xb8;
	[tilespmem:$0x10100] =	vst v63  }
0xa7: {  	_ = 	snop  }
0xa8: {  	[tilespmem:s11], [sflag:$0x1] =	stream.indirect_vreg.gather [hbm4b:s4+s2], $0x80, v3, vm0, $0xb8;
	[tilespmem:$0x10100] =	vst v63  }
0xa9: {  	_ = 	snop  }
0xaa: {  	[tilespmem:s12], [sflag:$0x1] =	stream.indirect_vreg.gather [hbm4b:s5+s2], $0x80, v3, vm0, $0xb8;
	[tilespmem:$0x10100] =	vst v63  }
0xab: {  	_ = 	snop  }
0xac: {  	[tilespmem:s13], [sflag:$0x1] =	stream.indirect_vreg.gather [hbm4b:s6+s2], $0x80, v3, vm0, $0xb8;
	[tilespmem:$0x10100] =	vst v63  }
0xad: {  	v3 =	vld [tilespmem:$0xA0];
	_ =	sdelay $0x4  }
0xae: {  	v62 =	vshll.u32 v3, $0x3  }
0xaf: {  	v3 =	vand.u32 $0x7, v3;
	v4 =	vand.u32 $0xFFFFFFC0, v62  }
0xb0: {  	v3 =	vor.u32 v3, v4  }
0xb1: {  	v4 =	vperm.xlane v3, v0;
	_ =	sdelay $0x1  }
0xb2: {  	v4 =	vadd.s32 v1, v4;
	_ =	sdelay $0x4  }
0xb3: {  	[tilespmem:s0], [sflag:$0x2] =	stream.indirect_vreg.gather [hbm4b:s3+s2], $0x80, v4, vm0, $0xb8;
	[tilespmem:$0x10100] =	vst v63  }
0xb4: {  	v3 =	vperm.xlane v3, v2  }
0xb5: {  	[tilespmem:s14], [sflag:$0x2] =	stream.indirect_vreg.gather [hbm4b:s4+s2], $0x80, v4, vm0, $0xb8;
	[tilespmem:$0x10100] =	vst v63  }
0xb6: {  	v3 =	vadd.s32 v1, v3  }
0xb7: {  	[tilespmem:s15], [sflag:$0x2] =	stream.indirect_vreg.gather [hbm4b:s5+s2], $0x80, v4, vm0, $0xb8;
	[tilespmem:$0x10100] =	vst v63  }
0xb8: {  	_ = 	snop  }
0xb9: {  	[tilespmem:s16], [sflag:$0x2] =	stream.indirect_vreg.gather [hbm4b:s6+s2], $0x80, v4, vm0, $0xb8;
	[tilespmem:$0x10100] =	vst v63  }
0xba: {  	_ = 	snop  }
0xbb: {  	[tilespmem:s17], [sflag:$0x2] =	stream.indirect_vreg.gather [hbm4b:s3+s2], $0x80, v3, vm0, $0xb8;
	[tilespmem:$0x10100] =	vst v63  }
0xbc: {  	_ = 	snop  }
0xbd: {  	[tilespmem:s9], [sflag:$0x2] =	stream.indirect_vreg.gather [hbm4b:s4+s2], $0x80, v3, vm0, $0xb8;
	[tilespmem:$0x10100] =	vst v63  }
0xbe: {  	s20 =	simm.s32 $0xB100  }
0xbf: {  	[tilespmem:s20], [sflag:$0x2] =	stream.indirect_vreg.gather [hbm4b:s5+s2], $0x80, v3, vm0, $0xb8;
	[tilespmem:$0x10100] =	vst v63  }
0xc0: {  	s21 =	simm.s32 $0xB900  }
0xc1: {  	[tilespmem:s21], [sflag:$0x2] =	stream.indirect_vreg.gather [hbm4b:s6+s2], $0x80, v3, vm0, $0xb8;
	[tilespmem:$0x10100] =	vst v63  }
0xc2: {  	v3 =	vld [tilespmem:$0xB0];
	_ =	sdelay $0x4  }
0xc3: {  	v63 =	vshll.u32 v3, $0x3  }
0xc4: {  	v3 =	vand.u32 $0x7, v3;
	v4 =	vand.u32 $0xFFFFFFC0, v63  }
0xc5: {  	v3 =	vor.u32 v3, v4  }
0xc6: {  	v4 =	vperm.xlane v3, v0;
	_ =	sdelay $0x1  }
0xc7: {  	v4 =	vadd.s32 v1, v4;
	_ =	sdelay $0x3  }
0xc8: {  	s20 =	simm.s32 $0xC100  }
0xc9: {  	[tilespmem:s20], [sflag:$0x2] =	stream.indirect_vreg.gather [hbm4b:s3+s2], $0x80, v4, vm0, $0xb8;
	[tilespmem:$0x10100] =	vst v63  }
0xca: {  	s21 =	simm.s32 $0xC900;
	v3 =	vperm.xlane v3, v2  }
0xcb: {  	[tilespmem:s21], [sflag:$0x2] =	stream.indirect_vreg.gather [hbm4b:s4+s2], $0x80, v4, vm0, $0xb8;
	[tilespmem:$0x10100] =	vst v63  }
0xcc: {  	v3 =	vadd.s32 v1, v3;
	s20 =	simm.s32 $0xD100  }
0xcd: {  	[tilespmem:s20], [sflag:$0x2] =	stream.indirect_vreg.gather [hbm4b:s5+s2], $0x80, v4, vm0, $0xb8;
	[tilespmem:$0x10100] =	vst v63  }
0xce: {  	s21 =	simm.s32 $0xD900  }
0xcf: {  	[tilespmem:s21], [sflag:$0x2] =	stream.indirect_vreg.gather [hbm4b:s6+s2], $0x80, v4, vm0, $0xb8;
	[tilespmem:$0x10100] =	vst v63  }
0xd0: {  	s20 =	simm.s32 $0xE100  }
0xd1: {  	[tilespmem:s20], [sflag:$0x2] =	stream.indirect_vreg.gather [hbm4b:s3+s2], $0x80, v3, vm0, $0xb8;
	[tilespmem:$0x10100] =	vst v63  }
0xd2: {  	s21 =	simm.s32 $0xE900  }
0xd3: {  	[tilespmem:s21], [sflag:$0x2] =	stream.indirect_vreg.gather [hbm4b:s4+s2], $0x80, v3, vm0, $0xb8;
	[tilespmem:$0x10100] =	vst v63  }
0xd4: {  	s20 =	simm.s32 $0xF100  }
0xd5: {  	[tilespmem:s20], [sflag:$0x2] =	stream.indirect_vreg.gather [hbm4b:s5+s2], $0x80, v3, vm0, $0xb8;
	[tilespmem:$0x10100] =	vst v63  }
0xd6: {  	s21 =	simm.s32 $0xF900  }
0xd7: {  	[tilespmem:s21], [sflag:$0x2] =	stream.indirect_vreg.gather [hbm4b:s6+s2], $0x80, v3, vm0, $0xb8;
	[tilespmem:$0x10100] =	vst v63  }
0xd8: {  	_ =	swait.ge [sflag:s18], $0x8000  }
0xd9: {  	[sflag:s18] =	ssyncset.done $0x0  }
0xda: {  	s1 =	rddreg [dreg:$0x7];
	[sflag:s18] =	ssyncadd.s32 $0xFFFF8000  }
0xdb: {  	[hbm4b:s1+s2] =	stream.linear.scatter [tilespmem:s25], [sflag:$0x3], $0x8000, $0x38;
	[tilespmem:$0x10100] =	vst v63  }
0xdc: {  	_ =	swait.ge [sflag:s8], $0x8000  }
0xdd: {  	[sflag:s8] =	ssyncset.done $0x0  }
0xde: {  	[sflag:s8] =	ssyncadd.s32 $0xFFFF8000  }
0xdf: {  	_ =	swait.ge [sflag:s19], $0x8000  }
0xe0: {  	p0 =	sne.s32 s7, $0x1;
	[sflag:s19] =	ssyncset.done $0x0  }
.Ltmp0:
0xe1: {  	s21 =	rddreg [dreg:$0x8];
	[sflag:s19] =	ssyncadd.s32 $0xFFFF8000;
	(pc) =	sbr.rel @p0 .LBB2_1-.Ltmp0, $4  }
0xe2: {  	[hbm4b:s21+s2] =	stream.linear.scatter [tilespmem:s0], [sflag:$0x3], $0x8000, $0x38;
	[tilespmem:$0x10100] =	vst v63  }
0xe3: {  	_ =	swait.ge [sflag:s8], $0x8000  }
0xe4: {  	[sflag:s8] =	ssyncset.done $0x0  }
0xe5: {  	s7 =	sadd.s32 $0xFFFFFFFF, s7;
	[sflag:s8] =	ssyncadd.s32 $0xFFFF8000  }
0xe6: {  	_ =	sfence.sel $0x180000  }
0xe7: {  	[bflag:$0x0] =	sbarrier.arrive $0xFFFF  }
0xe8: {  	_ =	strace $0x9000004A  }
0xe9: {  	s0 =	stileid.u32;
	[bflag:$0x2] =	sbarrier.arrive $0xFFFF  }
0xea: {  	p0 =	sne.s32 s0, $0x0;
	s0 =	rddreg [dreg:$0x2]  }
0xeb: {  	s0 =	sadd.s32 @!p0 $0x100000, s0  }
0xec: {  	[sflag:s0] =	ssyncadd.tile.s32 @!p0 $0x1;
	_ =	shalt  }
.Lfunc_end2:
_tile_overlayer_lowered:
.L_overlay_start_2:
0xed: {  	(tag) =	ssettag $0x2  }
0xee: {  	s0 =	rddreg [dreg:$0x0];
	s2 =	stileid.u32  }
0xef: {  	s1 =	rddreg [dreg:$0x1];
	p0 =	sne.s32 s2, $0x0  }
0xf0: {  	s3 =	rddreg [dreg:$0x2];
	[bflag:$0x3] =	sbarrier.arrive $0xFFFF;
	s2 =	simm.s32 @!p0 $0x1C03  }
0xf1: {  	[timem:s3], [sflag:s2] =	dma.local @!p0 [hbm:s0], s1  }
0xf2: {  	s0 =	simm.s32 @!p0 $0x3  }
0xf3: {  	_ =	swait.ge @!p0 [sflag:s0], s1  }
0xf4: {  	s1 =	ssub.s32 @!p0 $0x0, s1;
	[sflag:s0] =	ssyncset.done @!p0 $0x0  }
0xf5: {  	[sflag:s0] =	ssyncadd.s32 @!p0 s1  }
0xf6: {  	[bflag:$0x3] =	sbarrier.arrive $0xFFFF  }
0xf7: {  	_ =	shalt  }

// kernel: _run.8.cloned.1.call-start
scs
__scs_entry_jumppad:
0x0: {  	(pc) =	sbr.rel $0x88, $3  }
0x1: {  	(tag) =	ssettag $0x0;
	lr =	simm.s32 $0x1  }
0x2: {  	[smem:$0x3F9A] =	sst lr;
	_ =	strace $0xD0000000  }
0x3: {  	_ = 	snop  }
0x4: {  	_ = 	snop  }
0x5: {  	_ = 	snop  }
0x6: {  	_ = 	snop  }
0x7: {  	_ = 	snop  }
__scs_overlays_trampoline_lowered:
0x8: {  	[smem:$0x3FA9] =	sst s0  }
0x9: {  	[smem:$0x3FAA] =	sst s1  }
0xa: {  	[smem:$0x3FAB] =	sst s2  }
0xb: {  	[smem:$0x3FAC] =	sst s3  }
0xc: {  	[smem:$0x3FAD] =	sst s4  }
0xd: {  	[smem:$0x3FAE] =	sst s5  }
0xe: {  	[smem:$0x3FAF] =	sst s6  }
0xf: {  	[smem:$0x3FB0] =	sst s7  }
0x10: {  	[smem:$0x3FB1] =	sst s8  }
0x11: {  	[smem:$0x3FB2] =	sst s9;
	s0 =	simm.s32 @!p0 $0x0  }
0x12: {  	s1 =	sld [smem:$0x3F98];
	s0 =	simm.s32 @p0 $0x1  }
0x13: {  	[smem:$0x3FB3] =	sst s0;
	s0 =	simm.s32 @!p1 $0x0  }
0x14: {  	s2 =	sld [smem:$0x3F97];
	s0 =	simm.s32 @p1 $0x1  }
0x15: {  	[smem:$0x3FB4] =	sst s0;
	s0 =	simm.s32 @!p2 $0x0  }
0x16: {  	s3 =	sld [smem:$0x3FDB];
	s0 =	simm.s32 @p2 $0x1  }
0x17: {  	s4 =	simm.s32 $0x1BF5;
	[smem:$0x3FB6] =	sst s0  }
0x18: {  	s0 =	sld [smem:$0x3F99];
	_ =	swait.ge [sflag:s4], $0x0  }
0x19: {  	s7 =	sld [smem:$0x3F9A]  }
0x1a: {  	s8 =	sadd.s32 $0xFFFFE003, lr  }
0x1b: {  	s9 =	sadd.s32 $0xFFFFFEF7, lr;
	s5 =	simm.s32 $0xFFFFFFFF;
	p2 =	slt.u32 s8, $0xFFFFF086  }
0x1c: {  	p1 =	slt.u32 s9, $0xF7A;
	s5 =	simm.s32 @!p2 $0x0  }
0x1d: {  	s5 =	simm.s32 @p1 $0x1;
	p0 =	seq.s32 s7, s2  }
0x1e: {  	s7 =	smul.u32 @!p0 $0xF7A, s2;
	p2 =	seq.s32 @!p0 s5, $0x0  }
0x1f: {  	s9 =	smul.u32 $0xF7A, s1;
	s8 =	simm.s32 @!p0 $0x1BF5;
	p2 =	por !p2, p0  }
0x20: {  	[sflag:s8] =	ssyncset.s32 @!p0 $0xFFFFF086;
	s6 =	sadd.s32 @!p0 s3, s7;
	s7 =	simm.s32 @!p0 $0x108  }
0x21: {  	s3 =	sadd.s32 s3, s9;
	s6 =	sadd.s32 @!p0 $0x88, s6;
	s7 =	simm.s32 @p2 $0x1082  }
0x22: {  	[simem:s7], [sflag:s8] =	dma.local @!p0 [hbm:s6], $0xF7A  }
0x23: {  	s9 =	sor.u32 $0xD0000000, s2;
	s6 =	simm.s32 $0x108;
	_ =	swait.ge @!p0 [sflag:s8], $0x0  }
0x24: {  	s3 =	sadd.s32 $0x88, s3;
	s6 =	simm.s32 @!p1 $0x1082;
	[sflag:s4] =	ssyncset.s32 $0xFFFFF086  }
0x25: {  	[simem:s6], [sflag:s4] =	dma.local [hbm:s3], $0xF7A  }
0x26: {  	[smem:$0x3F9A] =	sst s1;
	(tag) =	ssettag s2;
	_ =	strace s9  }
0x27: {  	s1 =	sld [smem:$0x3FAA]  }
0x28: {  	s2 =	sld [smem:$0x3FAB]  }
0x29: {  	s4 =	sld [smem:$0x3FAD]  }
0x2a: {  	p0 =	seq.s32 s5, $0x0;
	s5 =	sld [smem:$0x3FAE]  }
0x2b: {  	s6 =	sld [smem:$0x3FAF]  }
0x2c: {  	s7 =	sld [smem:$0x3FB0]  }
0x2d: {  	s3 =	simm.s32 $0x108;
	s8 =	sld [smem:$0x3FB1]  }
0x2e: {  	s3 =	simm.s32 @!p0 $0x1082;
	s9 =	sld [smem:$0x3FB2]  }
0x2f: {  	lr =	sadd.s32 s0, s3;
	s0 =	sld [smem:$0x3FA9]  }
0x30: {  	s3 =	sld [smem:$0x3FAC]  }
0x31: {  	[smem:$0x3FB5] =	sst s10  }
0x32: {  	s10 =	sld [smem:$0x3FB3];
	_ =	sdelay $0x3  }
0x33: {  	p0 =	seq.s32 s10, $0x1;
	s10 =	sld [smem:$0x3FB5];
	_ =	sdelay $0x3  }
0x34: {  	[smem:$0x3FB5] =	sst s10  }
0x35: {  	s10 =	sld [smem:$0x3FB4];
	_ =	sdelay $0x3  }
0x36: {  	p1 =	seq.s32 s10, $0x1;
	s10 =	sld [smem:$0x3FB5];
	_ =	sdelay $0x3  }
0x37: {  	[smem:$0x3FB5] =	sst s10  }
0x38: {  	s10 =	sld [smem:$0x3FB6]  }
0x39: {  	_ = 	snop;
	(pc) =	sbr.ind lr, $3  }
0x3a: {  	_ = 	snop  }
0x3b: {  	_ = 	snop  }
0x3c: {  	p2 =	seq.s32 s10, $0x1;
	s10 =	sld [smem:$0x3FB5]  }
0x3d: {  	_ =	shalt  }
0x3e: {  	_ =	shalt  }
0x3f: {  	_ =	shalt  }
0x40: {  	_ =	shalt  }
0x41: {  	_ =	shalt  }
0x42: {  	_ =	shalt  }
0x43: {  	_ =	shalt  }
0x44: {  	_ =	shalt  }
0x45: {  	_ =	shalt  }
0x46: {  	_ =	shalt  }
0x47: {  	_ =	shalt  }
0x48: {  	_ =	shalt  }
0x49: {  	_ =	shalt  }
0x4a: {  	_ =	shalt  }
0x4b: {  	_ =	shalt  }
0x4c: {  	_ =	shalt  }
0x4d: {  	_ =	shalt  }
0x4e: {  	_ =	shalt  }
0x4f: {  	_ =	shalt  }
0x50: {  	_ =	shalt  }
0x51: {  	_ =	shalt  }
0x52: {  	_ =	shalt  }
0x53: {  	_ =	shalt  }
0x54: {  	_ =	shalt  }
0x55: {  	_ =	shalt  }
0x56: {  	_ =	shalt  }
0x57: {  	_ =	shalt  }
0x58: {  	_ =	shalt  }
0x59: {  	_ =	shalt  }
0x5a: {  	_ =	shalt  }
0x5b: {  	_ =	shalt  }
0x5c: {  	_ =	shalt  }
0x5d: {  	_ =	shalt  }
0x5e: {  	_ =	shalt  }
0x5f: {  	_ =	shalt  }
0x60: {  	_ =	shalt  }
0x61: {  	_ =	shalt  }
0x62: {  	_ =	shalt  }
0x63: {  	_ =	shalt  }
0x64: {  	_ =	shalt  }
0x65: {  	_ =	shalt  }
0x66: {  	_ =	shalt  }
0x67: {  	_ =	shalt  }
0x68: {  	_ =	shalt  }
0x69: {  	_ =	shalt  }
0x6a: {  	_ =	shalt  }
0x6b: {  	_ =	shalt  }
0x6c: {  	_ =	shalt  }
0x6d: {  	_ =	shalt  }
0x6e: {  	_ =	shalt  }
0x6f: {  	_ =	shalt  }
0x70: {  	_ =	shalt  }
0x71: {  	_ =	shalt  }
0x72: {  	_ =	shalt  }
0x73: {  	_ =	shalt  }
0x74: {  	_ =	shalt  }
0x75: {  	_ =	shalt  }
0x76: {  	_ =	shalt  }
0x77: {  	_ =	shalt  }
0x78: {  	_ =	shalt  }
0x79: {  	_ =	shalt  }
0x7a: {  	_ =	shalt  }
0x7b: {  	_ =	shalt  }
0x7c: {  	_ =	shalt  }
0x7d: {  	_ =	shalt  }
0x7e: {  	_ =	shalt  }
0x7f: {  	_ =	shalt  }
0x80: {  	_ =	shalt  }
0x81: {  	_ =	shalt  }
0x82: {  	_ =	shalt  }
0x83: {  	_ =	shalt  }
0x84: {  	_ =	shalt  }
0x85: {  	_ =	shalt  }
0x86: {  	_ =	shalt  }
0x87: {  	_ =	shalt  }
.Lfunc_end0:
.L_simem_size_0:
called_computation_lowered:
.L_overlay_start_0:
0x88: {  	s2 =	sld [smem:$0x3FD9]  }
0x89: {  	s3 =	sld [smem:$0x3FFE];
	_ =	sdelay $0x1  }
0x8a: {  	s1 =	srdreg.scid  }
0x8b: {  	s0 =	sand.u32 $0x1, s1  }
0x8c: {  	s17 =	sshll.u32 s0, $0xA;
	s2 =	sadd.s32 s3, s2  }
0x8d: {  	s2 =	sadd.s32 s2, s17  }
0x8e: {  	[smem:$0x3FC1] =	sst s2  }
0x8f: {  	_ = 	snop  }
0x90: {  	s2 =	sld [smem:$0x3FC9]  }
0x91: {  	s18 =	sld [smem:$0x3FD0];
	(tm) =	ssettm $0x1  }
0x92: {  	s4 =	sld [smem:$0x3FFB];
	_ =	sdelay $0x3  }
0x93: {  	_ =	strace s4  }
0x94: {  	s4 =	sld [smem:$0x3FFC];
	_ =	sdelay $0x3  }
0x95: {  	_ =	strace s4  }
0x96: {  	s4 =	sld [smem:$0x3FFD];
	_ =	sdelay $0x3  }
0x97: {  	_ =	strace s4  }
0x98: {  	_ =	strace $0x8FFFFFFF  }
0x99: {  	s19 =	sld [smem:$0x3FDB];
	_ =	sdelay $0x1  }
0x9a: {  	s5 =	simm.s32 $_scs_section_size  }
0x9b: {  	s6 =	simm.s32 $_size__tile_overlayer_lowered;
	s7 =	simm.s32 $_tile_overlayer_lowered  }
0x9c: {  	s22 =	simm.s32 $0x1BFF;
	s21 =	sshll.u32 s7, $0x1;
	s4 =	sadd.s32 s5, s19  }
0x9d: {  	s8 =	simm.s32 $0x0;
	s20 =	sshll.u32 s6, $0x1;
	s6 =	sadd.s32 s21, s4  }
0x9e: {  	[timem:s8], [sflag:s22] =	dma.local [hbm:s6], s20  }
0x9f: {  	_ =	swait.ge [sflag:s22], s20  }
0xa0: {  	s5 =	ssub.s32 $0x0, s20;
	[sflag:s22] =	ssyncset.done $0x0  }
0xa1: {  	[sflag:s22] =	ssyncadd.s32 s5;
	_ =	sdelay $0x1  }
0xa2: {  	s23 =	simm.s32 $0x1B8B  }
0xa3: {  	_ =	swait.ge [sflag:s23], $0x1  }
0xa4: {  	[sflag:s23] =	ssyncset.done $0x0  }
0xa5: {  	s25 =	simm.s32 $0x1B8E;
	s24 =	sld [smem:$0x3FFE];
	[sflag:s23] =	ssyncadd.s32 $0xFFFFFFFF  }
0xa6: {  	s26 =	simm.s32 $execute0_lowered;
	[smem:$0x3FD2] =	sst s25  }
0xa7: {  	s6 =	sshll.u32 s26, $0x1;
	_ =	strace $0x80000046;
	[dreg:$0x1] =	wrdreg $0xFFFFFFFF  }
0xa8: {  	s28 =	simm.s32 $_size_execute0_lowered;
	s4 =	sadd.s32 s4, s6;
	[dreg:$0x0] =	wrdreg $0x0  }
0xa9: {  	s6 =	sshll.u32 s28, $0x1;
	[dreg:$0x2] =	wrdreg s4  }
0xaa: {  	[dreg:$0x3] =	wrdreg s6  }
0xab: {  	[dreg:$0x4] =	wrdreg $0xC0  }
0xac: {  	_ =	task [dreg:s8], $0x5FFFF  }
0xad: {  	[dreg:$0x1] =	wrdreg $0xFFFFFFFF  }
0xae: {  	[dreg:$0x0] =	wrdreg $0x60  }
0xaf: {  	[dreg:$0x2] =	wrdreg s18  }
0xb0: {  	[dreg:$0x3] =	wrdreg s2  }
0xb1: {  	[dreg:$0x4] =	wrdreg s24  }
0xb2: {  	[dreg:$0x5] =	wrdreg $0x21000  }
0xb3: {  	[dreg:$0x6] =	wrdreg $0x9  }
0xb4: {  	_ =	task.clear_ibuf [dreg:s8], $0x7FFFF;
	_ =	strace $0x90000046  }
0xb5: {  	s29 =	simm.s32 $0x9;
	_ =	strace $0x80000048  }
0xb6: {  	_ =	swait.ge [sflag:s29], $0x1  }
0xb7: {  	[sflag:s29] =	ssyncadd.s32 $0xFFFFFFFF  }
0xb8: {  	_ =	strace $0x90000048  }
0xb9: {  	_ =	sfence  }
0xba: {  	s30 =	sld [smem:$0x0];
	_ =	sdelay $0x2  }
0xbb: {  	s31 =	sshll.u32 s1, $0xD;
	s1 =	sshrl.u32 s1, $0x2  }
0xbc: {  	s3 =	sand.u32 $0x4000, s31;
	s1 =	sadd.s32 s1, s30  }
0xbd: {  	s0 =	sor.u32 s3, s0;
	s1 =	sshll.u32 s1, $0x11  }
0xbe: {  	s0 =	sor.u32 s1, s0  }
0xbf: {  	s0 =	sadd.s32 $0x8F2B, s0  }
0xc0: {  	[sflag:s0] =	ssyncadd.remote.s32 $0x1  }
0xc1: {  	_ =	sfence.sel $0xFFFF  }
0xc2: {  	[dreg:$0x0] =	wrdreg $0xFFFFFFFF;
	(pc) =	sbr.abs _section_cstart, $3  }
0xc3: {  	[dreg:$0x1] =	wrdreg $0xFFFFFFFF  }
0xc4: {  	_ =	task.clear_ibuf [dreg:s8], $0x2FFFF;
	_ =	strace $0x9FFFFFFF  }
0xc5: {  	(tm) =	ssettm $0x7FFFFFFF  }
tec
execute0_lowered:
.L_overlay_start_1:
0x0: {  	(tag) =	ssettag $0x1  }
0x1: {  	s0 =	rddreg [dreg:$0x1]  }
0x2: {  	s1 =	rddreg [dreg:$0x2]  }
0x3: {  	s11 =	rddreg [dreg:$0x3]  }
0x4: {  	s2 =	srdreg.scid;
	s4 =	stileid.u32  }
0x5: {  	s3 =	simm.s32 $0x0;
	s19 =	simm.s32 $0xBB00;
	s2 =	sand.u32 $0x1, s2  }
0x6: {  	s5 =	sshll.u32 s4, $0x8;
	[smem:$0x7FF] =	sst s3;
	s20 =	sadd.s32 $0x146800, s1  }
0x7: {  	p0 =	sgt.u32 s4, $0x7;
	s7 =	sadd.s32 $0x1A600, s1;
	s12 =	sadd.s32 $0x1AA00, s1  }
0x8: {  	s13 =	sadd.s32 $0x1AB00, s1;
	_ =	strace $0x80000047;
	[dreg:$0x5] =	wrdreg s20  }
0x9: {  	s6 =	sshll.u32 s2, $0x7;
	[dreg:$0x6] =	wrdreg s7;
	s21 =	ssub.s32 $0x2, s2  }
0xa: {  	p1 =	sne.s32 s2, $0x0;
	s20 =	simm.s32 $0xA300;
	s5 =	sor.u32 s6, s5  }
0xb: {  	s7 =	simm.s32 $0x11B00;
	s9 =	sshrl.u32 s21, $0x1;
	s8 =	sshll.u32 s5, $0x7  }
0xc: {  	s9 =	ssub.s32 s21, s9;
	s22 =	sadd.s32 s5, s11;
	s11 =	sadd.s32 $0x1A900, s1  }
0xd: {  	s5 =	simm.s32 $0x11300;
	s24 =	sadd.s32 $0x20, s22;
	[dreg:$0xf] =	wrdreg s22  }
0xe: {  	s6 =	sadd.s32 $0xFFFC0000, s8;
	s26 =	sadd.s32 $0x40, s22;
	[dreg:$0x8] =	wrdreg s24  }
0xf: {  	s29 =	sadd.s32 $0x60, s22;
	s31 =	smax.u32 s9, $0x1;
	[dreg:$0xa] =	wrdreg s26  }
0x10: {  	s22 =	simm.s32 $0x5;
	s8 =	smov.u32 @p0 s6;
	[dreg:$0xc] =	wrdreg s29  }
0x11: {  	s6 =	sadd.s32 $0x1A800, s1;
	[dreg:$0xe] =	wrdreg s31;
	p0 =	sne.s32 s4, $0x0  }
0x12: {  	v5 =	vlaneseq.u32;
	s24 =	simm.s32 $0x1;
	s26 =	simm.s32 $0x7300;
	s10 =	sand.u32 $0x1FFFC000, s8  }
.Ltmp0:
0x13: {  	v2 =	vmul.u32 $0x280, v5;
	s23 =	sadd.s32 s10, s0;
	s0 =	sadd.s32 s0, s8;
	(pc) =	sbr.rel .LBB2_1-.Ltmp0, $4  }
0x14: {  	s4 =	simm.s32 $0x10B00;
	[dreg:$0x7] =	wrdreg s0;
	s25 =	sadd.s32 $0x1000, s23  }
0x15: {  	v0 =	vimm.s32 $0x0;
	v1 =	vor.u32 $0x1, v2;
	s10 =	simm.s32 $0x0;
	s28 =	sadd.s32 $0x2000, s23;
	[dreg:$0x9] =	wrdreg s25  }
0x16: {  	vm0 =	vmmov $0xffff;
	v4 =	vshrl.u32 v5, $0x3;
	[tilespmem:$0x1FFE0] =	vst v1;
	v1 =	vadd.s32 $0x2801, v2;
	s8 =	simm.s32 $0xF300;
	s30 =	sadd.s32 $0x3000, s23;
	[dreg:$0xb] =	wrdreg s28  }
0x17: {  	v3 =	vand.u32 $0x7, v5;
	v5 =	vor.u32 $0x8, v5;
	v4 =	vmul.u32 $0x8, v4;
	[tilespmem:$0x1FFF0] =	vst v1;
	s23 =	simm.s32 $0x2280;
	[dreg:$0xd] =	wrdreg s30;
	s25 =	simm.s32 $0x2300  }
.LBB2_7:
0x18: {  	[bflag:$0x0] =	sbarrier.arrive $0xFFFF  }
0x19: {  	s1 =	simm.s32 $0x2200;
	s2 =	rddreg [dreg:$0xf]  }
0x1a: {  	[tilespmem:s1], [sflag:$0x5] =	stream.linear.gather [spmem:s2], $0x20, $0x38;
	[tilespmem:$0x12300] =	vst v63  }
0x1b: {  	_ =	swait.ge [sflag:s22], $0x20  }
0x1c: {  	[sflag:s22] =	ssyncset.done $0x0  }
0x1d: {  	s0 =	rddreg [dreg:$0x7];
	[sflag:s22] =	ssyncadd.s32 $0xFFFFFFE0  }
0x1e: {  	[tilespmem:s25], [sflag:$0x1] =	stream.linear.gather [hbm4b:s0+s3], $0x8000, $0x38;
	[tilespmem:$0x12300] =	vst v63  }
0x1f: {  	s17 =	rddreg [dreg:$0x8]  }
0x20: {  	[tilespmem:s23], [sflag:$0x5] =	stream.linear.gather [spmem:s17], $0x20, $0x38;
	[tilespmem:$0x12300] =	vst v63  }
0x21: {  	_ =	swait.ge [sflag:s22], $0x20  }
0x22: {  	[sflag:s22] =	ssyncset.done $0x0  }
0x23: {  	s18 =	rddreg [dreg:$0x9];
	[sflag:s22] =	ssyncadd.s32 $0xFFFFFFE0  }
0x24: {  	[tilespmem:s20], [sflag:$0x2] =	stream.linear.gather [hbm4b:s18+s3], $0x8000, $0x38;
	[tilespmem:$0x12300] =	vst v63  }
0x25: {  	_ =	swait.ge [sflag:s24], $0x8000  }
0x26: {  	[sflag:s24] =	ssyncset.done $0x0  }
0x27: {  	[sflag:s24] =	ssyncadd.s32 $0xFFFF8000  }
0x28: {  	v1 =	vld [tilespmem:$0x2200];
	_ =	sdelay $0x4  }
0x29: {  	v2 =	vshll.u32 v1, $0x3  }
0x2a: {  	v1 =	vand.u32 $0x7, v1;
	v2 =	vand.u32 $0xFFFFFFC0, v2  }
0x2b: {  	v1 =	vor.u32 v1, v2  }
0x2c: {  	v2 =	vperm.xlane v1, v3;
	_ =	sdelay $0x1  }
0x2d: {  	v2 =	vadd.s32 v4, v2;
	_ =	sdelay $0x4  }
0x2e: {  	[hbm4b:s6+s3] =	stream.indirect_vreg.scatter [tilespmem:s25], [sflag:$0x3], $0x80, v2, vm0, $0xb8;
	[tilespmem:$0x12300] =	vst v63  }
0x2f: {  	s21 =	simm.s32 $0x2B00;
	v1 =	vperm.xlane v1, v5  }
0x30: {  	[hbm4b:s11+s3] =	stream.indirect_vreg.scatter [tilespmem:s21], [sflag:$0x3], $0x80, v2, vm0, $0xb8;
	[tilespmem:$0x12300] =	vst v63  }
0x31: {  	s28 =	simm.s32 $0x3300;
	v1 =	vadd.s32 v4, v1  }
0x32: {  	[hbm4b:s12+s3] =	stream.indirect_vreg.scatter [tilespmem:s28], [sflag:$0x3], $0x80, v2, vm0, $0xb8;
	[tilespmem:$0x12300] =	vst v63  }
0x33: {  	s29 =	simm.s32 $0x3B00  }
0x34: {  	[hbm4b:s13+s3] =	stream.indirect_vreg.scatter [tilespmem:s29], [sflag:$0x3], $0x80, v2, vm0, $0xb8;
	[tilespmem:$0x12300] =	vst v63  }
0x35: {  	s30 =	simm.s32 $0x4300  }
0x36: {  	[hbm4b:s6+s3] =	stream.indirect_vreg.scatter [tilespmem:s30], [sflag:$0x3], $0x80, v1, vm0, $0xb8;
	[tilespmem:$0x12300] =	vst v63  }
0x37: {  	s31 =	simm.s32 $0x4B00  }
0x38: {  	[hbm4b:s11+s3] =	stream.indirect_vreg.scatter [tilespmem:s31], [sflag:$0x3], $0x80, v1, vm0, $0xb8;
	[tilespmem:$0x12300] =	vst v63  }
0x39: {  	s2 =	simm.s32 $0x5300  }
0x3a: {  	[hbm4b:s12+s3] =	stream.indirect_vreg.scatter [tilespmem:s2], [sflag:$0x3], $0x80, v1, vm0, $0xb8;
	[tilespmem:$0x12300] =	vst v63  }
0x3b: {  	s9 =	simm.s32 $0x5B00  }
0x3c: {  	[hbm4b:s13+s3] =	stream.indirect_vreg.scatter [tilespmem:s9], [sflag:$0x3], $0x80, v1, vm0, $0xb8;
	[tilespmem:$0x12300] =	vst v63  }
0x3d: {  	v1 =	vld [tilespmem:$0x2210];
	_ =	sdelay $0x4  }
0x3e: {  	v2 =	vshll.u32 v1, $0x3  }
0x3f: {  	v1 =	vand.u32 $0x7, v1;
	v2 =	vand.u32 $0xFFFFFFC0, v2  }
0x40: {  	v1 =	vor.u32 v1, v2  }
0x41: {  	v2 =	vperm.xlane v1, v3;
	_ =	sdelay $0x1  }
0x42: {  	v2 =	vadd.s32 v4, v2;
	_ =	sdelay $0x3  }
0x43: {  	s14 =	simm.s32 $0x6300  }
0x44: {  	[hbm4b:s6+s3] =	stream.indirect_vreg.scatter [tilespmem:s14], [sflag:$0x3], $0x80, v2, vm0, $0xb8;
	[tilespmem:$0x12300] =	vst v63  }
0x45: {  	s15 =	simm.s32 $0x6B00;
	v1 =	vperm.xlane v1, v5  }
0x46: {  	[hbm4b:s11+s3] =	stream.indirect_vreg.scatter [tilespmem:s15], [sflag:$0x3], $0x80, v2, vm0, $0xb8;
	[tilespmem:$0x12300] =	vst v63  }
0x47: {  	v1 =	vadd.s32 v4, v1  }
0x48: {  	[hbm4b:s12+s3] =	stream.indirect_vreg.scatter [tilespmem:s26], [sflag:$0x3], $0x80, v2, vm0, $0xb8;
	[tilespmem:$0x12300] =	vst v63  }
0x49: {  	s16 =	simm.s32 $0x7B00  }
0x4a: {  	[hbm4b:s13+s3] =	stream.indirect_vreg.scatter [tilespmem:s16], [sflag:$0x3], $0x80, v2, vm0, $0xb8;
	[tilespmem:$0x12300] =	vst v63  }
0x4b: {  	s17 =	simm.s32 $0x8300  }
0x4c: {  	[hbm4b:s6+s3] =	stream.indirect_vreg.scatter [tilespmem:s17], [sflag:$0x3], $0x80, v1, vm0, $0xb8;
	[tilespmem:$0x12300] =	vst v63  }
0x4d: {  	s18 =	simm.s32 $0x8B00  }
0x4e: {  	[hbm4b:s11+s3] =	stream.indirect_vreg.scatter [tilespmem:s18], [sflag:$0x3], $0x80, v1, vm0, $0xb8;
	[tilespmem:$0x12300] =	vst v63  }
0x4f: {  	s21 =	simm.s32 $0x9300  }
0x50: {  	[hbm4b:s12+s3] =	stream.indirect_vreg.scatter [tilespmem:s21], [sflag:$0x3], $0x80, v1, vm0, $0xb8;
	[tilespmem:$0x12300] =	vst v63  }
0x51: {  	s28 =	simm.s32 $0x9B00;
	s15 =	simm.s32 $0x3  }
0x52: {  	[hbm4b:s13+s3] =	stream.indirect_vreg.scatter [tilespmem:s28], [sflag:$0x3], $0x80, v1, vm0, $0xb8;
	[tilespmem:$0x12300] =	vst v63  }
0x53: {  	_ =	swait.ge [sflag:s15], $0x8000  }
0x54: {  	[sflag:s15] =	ssyncset.done $0x0  }
0x55: {  	s29 =	rddreg [dreg:$0xa];
	[sflag:s15] =	ssyncadd.s32 $0xFFFF8000  }
0x56: {  	[tilespmem:s1], [sflag:$0x5] =	stream.linear.gather [spmem:s29], $0x20, $0x38;
	[tilespmem:$0x12300] =	vst v63  }
0x57: {  	_ =	swait.ge [sflag:s22], $0x20  }
0x58: {  	[sflag:s22] =	ssyncset.done $0x0  }
0x59: {  	s16 =	simm.s32 $0x2;
	s30 =	rddreg [dreg:$0xb];
	[sflag:s22] =	ssyncadd.s32 $0xFFFFFFE0  }
0x5a: {  	[tilespmem:s25], [sflag:$0x1] =	stream.linear.gather [hbm4b:s30+s3], $0x8000, $0x38;
	[tilespmem:$0x12300] =	vst v63  }
0x5b: {  	_ =	swait.ge [sflag:s16], $0x8000  }
0x5c: {  	[sflag:s16] =	ssyncset.done $0x0  }
0x5d: {  	[sflag:s16] =	ssyncadd.s32 $0xFFFF8000  }
0x5e: {  	v1 =	vld [tilespmem:$0x2280];
	_ =	sdelay $0x4  }
0x5f: {  	v2 =	vshll.u32 v1, $0x3  }
0x60: {  	v1 =	vand.u32 $0x7, v1;
	v2 =	vand.u32 $0xFFFFFFC0, v2  }
0x61: {  	v1 =	vor.u32 v1, v2  }
0x62: {  	v2 =	vperm.xlane v1, v3;
	_ =	sdelay $0x1  }
0x63: {  	v2 =	vadd.s32 v4, v2;
	_ =	sdelay $0x4  }
0x64: {  	[hbm4b:s6+s3] =	stream.indirect_vreg.scatter [tilespmem:s20], [sflag:$0x4], $0x80, v2, vm0, $0xb8;
	[tilespmem:$0x12300] =	vst v63  }
0x65: {  	s17 =	simm.s32 $0xAB00;
	v1 =	vperm.xlane v1, v5  }
0x66: {  	[hbm4b:s11+s3] =	stream.indirect_vreg.scatter [tilespmem:s17], [sflag:$0x4], $0x80, v2, vm0, $0xb8;
	[tilespmem:$0x12300] =	vst v63  }
0x67: {  	s9 =	simm.s32 $0xB300;
	v1 =	vadd.s32 v4, v1  }
0x68: {  	[hbm4b:s12+s3] =	stream.indirect_vreg.scatter [tilespmem:s9], [sflag:$0x4], $0x80, v2, vm0, $0xb8;
	[tilespmem:$0x12300] =	vst v63  }
0x69: {  	_ = 	snop  }
0x6a: {  	[hbm4b:s13+s3] =	stream.indirect_vreg.scatter [tilespmem:s19], [sflag:$0x4], $0x80, v2, vm0, $0xb8;
	[tilespmem:$0x12300] =	vst v63  }
0x6b: {  	s18 =	simm.s32 $0xC300  }
0x6c: {  	[hbm4b:s6+s3] =	stream.indirect_vreg.scatter [tilespmem:s18], [sflag:$0x4], $0x80, v1, vm0, $0xb8;
	[tilespmem:$0x12300] =	vst v63  }
0x6d: {  	s21 =	simm.s32 $0xCB00  }
0x6e: {  	[hbm4b:s11+s3] =	stream.indirect_vreg.scatter [tilespmem:s21], [sflag:$0x4], $0x80, v1, vm0, $0xb8;
	[tilespmem:$0x12300] =	vst v63  }
0x6f: {  	s28 =	simm.s32 $0xD300  }
0x70: {  	[hbm4b:s12+s3] =	stream.indirect_vreg.scatter [tilespmem:s28], [sflag:$0x4], $0x80, v1, vm0, $0xb8;
	[tilespmem:$0x12300] =	vst v63  }
0x71: {  	s29 =	simm.s32 $0xDB00  }
0x72: {  	[hbm4b:s13+s3] =	stream.indirect_vreg.scatter [tilespmem:s29], [sflag:$0x4], $0x80, v1, vm0, $0xb8;
	[tilespmem:$0x12300] =	vst v63  }
0x73: {  	v1 =	vld [tilespmem:$0x2290];
	_ =	sdelay $0x4  }
0x74: {  	v2 =	vshll.u32 v1, $0x3  }
0x75: {  	v1 =	vand.u32 $0x7, v1;
	v2 =	vand.u32 $0xFFFFFFC0, v2  }
0x76: {  	v1 =	vor.u32 v1, v2  }
0x77: {  	v2 =	vperm.xlane v1, v3;
	_ =	sdelay $0x1  }
0x78: {  	v2 =	vadd.s32 v4, v2;
	_ =	sdelay $0x3  }
0x79: {  	s30 =	simm.s32 $0xE300  }
0x7a: {  	[hbm4b:s6+s3] =	stream.indirect_vreg.scatter [tilespmem:s30], [sflag:$0x4], $0x80, v2, vm0, $0xb8;
	[tilespmem:$0x12300] =	vst v63  }
0x7b: {  	s31 =	simm.s32 $0xEB00;
	v1 =	vperm.xlane v1, v5  }
0x7c: {  	[hbm4b:s11+s3] =	stream.indirect_vreg.scatter [tilespmem:s31], [sflag:$0x4], $0x80, v2, vm0, $0xb8;
	[tilespmem:$0x12300] =	vst v63  }
0x7d: {  	v1 =	vadd.s32 v4, v1  }
0x7e: {  	[hbm4b:s12+s3] =	stream.indirect_vreg.scatter [tilespmem:s8], [sflag:$0x4], $0x80, v2, vm0, $0xb8;
	[tilespmem:$0x12300] =	vst v63  }
0x7f: {  	s1 =	simm.s32 $0xFB00  }
0x80: {  	[hbm4b:s13+s3] =	stream.indirect_vreg.scatter [tilespmem:s1], [sflag:$0x4], $0x80, v2, vm0, $0xb8;
	[tilespmem:$0x12300] =	vst v63  }
0x81: {  	s2 =	simm.s32 $0x10300  }
0x82: {  	[hbm4b:s6+s3] =	stream.indirect_vreg.scatter [tilespmem:s2], [sflag:$0x4], $0x80, v1, vm0, $0xb8;
	[tilespmem:$0x12300] =	vst v63  }
0x83: {  	_ = 	snop  }
0x84: {  	[hbm4b:s11+s3] =	stream.indirect_vreg.scatter [tilespmem:s4], [sflag:$0x4], $0x80, v1, vm0, $0xb8;
	[tilespmem:$0x12300] =	vst v63  }
0x85: {  	_ = 	snop  }
0x86: {  	[hbm4b:s12+s3] =	stream.indirect_vreg.scatter [tilespmem:s5], [sflag:$0x4], $0x80, v1, vm0, $0xb8;
	[tilespmem:$0x12300] =	vst v63  }
0x87: {  	s0 =	simm.s32 $0x4  }
0x88: {  	[hbm4b:s13+s3] =	stream.indirect_vreg.scatter [tilespmem:s7], [sflag:$0x4], $0x80, v1, vm0, $0xb8;
	[tilespmem:$0x12300] =	vst v63  }
0x89: {  	_ =	swait.ge [sflag:s0], $0x8000  }
0x8a: {  	[sflag:s0] =	ssyncset.done $0x0  }
0x8b: {  	s14 =	rddreg [dreg:$0xc];
	[sflag:s0] =	ssyncadd.s32 $0xFFFF8000  }
0x8c: {  	[tilespmem:s23], [sflag:$0x5] =	stream.linear.gather [spmem:s14], $0x20, $0x38;
	[tilespmem:$0x12300] =	vst v63  }
0x8d: {  	_ =	swait.ge [sflag:s22], $0x20  }
0x8e: {  	[sflag:s22] =	ssyncset.done $0x0  }
0x8f: {  	s14 =	rddreg [dreg:$0xd];
	[sflag:s22] =	ssyncadd.s32 $0xFFFFFFE0  }
0x90: {  	[tilespmem:s20], [sflag:$0x2] =	stream.linear.gather [hbm4b:s14+s3], $0x8000, $0x38;
	[tilespmem:$0x12300] =	vst v63  }
0x91: {  	_ =	swait.ge [sflag:s24], $0x8000  }
0x92: {  	[sflag:s24] =	ssyncset.done $0x0  }
0x93: {  	[sflag:s24] =	ssyncadd.s32 $0xFFFF8000  }
0x94: {  	v1 =	vld [tilespmem:$0x2200];
	_ =	sdelay $0x4  }
0x95: {  	v2 =	vshll.u32 v1, $0x3  }
0x96: {  	v1 =	vand.u32 $0x7, v1;
	v2 =	vand.u32 $0xFFFFFFC0, v2  }
0x97: {  	v1 =	vor.u32 v1, v2  }
0x98: {  	v2 =	vperm.xlane v1, v3;
	_ =	sdelay $0x1  }
0x99: {  	v2 =	vadd.s32 v4, v2;
	_ =	sdelay $0x4  }
0x9a: {  	[hbm4b:s6+s3] =	stream.indirect_vreg.scatter [tilespmem:s25], [sflag:$0x3], $0x80, v2, vm0, $0xb8;
	[tilespmem:$0x12300] =	vst v63  }
0x9b: {  	s14 =	simm.s32 $0x2B00;
	v1 =	vperm.xlane v1, v5  }
0x9c: {  	[hbm4b:s11+s3] =	stream.indirect_vreg.scatter [tilespmem:s14], [sflag:$0x3], $0x80, v2, vm0, $0xb8;
	[tilespmem:$0x12300] =	vst v63  }
0x9d: {  	v1 =	vadd.s32 v4, v1;
	s14 =	simm.s32 $0x3300  }
0x9e: {  	[hbm4b:s12+s3] =	stream.indirect_vreg.scatter [tilespmem:s14], [sflag:$0x3], $0x80, v2, vm0, $0xb8;
	[tilespmem:$0x12300] =	vst v63  }
0x9f: {  	s14 =	simm.s32 $0x3B00  }
0xa0: {  	[hbm4b:s13+s3] =	stream.indirect_vreg.scatter [tilespmem:s14], [sflag:$0x3], $0x80, v2, vm0, $0xb8;
	[tilespmem:$0x12300] =	vst v63  }
0xa1: {  	s14 =	simm.s32 $0x4300  }
0xa2: {  	[hbm4b:s6+s3] =	stream.indirect_vreg.scatter [tilespmem:s14], [sflag:$0x3], $0x80, v1, vm0, $0xb8;
	[tilespmem:$0x12300] =	vst v63  }
0xa3: {  	s14 =	simm.s32 $0x4B00  }
0xa4: {  	[hbm4b:s11+s3] =	stream.indirect_vreg.scatter [tilespmem:s14], [sflag:$0x3], $0x80, v1, vm0, $0xb8;
	[tilespmem:$0x12300] =	vst v63  }
0xa5: {  	s14 =	simm.s32 $0x5300  }
0xa6: {  	[hbm4b:s12+s3] =	stream.indirect_vreg.scatter [tilespmem:s14], [sflag:$0x3], $0x80, v1, vm0, $0xb8;
	[tilespmem:$0x12300] =	vst v63  }
0xa7: {  	s14 =	simm.s32 $0x5B00  }
0xa8: {  	[hbm4b:s13+s3] =	stream.indirect_vreg.scatter [tilespmem:s14], [sflag:$0x3], $0x80, v1, vm0, $0xb8;
	[tilespmem:$0x12300] =	vst v63  }
0xa9: {  	v1 =	vld [tilespmem:$0x2210];
	_ =	sdelay $0x4  }
0xaa: {  	v2 =	vshll.u32 v1, $0x3  }
0xab: {  	v1 =	vand.u32 $0x7, v1;
	v2 =	vand.u32 $0xFFFFFFC0, v2  }
0xac: {  	v1 =	vor.u32 v1, v2  }
0xad: {  	v2 =	vperm.xlane v1, v3;
	_ =	sdelay $0x1  }
0xae: {  	v2 =	vadd.s32 v4, v2;
	_ =	sdelay $0x3  }
0xaf: {  	s14 =	simm.s32 $0x6300  }
0xb0: {  	[hbm4b:s6+s3] =	stream.indirect_vreg.scatter [tilespmem:s14], [sflag:$0x3], $0x80, v2, vm0, $0xb8;
	[tilespmem:$0x12300] =	vst v63  }
0xb1: {  	v1 =	vperm.xlane v1, v5;
	s14 =	simm.s32 $0x6B00  }
0xb2: {  	[hbm4b:s11+s3] =	stream.indirect_vreg.scatter [tilespmem:s14], [sflag:$0x3], $0x80, v2, vm0, $0xb8;
	[tilespmem:$0x12300] =	vst v63  }
0xb3: {  	v1 =	vadd.s32 v4, v1  }
0xb4: {  	[hbm4b:s12+s3] =	stream.indirect_vreg.scatter [tilespmem:s26], [sflag:$0x3], $0x80, v2, vm0, $0xb8;
	[tilespmem:$0x12300] =	vst v63  }
0xb5: {  	s14 =	simm.s32 $0x7B00  }
0xb6: {  	[hbm4b:s13+s3] =	stream.indirect_vreg.scatter [tilespmem:s14], [sflag:$0x3], $0x80, v2, vm0, $0xb8;
	[tilespmem:$0x12300] =	vst v63  }
0xb7: {  	s14 =	simm.s32 $0x8300  }
0xb8: {  	[hbm4b:s6+s3] =	stream.indirect_vreg.scatter [tilespmem:s14], [sflag:$0x3], $0x80, v1, vm0, $0xb8;
	[tilespmem:$0x12300] =	vst v63  }
0xb9: {  	s14 =	simm.s32 $0x8B00  }
0xba: {  	[hbm4b:s11+s3] =	stream.indirect_vreg.scatter [tilespmem:s14], [sflag:$0x3], $0x80, v1, vm0, $0xb8;
	[tilespmem:$0x12300] =	vst v63  }
0xbb: {  	s14 =	simm.s32 $0x9300  }
0xbc: {  	[hbm4b:s12+s3] =	stream.indirect_vreg.scatter [tilespmem:s14], [sflag:$0x3], $0x80, v1, vm0, $0xb8;
	[tilespmem:$0x12300] =	vst v63  }
0xbd: {  	s14 =	simm.s32 $0x9B00  }
0xbe: {  	[hbm4b:s13+s3] =	stream.indirect_vreg.scatter [tilespmem:s14], [sflag:$0x3], $0x80, v1, vm0, $0xb8;
	[tilespmem:$0x12300] =	vst v63  }
0xbf: {  	_ =	swait.ge [sflag:s16], $0x8000  }
0xc0: {  	[sflag:s16] =	ssyncset.done $0x0  }
0xc1: {  	[sflag:s16] =	ssyncadd.s32 $0xFFFF8000  }
0xc2: {  	v1 =	vld [tilespmem:$0x2280];
	_ =	sdelay $0x4  }
0xc3: {  	v2 =	vshll.u32 v1, $0x3  }
0xc4: {  	v1 =	vand.u32 $0x7, v1;
	v2 =	vand.u32 $0xFFFFFFC0, v2  }
0xc5: {  	v1 =	vor.u32 v1, v2  }
0xc6: {  	v2 =	vperm.xlane v1, v3;
	_ =	sdelay $0x1  }
0xc7: {  	v2 =	vadd.s32 v4, v2;
	_ =	sdelay $0x4  }
0xc8: {  	[hbm4b:s6+s3] =	stream.indirect_vreg.scatter [tilespmem:s20], [sflag:$0x4], $0x80, v2, vm0, $0xb8;
	[tilespmem:$0x12300] =	vst v63  }
0xc9: {  	v1 =	vperm.xlane v1, v5  }
0xca: {  	[hbm4b:s11+s3] =	stream.indirect_vreg.scatter [tilespmem:s17], [sflag:$0x4], $0x80, v2, vm0, $0xb8;
	[tilespmem:$0x12300] =	vst v63  }
0xcb: {  	v1 =	vadd.s32 v4, v1  }
0xcc: {  	[hbm4b:s12+s3] =	stream.indirect_vreg.scatter [tilespmem:s9], [sflag:$0x4], $0x80, v2, vm0, $0xb8;
	[tilespmem:$0x12300] =	vst v63  }
0xcd: {  	_ = 	snop  }
0xce: {  	[hbm4b:s13+s3] =	stream.indirect_vreg.scatter [tilespmem:s19], [sflag:$0x4], $0x80, v2, vm0, $0xb8;
	[tilespmem:$0x12300] =	vst v63  }
0xcf: {  	_ = 	snop  }
0xd0: {  	[hbm4b:s6+s3] =	stream.indirect_vreg.scatter [tilespmem:s18], [sflag:$0x4], $0x80, v1, vm0, $0xb8;
	[tilespmem:$0x12300] =	vst v63  }
0xd1: {  	_ = 	snop  }
0xd2: {  	[hbm4b:s11+s3] =	stream.indirect_vreg.scatter [tilespmem:s21], [sflag:$0x4], $0x80, v1, vm0, $0xb8;
	[tilespmem:$0x12300] =	vst v63  }
0xd3: {  	_ = 	snop  }
0xd4: {  	[hbm4b:s12+s3] =	stream.indirect_vreg.scatter [tilespmem:s28], [sflag:$0x4], $0x80, v1, vm0, $0xb8;
	[tilespmem:$0x12300] =	vst v63  }
0xd5: {  	_ = 	snop  }
0xd6: {  	[hbm4b:s13+s3] =	stream.indirect_vreg.scatter [tilespmem:s29], [sflag:$0x4], $0x80, v1, vm0, $0xb8;
	[tilespmem:$0x12300] =	vst v63  }
0xd7: {  	v1 =	vld [tilespmem:$0x2290];
	_ =	sdelay $0x4  }
0xd8: {  	v2 =	vshll.u32 v1, $0x3  }
0xd9: {  	v1 =	vand.u32 $0x7, v1;
	v2 =	vand.u32 $0xFFFFFFC0, v2  }
0xda: {  	v1 =	vor.u32 v1, v2  }
0xdb: {  	v2 =	vperm.xlane v1, v3;
	_ =	sdelay $0x1  }
0xdc: {  	v2 =	vadd.s32 v4, v2;
	_ =	sdelay $0x4  }
0xdd: {  	[hbm4b:s6+s3] =	stream.indirect_vreg.scatter [tilespmem:s30], [sflag:$0x4], $0x80, v2, vm0, $0xb8;
	[tilespmem:$0x12300] =	vst v63  }
0xde: {  	v1 =	vperm.xlane v1, v5  }
0xdf: {  	[hbm4b:s11+s3] =	stream.indirect_vreg.scatter [tilespmem:s31], [sflag:$0x4], $0x80, v2, vm0, $0xb8;
	[tilespmem:$0x12300] =	vst v63  }
0xe0: {  	v1 =	vadd.s32 v4, v1  }
0xe1: {  	[hbm4b:s12+s3] =	stream.indirect_vreg.scatter [tilespmem:s8], [sflag:$0x4], $0x80, v2, vm0, $0xb8;
	[tilespmem:$0x12300] =	vst v63  }
0xe2: {  	_ = 	snop  }
0xe3: {  	[hbm4b:s13+s3] =	stream.indirect_vreg.scatter [tilespmem:s1], [sflag:$0x4], $0x80, v2, vm0, $0xb8;
	[tilespmem:$0x12300] =	vst v63  }
0xe4: {  	_ = 	snop  }
0xe5: {  	[hbm4b:s6+s3] =	stream.indirect_vreg.scatter [tilespmem:s2], [sflag:$0x4], $0x80, v1, vm0, $0xb8;
	[tilespmem:$0x12300] =	vst v63  }
0xe6: {  	_ = 	snop  }
0xe7: {  	[hbm4b:s11+s3] =	stream.indirect_vreg.scatter [tilespmem:s4], [sflag:$0x4], $0x80, v1, vm0, $0xb8;
	[tilespmem:$0x12300] =	vst v63  }
0xe8: {  	_ = 	snop  }
0xe9: {  	[hbm4b:s12+s3] =	stream.indirect_vreg.scatter [tilespmem:s5], [sflag:$0x4], $0x80, v1, vm0, $0xb8;
	[tilespmem:$0x12300] =	vst v63  }
0xea: {  	_ = 	snop  }
0xeb: {  	[hbm4b:s13+s3] =	stream.indirect_vreg.scatter [tilespmem:s7], [sflag:$0x4], $0x80, v1, vm0, $0xb8;
	[tilespmem:$0x12300] =	vst v63  }
0xec: {  	_ =	swait.ge [sflag:s15], $0x8000  }
0xed: {  	[sflag:s15] =	ssyncset.done $0x0  }
0xee: {  	[sflag:s15] =	ssyncadd.s32 $0xFFFF8000  }
0xef: {  	_ =	swait.ge [sflag:s0], $0x8000  }
0xf0: {  	s10 =	sadd.s32 $0x1, s10;
	s31 =	rddreg [dreg:$0xe]  }
0xf1: {  	p2 =	sne.s32 s10, s31  }
.Ltmp1:
0xf2: {  	_ = 	snop;
	(pc) =	sbr.rel @!p2 .LBB2_8-.Ltmp1, $3  }
0xf3: {  	_ =	sdelay $0x1  }
0xf4: {  	[sflag:s0] =	ssyncset.done $0x0  }
0xf5: {  	[sflag:s0] =	ssyncadd.s32 $0xFFFF8000  }
.LBB2_1:
.Ltmp2:
0xf6: {  	(pc) =	sbr.rel @p0 .LBB2_7-.Ltmp2, $1  }
0xf7: {  	_ =	sdelay $0x3  }
0xf8: {  	s9 =	simm.s32 $0x0;
	s0 =	rddreg [dreg:$0x0];
	s30 =	simm.s32 $0x5  }
0xf9: {  	[tilespmem:s9], [sflag:$0x5] =	stream.linear.gather [hbm4b:s0+s9], $0x1000, $0x38;
	[tilespmem:$0x12300] =	vst v63  }
0xfa: {  	_ =	swait.ge [sflag:s30], $0x1000  }
0xfb: {  	[sflag:s30] =	ssyncset.done $0x0  }
0xfc: {  	s31 =	simm.s32 $0x0;
	[sflag:s30] =	ssyncadd.s32 $0xFFFFF000  }
0xfd: {  	v6 =	vld [tilespmem:s31+$0x0];
	_ =	sdelay $0x2  }
0xfe: {  	v7 =	vimm.s32 $0x0  }
0xff: {  	v10 =	vimm.s32 $0x0;
	v15 =	vimm.s32 $0x0;
	v11 =	vimm.s32 $0x0  }
0x100: {  	v12 =	vimm.s32 $0x0;
	v14 =	vimm.s32 $0x0;
	vm6 =	veq.s32 v6, $0x0  }
0x101: {  	vm5 =	veq.s32 v6, $0x1;
	vm1 =	veq.s32 v6, $0x7;
	vm4 =	veq.s32 v6, $0x2  }
0x102: {  	vm3 =	veq.s32 v6, $0x3;
	vm2 =	veq.s32 v6, $0x4;
	v8 =	vsel vm1, $0x1, v0  }
0x103: {  	s2 =	smov.u32 s10;
	s10 =	simm.s32 $0x10;
	s9 =	simm.s32 $0x80;
	vm1 =	veq.s32 v6, $0x5;
	v9 =	vadd.s32 v8, v7;
	v8 =	vimm.s32 $0x0  }
.LBB2_3:
0x104: {  	p2 =	sne.s32 s9, $0x3FC0;
	v13 =	vsel vm6, $0x1, v0;
	v16 =	vsel vm5, $0x1, v0;
	vm5 =	veq.s32 v6, $0x6;
	v6 =	vld [tilespmem:s10+$0x0]  }
0x105: {  	v17 =	vsel vm4, $0x1, v0;
	v18 =	vsel vm3, $0x1, v0;
	v19 =	vsel vm2, $0x1, v0  }
0x106: {  	v7 =	vadd.s32 v13, v7;
	v13 =	vsel vm1, $0x1, v0;
	v20 =	vsel vm5, $0x1, v0  }
.Ltmp3:
0x107: {  	v10 =	vadd.s32 v16, v10;
	v15 =	vadd.s32 v17, v15;
	v11 =	vadd.s32 v18, v11;
	(pc) =	sbr.rel @p2 .LBB2_3-.Ltmp3, $4  }
0x108: {  	v12 =	vadd.s32 v19, v12;
	v14 =	vadd.s32 v13, v14;
	v8 =	vadd.s32 v20, v8  }
0x109: {  	vm6 =	veq.s32 v6, $0x0;
	vm5 =	veq.s32 v6, $0x1;
	vm1 =	veq.s32 v6, $0x7  }
0x10a: {  	vm4 =	veq.s32 v6, $0x2;
	vm3 =	veq.s32 v6, $0x3;
	v13 =	vsel vm1, $0x1, v0  }
0x10b: {  	s10 =	sshra.s32 s9, $0x2;
	s9 =	sadd.s32 $0x40, s9;
	vm2 =	veq.s32 v6, $0x4;
	vm1 =	veq.s32 v6, $0x5;
	v9 =	vadd.s32 v13, v9  }
0x10c: {  	v13 =	vld [tilespmem:s10+$0x0];
	_ =	sdelay $0x4  }
0x10d: {  	v16 =	vsel vm6, $0x1, v0;
	vm6 =	veq.s32 v13, $0x0  }
0x10e: {  	v7 =	vadd.s32 v16, v7;
	v16 =	vsel vm6, $0x1, v0  }
0x10f: {  	[tilespmem:$0x2080] =	vst v0;
	v18 =	vadd.s32 v16, v7  }
0x110: {  	[tilespmem:$0x2090] =	vst v18  }
0x111: {  	v1 =	vld [tilespmem:$0x2086];
	_ =	sdelay $0x4  }
0x112: {  	[tilespmem:$0x1FEE0] =	vst v1;
	v1 =	vld [tilespmem:$0x2085];
	_ =	sdelay $0x4  }
0x113: {  	[tilespmem:$0x1FEF0] =	vst v1;
	v1 =	vld [tilespmem:$0x2084];
	_ =	sdelay $0x4  }
0x114: {  	[tilespmem:$0x1FF00] =	vst v1;
	v1 =	vld [tilespmem:$0x2083]  }
0x115: {  	v19 =	vld [tilespmem:$0x208F]  }
0x116: {  	v17 =	vld [tilespmem:$0x208E]  }
0x117: {  	v21 =	vld [tilespmem:$0x208D]  }
0x118: {  	v23 =	vld [tilespmem:$0x208C]  }
0x119: {  	[tilespmem:$0x1FF10] =	vst v1;
	v1 =	vld [tilespmem:$0x2082]  }
0x11a: {  	v25 =	vld [tilespmem:$0x208B]  }
0x11b: {  	v27 =	vld [tilespmem:$0x208A]  }
0x11c: {  	v28 =	vsel vm5, $0x1, v0;
	vm5 =	veq.s32 v13, $0x1;
	v29 =	vld [tilespmem:$0x2089]  }
0x11d: {  	v10 =	vadd.s32 v28, v10;
	v26 =	vsel vm5, $0x1, v0;
	v41 =	vld [tilespmem:$0x2088]  }
0x11e: {  	v10 =	vadd.s32 v26, v10;
	[tilespmem:$0x1FF20] =	vst v1;
	v1 =	vld [tilespmem:$0x2081]  }
0x11f: {  	v45 =	vld [tilespmem:$0x2087];
	[tilespmem:$0x2090] =	vst v10  }
0x120: {  	v31 =	vld [tilespmem:$0x208F]  }
0x121: {  	v32 =	vld [tilespmem:$0x208E]  }
0x122: {  	v33 =	vld [tilespmem:$0x208D]  }
0x123: {  	[tilespmem:$0x1FF30] =	vst v1;
	v1 =	vld [tilespmem:$0x2083]  }
0x124: {  	v34 =	vld [tilespmem:$0x208C]  }
0x125: {  	v35 =	vld [tilespmem:$0x208B]  }
0x126: {  	v36 =	vld [tilespmem:$0x208A]  }
0x127: {  	v37 =	vld [tilespmem:$0x2089]  }
0x128: {  	[tilespmem:$0x1FF40] =	vst v1;
	v1 =	vld [tilespmem:$0x2082]  }
0x129: {  	v38 =	vld [tilespmem:$0x2088]  }
0x12a: {  	v39 =	vld [tilespmem:$0x2087]  }
0x12b: {  	v43 =	vsel vm4, $0x1, v0;
	vm4 =	veq.s32 v13, $0x2;
	v40 =	vld [tilespmem:$0x2086]  }
0x12c: {  	v15 =	vadd.s32 v43, v15;
	v30 =	vsel vm4, $0x1, v0;
	v44 =	vld [tilespmem:$0x2085]  }
0x12d: {  	v43 =	vadd.s32 v30, v15;
	v46 =	vld [tilespmem:$0x2084];
	[tilespmem:$0x1FF50] =	vst v1  }
0x12e: {  	v1 =	vld [tilespmem:$0x2081];
	[tilespmem:$0x2090] =	vst v43  }
0x12f: {  	v47 =	vld [tilespmem:$0x208F]  }
0x130: {  	v48 =	vld [tilespmem:$0x208E]  }
0x131: {  	v49 =	vld [tilespmem:$0x208D]  }
0x132: {  	v50 =	vld [tilespmem:$0x208C]  }
0x133: {  	v51 =	vld [tilespmem:$0x208B]  }
0x134: {  	v52 =	vld [tilespmem:$0x208A]  }
0x135: {  	v53 =	vld [tilespmem:$0x2089]  }
0x136: {  	v54 =	vld [tilespmem:$0x2088]  }
0x137: {  	v15 =	vsel vm3, $0x1, v0;
	vm3 =	veq.s32 v13, $0x3;
	v55 =	vld [tilespmem:$0x2087]  }
0x138: {  	v11 =	vadd.s32 v15, v11;
	v15 =	vsel vm3, $0x1, v0;
	v56 =	vld [tilespmem:$0x2086]  }
0x139: {  	vm3 =	veq.s32 v13, $0x4;
	v20 =	vadd.s32 v15, v11;
	v15 =	vsel vm2, $0x1, v0;
	v57 =	vld [tilespmem:$0x2085]  }
0x13a: {  	vm2 =	veq.s32 v6, $0x6;
	v6 =	vsel vm1, $0x1, v0;
	vm1 =	veq.s32 v13, $0x5;
	v58 =	vld [tilespmem:$0x2084]  }
0x13b: {  	v12 =	vadd.s32 v15, v12;
	v6 =	vadd.s32 v6, v14;
	v14 =	vsel vm2, $0x1, v0;
	v59 =	vld [tilespmem:$0x2083]  }
0x13c: {  	v15 =	vsel vm3, $0x1, v0;
	v8 =	vadd.s32 v14, v8;
	v14 =	vadd.s32 v19, v17;
	v60 =	vld [tilespmem:$0x2082]  }
0x13d: {  	v12 =	vadd.s32 v15, v12;
	v15 =	vsel vm1, $0x1, v0;
	v14 =	vadd.s32 v21, v14;
	v61 =	vld [tilespmem:$0x2081];
	[tilespmem:$0x2090] =	vst v20  }
0x13e: {  	v15 =	vadd.s32 v15, v6;
	v6 =	vadd.s32 v23, v14;
	[tilespmem:$0x1FF60] =	vst v1;
	v1 =	vld [tilespmem:$0x2087]  }
0x13f: {  	v6 =	vadd.s32 v25, v6  }
0x140: {  	v6 =	vadd.s32 v27, v6  }
0x141: {  	v6 =	vadd.s32 v29, v6  }
0x142: {  	v6 =	vadd.s32 v41, v6;
	v41 =	vld [tilespmem:$0x1FEE0]  }
0x143: {  	v17 =	vadd.s32 v47, v48;
	[tilespmem:$0x1FF70] =	vst v1;
	v1 =	vld [tilespmem:$0x2086]  }
0x144: {  	v47 =	vld [tilespmem:$0x1FEF0];
	v17 =	vadd.s32 v49, v17  }
0x145: {  	v49 =	vld [tilespmem:$0x1FF00];
	v17 =	vadd.s32 v50, v17  }
0x146: {  	vm2 =	veq.s32 v13, $0x6;
	v50 =	vld [tilespmem:$0x1FF10];
	v17 =	vadd.s32 v51, v17  }
0x147: {  	v14 =	vsel vm2, $0x1, v0;
	v17 =	vadd.s32 v52, v17;
	v52 =	vld [tilespmem:$0x1FF20]  }
0x148: {  	v14 =	vadd.s32 v14, v8;
	v6 =	vadd.s32 v45, v6;
	v17 =	vadd.s32 v53, v17;
	[tilespmem:$0x1FF80] =	vst v1;
	v1 =	vld [tilespmem:$0x2085]  }
0x149: {  	v6 =	vadd.s32 v41, v6;
	v8 =	vadd.s32 v31, v32;
	v17 =	vadd.s32 v54, v17;
	v54 =	vld [tilespmem:$0x1FF30]  }
0x14a: {  	v8 =	vadd.s32 v33, v8;
	v6 =	vadd.s32 v47, v6  }
0x14b: {  	v8 =	vadd.s32 v34, v8;
	v6 =	vadd.s32 v49, v6  }
0x14c: {  	v8 =	vadd.s32 v35, v8;
	v62 =	vld [tilespmem:$0x208F];
	v6 =	vadd.s32 v50, v6  }
0x14d: {  	v8 =	vadd.s32 v36, v8;
	v6 =	vadd.s32 v52, v6;
	[tilespmem:$0x1FF90] =	vst v1;
	v1 =	vld [tilespmem:$0x2084]  }
0x14e: {  	v8 =	vadd.s32 v37, v8;
	v63 =	vld [tilespmem:$0x208E];
	v17 =	vadd.s32 v55, v17;
	v6 =	vadd.s32 v54, v6  }
0x14f: {  	v8 =	vadd.s32 v38, v8;
	v17 =	vadd.s32 v56, v17;
	v56 =	vld [tilespmem:$0x1FF40];
	v18 =	vadd.s32 v18, v6  }
0x150: {  	v8 =	vadd.s32 v39, v8;
	(v2sf) =	vpush v18, $0xF;
	v18 =	vld [tilespmem:$0x1FF50]  }
0x151: {  	v8 =	vadd.s32 v40, v8;
	v22 =	vld [tilespmem:$0x208D]  }
0x152: {  	v8 =	vadd.s32 v44, v8;
	[tilespmem:$0x1FFA0] =	vst v1;
	v1 =	vld [tilespmem:$0x2083]  }
0x153: {  	v8 =	vadd.s32 v46, v8;
	v24 =	vld [tilespmem:$0x208C];
	v17 =	vadd.s32 v57, v17  }
0x154: {  	v26 =	vld [tilespmem:$0x208B];
	v17 =	vadd.s32 v58, v17;
	v8 =	vadd.s32 v56, v8  }
0x155: {  	v8 =	vadd.s32 v18, v8;
	v18 =	vadd.s32 v59, v17;
	v17 =	vld [tilespmem:$0x1FF60]  }
0x156: {  	v28 =	vld [tilespmem:$0x208A]  }
0x157: {  	[tilespmem:$0x1FFB0] =	vst v1;
	v1 =	vld [tilespmem:$0x2082]  }
0x158: {  	v30 =	vld [tilespmem:$0x2089]  }
0x159: {  	v42 =	vld [tilespmem:$0x2088]  }
0x15a: {  	v17 =	vadd.s32 v17, v8;
	v8 =	vadd.s32 v60, v18;
	v18 =	vadd.s32 v62, v63;
	v62 =	vld [tilespmem:$0x1FF80]  }
0x15b: {  	v63 =	vld [tilespmem:$0x1FF90]  }
0x15c: {  	v8 =	vadd.s32 v61, v8;
	v61 =	vld [tilespmem:$0x1FF70];
	[tilespmem:$0x1FFC0] =	vst v1  }
0x15d: {  	v1 =	vld [tilespmem:$0x2081];
	[tilespmem:$0x2090] =	vst v12  }
0x15e: {  	v2 =	vld [tilespmem:$0x208F]  }
0x15f: {  	v7 =	vld [tilespmem:$0x208D]  }
0x160: {  	v11 =	vld [tilespmem:$0x208C]  }
0x161: {  	v16 =	vld [tilespmem:$0x208B]  }
0x162: {  	v19 =	vld [tilespmem:$0x208A]  }
0x163: {  	[tilespmem:$0x1FFD0] =	vst v1;
	v1 =	vld [tilespmem:$0x208E]  }
0x164: {  	v21 =	vld [tilespmem:$0x2089]  }
0x165: {  	v23 =	vld [tilespmem:$0x2088]  }
0x166: {  	v25 =	vld [tilespmem:$0x2087]  }
0x167: {  	v27 =	vld [tilespmem:$0x2086]  }
0x168: {  	v29 =	vld [tilespmem:$0x2085];
	v1 =	vadd.s32 v2, v1  }
0x169: {  	v10 =	vadd.s32 v10, v17;
	v31 =	vld [tilespmem:$0x2084];
	v1 =	vadd.s32 v7, v1  }
0x16a: {  	v18 =	vadd.s32 v22, v18;
	(v2sf) =	vpush v10, $0xF;
	v32 =	vld [tilespmem:$0x2083];
	v1 =	vadd.s32 v11, v1  }
0x16b: {  	v10 =	vadd.s32 v43, v8;
	v18 =	vadd.s32 v24, v18;
	v45 =	vld [tilespmem:$0x2082];
	v1 =	vadd.s32 v16, v1  }
0x16c: {  	(v2sf) =	vpush v10, $0xF;
	v10 =	vadd.s32 v26, v18;
	v48 =	vld [tilespmem:$0x2081];
	[tilespmem:$0x2090] =	vst v15;
	v1 =	vadd.s32 v19, v1  }
0x16d: {  	v10 =	vadd.s32 v28, v10;
	v51 =	vld [tilespmem:$0x208F];
	v1 =	vadd.s32 v21, v1  }
0x16e: {  	v10 =	vadd.s32 v30, v10;
	v1 =	vadd.s32 v23, v1;
	v23 =	vld [tilespmem:$0x1FFA0]  }
0x16f: {  	v10 =	vadd.s32 v42, v10;
	v53 =	vld [tilespmem:$0x208E]  }
0x170: {  	v10 =	vadd.s32 v61, v10;
	v55 =	vld [tilespmem:$0x208D]  }
0x171: {  	v10 =	vadd.s32 v62, v10;
	v57 =	vld [tilespmem:$0x208C]  }
0x172: {  	v10 =	vadd.s32 v63, v10;
	v58 =	vld [tilespmem:$0x208B]  }
0x173: {  	v10 =	vadd.s32 v23, v10;
	v23 =	vld [tilespmem:$0x1FFB0]  }
0x174: {  	v59 =	vld [tilespmem:$0x208A]  }
0x175: {  	v22 =	vld [tilespmem:$0x2089]  }
0x176: {  	v60 =	vld [tilespmem:$0x2088]  }
0x177: {  	v18 =	vld [tilespmem:$0x2086]  }
0x178: {  	v10 =	vadd.s32 v23, v10;
	v23 =	vld [tilespmem:$0x1FFC0]  }
0x179: {  	v2 =	vld [tilespmem:$0x2087];
	v7 =	vadd.s32 v51, v53  }
0x17a: {  	v7 =	vadd.s32 v55, v7;
	v11 =	vld [tilespmem:$0x2085]  }
0x17b: {  	v7 =	vadd.s32 v57, v7;
	v16 =	vld [tilespmem:$0x2084]  }
0x17c: {  	v7 =	vadd.s32 v58, v7;
	v19 =	vld [tilespmem:$0x2083]  }
0x17d: {  	v7 =	vadd.s32 v59, v7;
	v10 =	vadd.s32 v23, v10;
	v23 =	vld [tilespmem:$0x1FFD0]  }
0x17e: {  	v21 =	vld [tilespmem:$0x2082];
	v7 =	vadd.s32 v22, v7  }
0x17f: {  	v22 =	vld [tilespmem:$0x2081];
	[tilespmem:$0x2090] =	vst v14;
	v1 =	vadd.s32 v25, v1;
	v7 =	vadd.s32 v60, v7  }
0x180: {  	v1 =	vadd.s32 v27, v1;
	v2 =	vadd.s32 v2, v7;
	v7 =	vld [tilespmem:$0x208F]  }
0x181: {  	v1 =	vadd.s32 v29, v1;
	v2 =	vadd.s32 v18, v2;
	v18 =	vld [tilespmem:$0x208E]  }
0x182: {  	v1 =	vadd.s32 v31, v1;
	v2 =	vadd.s32 v11, v2;
	v10 =	vadd.s32 v23, v10;
	v23 =	vld [tilespmem:$0x208D]  }
0x183: {  	v1 =	vadd.s32 v32, v1;
	v2 =	vadd.s32 v16, v2;
	v16 =	vld [tilespmem:$0x208C]  }
0x184: {  	v1 =	vadd.s32 v45, v1;
	v2 =	vadd.s32 v19, v2;
	v19 =	vld [tilespmem:$0x208B];
	v11 =	vadd.s32 v20, v10  }
0x185: {  	s9 =	spop (v2sf);
	(v2sf) =	vpush v11, $0xF;
	v11 =	vadd.s32 v48, v1;
	v1 =	vadd.s32 v21, v2;
	v2 =	vld [tilespmem:$0x208A]  }
0x186: {  	s1 =	sadd.s32 $0x27F, s9;
	v7 =	vadd.s32 v7, v18;
	v20 =	vadd.s32 v12, v11;
	v12 =	vadd.s32 v22, v1;
	v1 =	vld [tilespmem:$0x2089]  }
0x187: {  	s14 =	smulhi.u32 $0x66666667, s1;
	s15 =	sshra.s32 s1, $0x1F;
	v18 =	vld [tilespmem:$0x2088];
	(v2sf) =	vpush v20, $0xF;
	v15 =	vadd.s32 v15, v12;
	v7 =	vadd.s32 v23, v7  }
0x188: {  	s15 =	smul.u32 $0x66666667, s15;
	(v2sf) =	vpush v15, $0xF;
	v15 =	vld [tilespmem:$0x2087];
	v7 =	vadd.s32 v16, v7  }
0x189: {  	v16 =	vld [tilespmem:$0x2086];
	v7 =	vadd.s32 v19, v7  }
0x18a: {  	s14 =	sadd.s32 s15, s14;
	v19 =	vld [tilespmem:$0x2085];
	v2 =	vadd.s32 v2, v7  }
0x18b: {  	vm1 =	veq.s32 v13, $0x7;
	s15 =	sshrl.u32 s14, $0x1F;
	s14 =	sshra.s32 s14, $0x8;
	v7 =	vld [tilespmem:$0x2084];
	v1 =	vadd.s32 v1, v2  }
0x18c: {  	v13 =	vsel vm1, $0x1, v0;
	s15 =	sadd.s32 s15, s14;
	s16 =	spop (v2sf);
	v2 =	vld [tilespmem:$0x2083];
	v1 =	vadd.s32 v18, v1  }
0x18d: {  	s9 =	ssub.s32 $0xFFFFFD81, s9;
	s28 =	smul.u32 $0xFFFFFD80, s15;
	s30 =	sadd.s32 $0x27F, s16;
	v20 =	vadd.s32 v13, v9;
	v18 =	vld [tilespmem:$0x2082];
	v1 =	vadd.s32 v15, v1  }
0x18e: {  	p2 =	slt.s32 s1, $0x1;
	s29 =	smulhi.u32 $0x66666667, s30;
	s17 =	sshra.s32 s30, $0x1F;
	v9 =	vld [tilespmem:$0x2081];
	[tilespmem:$0x2090] =	vst v20;
	v1 =	vadd.s32 v16, v1  }
0x18f: {  	p3 =	sne.s32 s28, s9;
	s14 =	spop (v2sf);
	s17 =	smul.u32 $0x66666667, s17;
	v13 =	vld [tilespmem:$0x208F];
	v1 =	vadd.s32 v19, v1  }
0x190: {  	p2 =	por !p2, !p3;
	s31 =	sadd.s32 $0x27F, s14;
	v1 =	vadd.s32 v7, v1;
	v7 =	vld [tilespmem:$0x208E]  }
0x191: {  	p2 =	por !p2, !p2;
	s1 =	sshra.s32 s31, $0x1F;
	s18 =	sadd.s32 s17, s29;
	v1 =	vadd.s32 v2, v1;
	v2 =	vld [tilespmem:$0x208D]  }
0x192: {  	s1 =	smul.u32 $0x66666667, s1;
	s17 =	sshrl.u32 s18, $0x1F;
	s9 =	sshra.s32 s18, $0x8;
	v15 =	vld [tilespmem:$0x208C];
	v1 =	vadd.s32 v18, v1  }
0x193: {  	s18 =	smulhi.u32 $0x66666667, s31;
	s17 =	sadd.s32 s17, s9;
	s9 =	simm.s32 $0x1;
	v9 =	vadd.s32 v9, v1;
	v1 =	vld [tilespmem:$0x208B]  }
0x194: {  	s21 =	smul.u32 $0xFFFFFD80, s17;
	s9 =	simm.s32 @!p2 $0x0;
	v16 =	vld [tilespmem:$0x208A];
	v14 =	vadd.s32 v14, v9  }
0x195: {  	s16 =	ssub.s32 $0xFFFFFD81, s16;
	p4 =	slt.s32 s30, $0x1;
	s0 =	ssub.s32 s15, s9;
	(v2sf) =	vpush v14, $0xF;
	v7 =	vadd.s32 v13, v7;
	v13 =	vld [tilespmem:$0x2089]  }
0x196: {  	s1 =	sadd.s32 s1, s18;
	s9 =	smul.u32 $0x280, s0;
	p5 =	sne.s32 s21, s16;
	v2 =	vadd.s32 v2, v7;
	v7 =	vld [tilespmem:$0x2088]  }
0x197: {  	s16 =	sshrl.u32 s1, $0x1F;
	s1 =	sshra.s32 s1, $0x8;
	s10 =	spop (v2sf);
	v14 =	vld [tilespmem:$0x2087];
	v2 =	vadd.s32 v15, v2  }
0x198: {  	s0 =	sadd.s32 s0, s17;
	s17 =	simm.s32 $0x1;
	s18 =	sadd.s32 $0x27F, s10;
	v1 =	vadd.s32 v1, v2;
	v2 =	vld [tilespmem:$0x2086]  }
0x199: {  	p2 =	por !p4, !p5;
	s28 =	smulhi.u32 $0x66666667, s18;
	s21 =	sshra.s32 s18, $0x1F;
	v15 =	vld [tilespmem:$0x2085];
	v1 =	vadd.s32 v16, v1  }
0x19a: {  	s1 =	sadd.s32 s16, s1;
	p2 =	por !p2, !p2;
	s16 =	smul.u32 $0x66666667, s21;
	v1 =	vadd.s32 v13, v1;
	v13 =	vld [tilespmem:$0x2084]  }
0x19b: {  	s14 =	ssub.s32 $0xFFFFFD81, s14;
	s17 =	simm.s32 @!p2 $0x0;
	s21 =	smul.u32 $0xFFFFFD80, s1;
	v1 =	vadd.s32 v7, v1;
	v7 =	vld [tilespmem:$0x2083]  }
0x19c: {  	p6 =	slt.s32 s31, $0x1;
	s0 =	ssub.s32 s0, s17;
	s16 =	sadd.s32 s16, s28;
	v1 =	vadd.s32 v14, v1;
	v14 =	vld [tilespmem:$0x2082]  }
0x19d: {  	p4 =	sne.s32 s21, s14;
	s31 =	sshrl.u32 s16, $0x1F;
	s16 =	sshra.s32 s16, $0x8;
	v1 =	vadd.s32 v2, v1;
	v2 =	vld [tilespmem:$0x2081]  }
0x19e: {  	s17 =	simm.s32 $0x1;
	p4 =	por !p6, !p4;
	s14 =	sadd.s32 s31, s16;
	v1 =	vadd.s32 v15, v1  }
0x19f: {  	s10 =	ssub.s32 $0xFFFFFD81, s10;
	p2 =	por !p4, !p4;
	s16 =	smul.u32 $0xFFFFFD80, s14;
	v1 =	vadd.s32 v13, v1  }
0x1a0: {  	s29 =	spop (v2sf);
	s1 =	sadd.s32 s0, s1;
	s17 =	simm.s32 @!p2 $0x0;
	v1 =	vadd.s32 v7, v1  }
0x1a1: {  	s17 =	ssub.s32 s1, s17;
	p6 =	sne.s32 s16, s10;
	s10 =	smul.u32 $0x280, s0;
	v1 =	vadd.s32 v14, v1  }
0x1a2: {  	s30 =	simm.s32 $0x1;
	s1 =	sadd.s32 $0x27F, s29;
	s28 =	smul.u32 $0x280, s17;
	v13 =	vadd.s32 v2, v1  }
0x1a3: {  	p5 =	slt.s32 s18, $0x1;
	s15 =	spop (v2sf);
	s16 =	smulhi.u32 $0x66666667, s1;
	v1 =	vadd.s32 v20, v13  }
0x1a4: {  	s21 =	sshra.s32 s1, $0x1F;
	s0 =	sadd.s32 s17, s14;
	s18 =	spop (v2sf);
	(v2sf) =	vpush v1, $0xF  }
0x1a5: {  	s17 =	sadd.s32 $0x27F, s15;
	p2 =	por !p5, !p6;
	s14 =	smul.u32 $0x66666667, s21  }
0x1a6: {  	s31 =	smulhi.u32 $0x66666667, s17;
	s21 =	sshra.s32 s17, $0x1F;
	p2 =	por !p2, !p2  }
0x1a7: {  	s30 =	simm.s32 @!p2 $0x0;
	s14 =	sadd.s32 s14, s16;
	s16 =	smul.u32 $0x66666667, s21  }
0x1a8: {  	s0 =	ssub.s32 s0, s30;
	s21 =	sshrl.u32 s14, $0x1F;
	s30 =	sshra.s32 s14, $0x8  }
0x1a9: {  	s21 =	sadd.s32 s21, s30;
	s16 =	sadd.s32 s16, s31  }
0x1aa: {  	s30 =	smul.u32 $0xFFFFFD80, s21;
	s31 =	sshrl.u32 s16, $0x1F;
	s16 =	sshra.s32 s16, $0x8  }
0x1ab: {  	s29 =	ssub.s32 $0xFFFFFD81, s29;
	p4 =	slt.s32 s1, $0x1;
	s16 =	sadd.s32 s31, s16  }
0x1ac: {  	p5 =	sne.s32 s30, s29;
	s1 =	smul.u32 $0xFFFFFD80, s16;
	s29 =	sadd.s32 $0x27F, s18  }
0x1ad: {  	s30 =	smulhi.u32 $0x66666667, s29;
	s31 =	sshra.s32 s29, $0x1F  }
0x1ae: {  	s15 =	ssub.s32 $0xFFFFFD81, s15;
	p3 =	slt.s32 s17, $0x1;
	s31 =	smul.u32 $0x66666667, s31  }
0x1af: {  	s14 =	smul.u32 $0x280, s0;
	s0 =	sadd.s32 s0, s21;
	s18 =	ssub.s32 $0xFFFFFD81, s18  }
0x1b0: {  	p2 =	por !p4, !p5;
	p6 =	sne.s32 s1, s15;
	s1 =	sadd.s32 s31, s30  }
0x1b1: {  	p5 =	slt.s32 s29, $0x1;
	s21 =	sshrl.u32 s1, $0x1F;
	s1 =	sshra.s32 s1, $0x8  }
0x1b2: {  	p2 =	por !p2, !p2;
	s15 =	simm.s32 $0x1;
	s1 =	sadd.s32 s21, s1  }
0x1b3: {  	s15 =	simm.s32 @!p2 $0x0;
	s17 =	smul.u32 $0xFFFFFD80, s1;
	s21 =	spop (v2sf)  }
0x1b4: {  	p2 =	por !p3, !p6;
	s0 =	ssub.s32 s0, s15;
	s31 =	sadd.s32 $0x27F, s21  }
0x1b5: {  	p6 =	sne.s32 s17, s18;
	s17 =	smulhi.u32 $0x66666667, s31;
	s29 =	sshra.s32 s31, $0x1F  }
0x1b6: {  	p2 =	por !p2, !p2;
	s15 =	simm.s32 $0x1;
	s18 =	smul.u32 $0x66666667, s29  }
0x1b7: {  	s15 =	simm.s32 @!p2 $0x0;
	s16 =	sadd.s32 s0, s16  }
0x1b8: {  	v22 =	vld [tilespmem:$0x1FFE0];
	s30 =	ssub.s32 s16, s15;
	s16 =	sadd.s32 s18, s17  }
0x1b9: {  	s18 =	sshrl.u32 s16, $0x1F;
	s15 =	sshra.s32 s16, $0x8  }
0x1ba: {  	s29 =	smul.u32 $0x280, s0;
	s0 =	sadd.s32 s18, s15  }
0x1bb: {  	p4 =	por !p5, !p6;
	s15 =	smul.u32 $0xFFFFFD80, s0  }
0x1bc: {  	v2 =	vmov s10;
	v1 =	vmov s9;
	p2 =	por !p4, !p4;
	s21 =	ssub.s32 $0xFFFFFD81, s21  }
0x1bd: {  	vm2 =	vlt.s32 v2, v22;
	vm1 =	vlt.s32 v1, v22;
	p6 =	slt.s32 s31, $0x1;
	s17 =	simm.s32 $0x1;
	p5 =	sne.s32 s15, s21  }
0x1be: {  	v7 =	vmov s28;
	v20 =	vsel vm2, $0x1, v0;
	v19 =	vsel vm1, $0x1, v0;
	s1 =	sadd.s32 s30, s1;
	s17 =	simm.s32 @!p2 $0x0;
	p2 =	por !p6, !p5  }
0x1bf: {  	v14 =	vmov s14;
	vm1 =	vlt.s32 v7, v22;
	v19 =	vadd.s32 v19, v20;
	s1 =	ssub.s32 s1, s17;
	s15 =	simm.s32 $0x1;
	p2 =	por !p2, !p2  }
0x1c0: {  	v20 =	vsel vm1, $0x1, v0;
	vm1 =	vlt.s32 v14, v22;
	v15 =	vmov s29;
	s16 =	smul.u32 $0x280, s30;
	s0 =	sadd.s32 s1, s0;
	s15 =	simm.s32 @!p2 $0x0  }
0x1c1: {  	v19 =	vadd.s32 v20, v19;
	v20 =	vsel vm1, $0x1, v0;
	vm1 =	vlt.s32 v15, v22;
	s18 =	smul.u32 $0x280, s1;
	s0 =	ssub.s32 s0, s15  }
0x1c2: {  	v19 =	vadd.s32 v20, v19;
	v20 =	vsel vm1, $0x1, v0;
	v16 =	vmov s16;
	s0 =	smul.u32 $0x280, s0  }
0x1c3: {  	v19 =	vadd.s32 v20, v19;
	vm1 =	vlt.s32 v16, v22;
	v18 =	vmov s18  }
0x1c4: {  	v20 =	vsel vm1, $0x1, v0;
	vm1 =	vlt.s32 v18, v22;
	v21 =	vmov s0  }
0x1c5: {  	v19 =	vadd.s32 v20, v19;
	v20 =	vsel vm1, $0x1, v0;
	vm1 =	vlt.s32 v21, v22;
	v22 =	vld [tilespmem:$0x1FFF0];
	_ =	sdelay $0x3  }
0x1c6: {  	v19 =	vadd.s32 v20, v19  }
0x1c7: {  	v20 =	vsel vm1, $0x1, v0;
	vm1 =	vlt.s32 v1, v22;
	vm2 =	vlt.s32 v2, v22  }
0x1c8: {  	v1 =	vsel vm1, $0x1, v0;
	v2 =	vsel vm2, $0x1, v0;
	vm1 =	vlt.s32 v7, v22  }
0x1c9: {  	v1 =	vadd.s32 v1, v2;
	v2 =	vsel vm1, $0x1, v0;
	vm1 =	vlt.s32 v14, v22  }
0x1ca: {  	v1 =	vadd.s32 v2, v1;
	v2 =	vsel vm1, $0x1, v0;
	vm1 =	vlt.s32 v15, v22  }
0x1cb: {  	v1 =	vadd.s32 v2, v1;
	v2 =	vsel vm1, $0x1, v0;
	vm1 =	vlt.s32 v16, v22  }
0x1cc: {  	v1 =	vadd.s32 v2, v1;
	v2 =	vsel vm1, $0x1, v0;
	vm1 =	vlt.s32 v18, v22  }
0x1cd: {  	v1 =	vadd.s32 v2, v1;
	v2 =	vsel vm1, $0x1, v0;
	vm1 =	vlt.s32 v21, v22  }
0x1ce: {  	v7 =	vadd.s32 v20, v19;
	v1 =	vadd.s32 v2, v1;
	v2 =	vsel vm1, $0x1, v0  }
0x1cf: {  	[tilespmem:$0x2000] =	vst v7;
	v1 =	vadd.s32 v2, v1  }
0x1d0: {  	s15 =	simm.s32 $0x0;
	[tilespmem:$0x2010] =	vst v1  }
0x1d1: {  	v1 =	vld [tilespmem:s15+$0x0];
	_ =	sdelay $0x3  }
0x1d2: {  	v9 =	vadd.s32 s16, v9;
	v14 =	vadd.s32 s10, v8  }
0x1d3: {  	v7 =	vadd.s32 s14, v11;
	v15 =	vadd.s32 s28, v10;
	vm1 =	veq.s32 v1, $0x0  }
0x1d4: {  	v2 =	vadd.s32 s9, v17;
	vm2 =	veq.s32 v1, $0x1;
	v10 =	vnsel vm1, $0x0, v6  }
0x1d5: {  	v8 =	vadd.s32 s29, v12;
	vm3 =	veq.s32 v1, $0x2;
	v11 =	vsel vm2, v2, v10  }
0x1d6: {  	s9 =	simm.s32 $0x10;
	vm4 =	veq.s32 v1, $0x3;
	vm5 =	veq.s32 v1, $0x7;
	v11 =	vsel vm3, v14, v11  }
0x1d7: {  	v17 =	vsel vm1, $0x1, v0;
	v10 =	vadd.s32 s18, v13;
	v13 =	vsel vm4, v15, v11;
	v11 =	vld [tilespmem:s9+$0x0]  }
0x1d8: {  	v12 =	vsel vm2, $0x1, v0;
	v16 =	vsel vm3, $0x1, v0;
	v18 =	vsel vm4, $0x1, v0  }
0x1d9: {  	vm1 =	vmmov vm5;
	v17 =	vadd.s32 v17, v6;
	v14 =	vadd.s32 v16, v14  }
0x1da: {  	v16 =	vadd.s32 v12, v2;
	vm3 =	veq.s32 v1, $0x6;
	v15 =	vadd.s32 v18, v15  }
0x1db: {  	v18 =	vsel vm5, $0x1, v0;
	vm4 =	veq.s32 v1, $0x5;
	vm5 =	veq.s32 v1, $0x4  }
0x1dc: {  	v2 =	vsel vm3, $0x1, v0;
	v12 =	vadd.s32 v18, v10;
	vm9 =	veq.s32 v11, $0x0  }
0x1dd: {  	v6 =	vadd.s32 v2, v9;
	vm6 =	veq.s32 v11, $0x1;
	v1 =	vnsel vm9, $0x0, v17  }
0x1de: {  	v18 =	vsel vm4, $0x1, v0;
	vm7 =	veq.s32 v11, $0x2;
	v1 =	vsel vm6, v16, v1  }
0x1df: {  	v20 =	vsel vm5, $0x1, v0;
	vm8 =	veq.s32 v11, $0x3;
	v1 =	vsel vm7, v14, v1  }
0x1e0: {  	s10 =	simm.s32 $0x80;
	vm2 =	veq.s32 v11, $0x7;
	v19 =	vsel vm9, $0x1, v0;
	v21 =	vsel vm8, v15, v1  }
.LBB2_5:
0x1e1: {  	s0 =	sshra.s32 s10, $0x2;
	p2 =	sne.s32 s10, $0x3FC0;
	s10 =	sadd.s32 $0x40, s10;
	v1 =	vsel vm6, $0x1, v0;
	v2 =	vsel vm7, $0x1, v0;
	v22 =	vsel vm5, v7, v13;
	v13 =	vmovc v21  }
0x1e2: {  	v21 =	vld [tilespmem:s0+$0x0];
	v14 =	vadd.s32 v2, v14;
	v2 =	vsel vm8, $0x1, v0;
	v22 =	vsel vm4, v8, v22  }
0x1e3: {  	v7 =	vadd.s32 v20, v7;
	v15 =	vadd.s32 v2, v15;
	v2 =	vsel vm3, v9, v22;
	v9 =	vmovc v6  }
0x1e4: {  	v16 =	vadd.s32 v1, v16;
	v1 =	vsel vm2, $0x1, v0;
	v2 =	vsel vm1, v10, v2;
	v10 =	vmovc v12  }
0x1e5: {  	v8 =	vadd.s32 v18, v8;
	v12 =	vadd.s32 v1, v12;
	vm1 =	vmmov vm2;
	[tilespmem:s15+$0x1000] =	vst v2;
	s15 =	smov.u32 s9;
	s9 =	smov.u32 s0  }
0x1e6: {  	v17 =	vadd.s32 v19, v17;
	vm4 =	veq.s32 v11, $0x5;
	vm3 =	veq.s32 v11, $0x6  }
.Ltmp4:
0x1e7: {  	vm5 =	veq.s32 v11, $0x4;
	vm9 =	veq.s32 v21, $0x0;
	vm2 =	veq.s32 v21, $0x7;
	v11 =	vmovc v21;
	(pc) =	sbr.rel @p2 .LBB2_5-.Ltmp4, $4  }
0x1e8: {  	v2 =	vsel vm3, $0x1, v0;
	v1 =	vnsel vm9, $0x0, v17;
	vm6 =	veq.s32 v11, $0x1  }
0x1e9: {  	v6 =	vadd.s32 v2, v6;
	vm7 =	veq.s32 v11, $0x2;
	v1 =	vsel vm6, v16, v1  }
0x1ea: {  	v18 =	vsel vm4, $0x1, v0;
	vm8 =	veq.s32 v11, $0x3;
	v1 =	vsel vm7, v14, v1  }
0x1eb: {  	v20 =	vsel vm5, $0x1, v0;
	v19 =	vsel vm9, $0x1, v0;
	v21 =	vsel vm8, v15, v1  }
0x1ec: {  	v1 =	vsel vm5, v7, v13  }
0x1ed: {  	v2 =	vadd.s32 v20, v7;
	vm14 =	veq.s32 v11, $0x4;
	v7 =	vadd.s32 v18, v8  }
0x1ee: {  	vm15 =	veq.s32 v11, $0x5;
	v1 =	vsel vm4, v8, v1;
	v2 =	vsel vm14, v2, v21  }
0x1ef: {  	v1 =	vsel vm3, v9, v1;
	vm3 =	veq.s32 v11, $0x6;
	v2 =	vsel vm15, v7, v2  }
0x1f0: {  	v1 =	vsel vm1, v10, v1;
	vm1 =	vmmov vm2;
	v2 =	vsel vm3, v6, v2  }
0x1f1: {  	[tilespmem:s15+$0x1000] =	vst v1;
	v1 =	vsel vm1, v12, v2  }
0x1f2: {  	s0 =	rddreg [dreg:$0x3];
	s1 =	simm.s32 $0x1000;
	s31 =	simm.s32 $0x5;
	[tilespmem:s9+$0x1000] =	vst v1  }
0x1f3: {  	[spmem:s0] =	stream.linear.scatter [tilespmem:s1], [sflag:$0x5], $0x1000, $0x38;
	[tilespmem:$0x12300] =	vst v63  }
0x1f4: {  	_ =	swait.ge [sflag:s31], $0x1000  }
0x1f5: {  	s0 =	simm.s32 @!p1 $0x0;
	[sflag:s31] =	ssyncset.done $0x0  }
0x1f6: {  	s1 =	simm.s32 @!p1 $0x1000;
	s9 =	rddreg [dreg:$0x5];
	[sflag:s31] =	ssyncadd.s32 $0xFFFFF000  }
0x1f7: {  	[hbm4b:s9+s0] =	stream.linear.scatter @!p1 [tilespmem:s1], [sflag:$0x5], $0x1000, $0x38;
	[tilespmem:$0x12300] =	vst v63  }
0x1f8: {  	s1 =	simm.s32 @!p1 $0x5  }
0x1f9: {  	_ =	swait.ge @!p1 [sflag:s1], $0x1000  }
0x1fa: {  	s9 =	simm.s32 @!p1 $0x2000;
	[sflag:s1] =	ssyncset.done @!p1 $0x0  }
.Ltmp5:
0x1fb: {  	s10 =	rddreg [dreg:$0x6];
	[sflag:s1] =	ssyncadd.s32 @!p1 $0xFFFFF000;
	(pc) =	sbr.rel .LBB2_7-.Ltmp5, $4  }
0x1fc: {  	[hbm4b:s10+s0] =	stream.linear.scatter @!p1 [tilespmem:s9], [sflag:$0x5], $0x80, $0x38;
	[tilespmem:$0x12300] =	vst v63  }
0x1fd: {  	_ =	swait.ge @!p1 [sflag:s1], $0x80  }
0x1fe: {  	[sflag:s1] =	ssyncset.done @!p1 $0x0  }
0x1ff: {  	s10 =	smov.u32 s2;
	[sflag:s1] =	ssyncadd.s32 @!p1 $0xFFFFFF80  }
.LBB2_8:
0x200: {  	_ =	sfence.sel $0x180000  }
0x201: {  	[bflag:$0x0] =	sbarrier.arrive $0xFFFF  }
0x202: {  	_ =	strace $0x90000047  }
0x203: {  	[bflag:$0x2] =	sbarrier.arrive $0xFFFF  }
0x204: {  	s0 =	rddreg [dreg:$0x4]  }
0x205: {  	s0 =	sadd.s32 @!p0 $0x100000, s0  }
0x206: {  	[sflag:s0] =	ssyncadd.tile.s32 @!p0 $0x1;
	_ =	shalt  }
.Lfunc_end2:
_tile_overlayer_lowered:
.L_overlay_start_2:
0x207: {  	(tag) =	ssettag $0x2  }
0x208: {  	s0 =	rddreg [dreg:$0x0];
	s2 =	stileid.u32  }
0x209: {  	s1 =	rddreg [dreg:$0x1];
	p0 =	sne.s32 s2, $0x0  }
0x20a: {  	s3 =	rddreg [dreg:$0x2];
	[bflag:$0x3] =	sbarrier.arrive $0xFFFF;
	s2 =	simm.s32 @!p0 $0x1C05  }
0x20b: {  	[timem:s3], [sflag:s2] =	dma.local @!p0 [hbm:s0], s1  }
0x20c: {  	s0 =	simm.s32 @!p0 $0x5  }
0x20d: {  	_ =	swait.ge @!p0 [sflag:s0], s1  }
0x20e: {  	s1 =	ssub.s32 @!p0 $0x0, s1;
	[sflag:s0] =	ssyncset.done @!p0 $0x0  }
0x20f: {  	[sflag:s0] =	ssyncadd.s32 @!p0 s1  }
0x210: {  	[bflag:$0x3] =	sbarrier.arrive $0xFFFF  }
0x211: {  	_ =	shalt  }

</sc_bundles>
